<compile_context>
chip_gen: v7x
topology: tpu7x:2x2x1
jax: 0.10.2.dev20260603
libtpu: 0.0.44.dev20260713+nightly
codegen_flags: <defaults>
</compile_context>

<pallas_src>
import functools

import jax
import jax.numpy as jnp
from jax import lax
from jax.experimental import pallas as pl
from jax.experimental.pallas import tpu as pltpu
from jax.experimental.pallas import tpu_sc as plsc

BATCH = 16384
EMB = 64
WORDS = EMB // 2
NC = 2
NS = 16
NW = NC * NS
BPW = BATCH // NW
CHUNK = 128
NCHUNK = BPW // CHUNK
LANES = 16
NGROUP = BPW // LANES

_mesh = plsc.VectorSubcoreMesh(core_axis_name="c", subcore_axis_name="s")


@functools.partial(
    pl.kernel,
    out_type=jax.ShapeDtypeStruct((NW, BPW), jnp.float32),
    mesh=_mesh,
    compiler_params=pltpu.CompilerParams(
        needs_layout_passes=False,
        use_tc_tiling_on_sc=False,
    ),
    scratch_types=[
        pltpu.VMEM((NCHUNK, CHUNK), jnp.int32),
        pltpu.VMEM((NCHUNK, CHUNK), jnp.int32),
        pltpu.VMEM((BPW, WORDS), jnp.int32),
        pltpu.VMEM((BPW, WORDS), jnp.int32),
        pltpu.VMEM((BPW,), jnp.float32),
        pltpu.SemaphoreType.DMA,
    ],
)
def _mf_dot_kernel(u_id_hbm, i_id_hbm, user_hbm, item_hbm, out_hbm,
                   uid_v, iid_v, urows_v, irows_v, out_v, sem):
    wid = lax.axis_index("s") * NC + lax.axis_index("c")

    pltpu.sync_copy(u_id_hbm.at[pl.ds(wid * NCHUNK, NCHUNK)], uid_v)
    pltpu.sync_copy(i_id_hbm.at[pl.ds(wid * NCHUNK, NCHUNK)], iid_v)

    copies = []
    for c in range(NCHUNK):
        dst = urows_v.at[pl.ds(c * CHUNK, CHUNK)]
        copies.append(pltpu.async_copy(user_hbm.at[uid_v.at[c]], dst, sem))
        dst = irows_v.at[pl.ds(c * CHUNK, CHUNK)]
        copies.append(pltpu.async_copy(item_hbm.at[iid_v.at[c]], dst, sem))
    for cp in copies:
        cp.wait()

    lane = lax.iota(jnp.int32, LANES)

    def group_body(g, carry):
        rows = g * LANES + lane
        acc = jnp.zeros((LANES,), jnp.float32)
        for w in range(WORDS):
            cols = (lane + w) & (WORDS - 1)
            uw = plsc.load_gather(urows_v, [rows, cols])
            iw = plsc.load_gather(irows_v, [rows, cols])
            ulo, uhi = plsc.unpack(plsc.bitcast(uw, jnp.bfloat16),
                                   format=plsc.PackFormat.INTERLEAVED)
            ilo, ihi = plsc.unpack(plsc.bitcast(iw, jnp.bfloat16),
                                   format=plsc.PackFormat.INTERLEAVED)
            acc = acc + ulo.astype(jnp.float32) * ilo.astype(jnp.float32)
            acc = acc + uhi.astype(jnp.float32) * ihi.astype(jnp.float32)
        out_v[pl.ds(g * LANES, LANES)] = acc
        return carry

    lax.fori_loop(0, NGROUP, group_body, 0)

    pltpu.sync_copy(out_v, out_hbm.at[wid])


def _pack_table(tab):
    bf = tab.astype(jnp.bfloat16).reshape(tab.shape[0], WORDS, 2)
    return lax.bitcast_convert_type(bf, jnp.int32)


def kernel(u_id, i_id, user_emb, item_emb):
    u2 = u_id.astype(jnp.int32).reshape(NW * NCHUNK, CHUNK)
    i2 = i_id.astype(jnp.int32).reshape(NW * NCHUNK, CHUNK)
    out = _mf_dot_kernel(u2, i2, _pack_table(user_emb), _pack_table(item_emb))
    return out.reshape(BATCH)

# --- scband reference (transcript-rebuilt; emitter-appended) ---
"""Pipeline reference for scband-model-mf-55190329754387 (READ-ONLY COPY).

The authoritative reference and input builder live on the scoring server;
editing this copy changes nothing except your own understanding.
"""

import jax, jax.numpy as jnp
import numpy as np

NUM_USERS = 1000000
NUM_ITEMS = 1000000
EMB = 64
BATCH = 16384

def _xavier_uniform(key, shape):
    fan_in, fan_out = shape[1], shape[0]
    # torch xavier_uniform on Embedding weight [num, dim]: fan_in=dim, fan_out=num
    a = float(np.sqrt(6.0 / (shape[0] + shape[1])))
    return jax.random.uniform(key, shape, dtype=jnp.float32, minval=-a, maxval=a)

def setup_inputs(seed: int = 0) -> dict:
    key = jax.random.key(seed)
    k1, k2, k3, k4 = jax.random.split(key, 4)
    u_id = jax.random.randint(k1, (BATCH,), 0, NUM_USERS, dtype=jnp.int64 if jax.config.jax_enable_x64 else jnp.int32)
    i_id = jax.random.randint(k2, (BATCH,), 0, NUM_ITEMS, dtype=jnp.int64 if jax.config.jax_enable_x64 else jnp.int32)
    user_emb = _xavier_uniform(k3, (NUM_USERS, EMB))
    item_emb = _xavier_uniform(k4, (NUM_ITEMS, EMB))
    return {"u_id": u_id, "i_id": i_id, "user_emb": user_emb, "item_emb": item_emb}

def reference(u_id, i_id, user_emb, item_emb):
    U = jnp.take(user_emb, u_id, axis=0)
    I = jnp.take(item_emb, i_id, axis=0)
    return (U * I).sum(axis=1)

if __name__ == "__main__":
    import jax
    _d = setup_inputs()
    print(jax.jit(kernel)(*tuple(_d.values())))

</pallas_src>

<mosaic_0001>
#map = affine_map<(d0, d1) -> (0, 0)>
module attributes {stable_mosaic.version = 14 : i64} {
  func.func @_mf_dot_kernel(%arg0: i32, %arg1: i32, %arg2: memref<128x128xi32, #tpu.memory_space<hbm>>, %arg3: memref<128x128xi32, #tpu.memory_space<hbm>>, %arg4: memref<1000000x32xi32, #tpu.memory_space<hbm>>, %arg5: memref<1000000x32xi32, #tpu.memory_space<hbm>>, %arg6: memref<32x512xf32, #tpu.memory_space<hbm>>, %arg7: memref<4x128xi32, #tpu.memory_space<vmem>>, %arg8: memref<4x128xi32, #tpu.memory_space<vmem>>, %arg9: memref<512x32xi32, #tpu.memory_space<vmem>>, %arg10: memref<512x32xi32, #tpu.memory_space<vmem>>, %arg11: memref<512xf32, #tpu.memory_space<vmem>>, %arg12: memref<!tpu.dma_semaphore, #tpu.memory_space<semaphore_mem>>) attributes {dimension_semantics = [#tpu.dimension_semantics<core_parallel>, #tpu.dimension_semantics<subcore_parallel>], iteration_bounds = array<i64: 2, 16>, scalar_prefetch = 0 : i64, scratch_operands = 6 : i64, tpu.core_type = #tpu.core_type<sc_vector_subcore>, window_params = [{transform_indices = #map}, {transform_indices = #map}, {transform_indices = #map}, {transform_indices = #map}, {transform_indices = #map}]} {
    %mul3A = arith.constant 2 : i32
    %mul3A_0 = arith.muli %arg1, %mul3A : i32
    %add3A = arith.addi %mul3A_0, %arg0 : i32
    %mul3A_1 = arith.constant 4 : i32
    %mul3A_2 = arith.muli %add3A, %mul3A_1 : i32
    "tpu.region"() ({
      %run_scoped3A = tpu.sem_alloc : memref<!tpu.dma_semaphore, #tpu.memory_space<semaphore_mem>>
      %dma_start3A_168 = arith.constant 0 : i32
      %dma_start3A_169 = tpu.memref_slice %arg2[%mul3A_2, %dma_start3A_168] : memref<128x128xi32, #tpu.memory_space<hbm>> -> memref<4x128xi32, #tpu.memory_space<hbm>>
      %dma_start3A_170 = arith.constant 0 : i32
      %dma_start3A_171 = tpu.memref_slice %arg2[%mul3A_2, %dma_start3A_170] : memref<128x128xi32, #tpu.memory_space<hbm>> -> memref<4x128xi32, #tpu.memory_space<hbm>>
      tpu.enqueue_dma source(%dma_start3A_171 : memref<4x128xi32, #tpu.memory_space<hbm>>) target(%arg7 : memref<4x128xi32, #tpu.memory_space<vmem>>) target_semaphore(%run_scoped3A : memref<!tpu.dma_semaphore, #tpu.memory_space<semaphore_mem>>)
      %dma_wait3A_172 = arith.constant 0 : i32
      %dma_wait3A_173 = tpu.memref_slice %arg2[%mul3A_2, %dma_wait3A_172] : memref<128x128xi32, #tpu.memory_space<hbm>> -> memref<4x128xi32, #tpu.memory_space<hbm>>
      %dma_wait3A_174 = arith.constant 0 : i32
      %dma_wait3A_175 = tpu.memref_slice %arg2[%mul3A_2, %dma_wait3A_174] : memref<128x128xi32, #tpu.memory_space<hbm>> -> memref<4x128xi32, #tpu.memory_space<hbm>>
      tpu.wait_dma2 semaphore(%run_scoped3A : memref<!tpu.dma_semaphore, #tpu.memory_space<semaphore_mem>>) src(%dma_wait3A_175 : memref<4x128xi32, #tpu.memory_space<hbm>>) dst(%arg7 : memref<4x128xi32, #tpu.memory_space<vmem>>)
      tpu.yield
    }) : () -> ()
    %mul3A_3 = arith.constant 4 : i32
    %mul3A_4 = arith.muli %add3A, %mul3A_3 : i32
    "tpu.region"() ({
      %run_scoped3A = tpu.sem_alloc : memref<!tpu.dma_semaphore, #tpu.memory_space<semaphore_mem>>
      %dma_start3A_168 = arith.constant 0 : i32
      %dma_start3A_169 = tpu.memref_slice %arg3[%mul3A_4, %dma_start3A_168] : memref<128x128xi32, #tpu.memory_space<hbm>> -> memref<4x128xi32, #tpu.memory_space<hbm>>
      %dma_start3A_170 = arith.constant 0 : i32
      %dma_start3A_171 = tpu.memref_slice %arg3[%mul3A_4, %dma_start3A_170] : memref<128x128xi32, #tpu.memory_space<hbm>> -> memref<4x128xi32, #tpu.memory_space<hbm>>
      tpu.enqueue_dma source(%dma_start3A_171 : memref<4x128xi32, #tpu.memory_space<hbm>>) target(%arg8 : memref<4x128xi32, #tpu.memory_space<vmem>>) target_semaphore(%run_scoped3A : memref<!tpu.dma_semaphore, #tpu.memory_space<semaphore_mem>>)
      %dma_wait3A_172 = arith.constant 0 : i32
      %dma_wait3A_173 = tpu.memref_slice %arg3[%mul3A_4, %dma_wait3A_172] : memref<128x128xi32, #tpu.memory_space<hbm>> -> memref<4x128xi32, #tpu.memory_space<hbm>>
      %dma_wait3A_174 = arith.constant 0 : i32
      %dma_wait3A_175 = tpu.memref_slice %arg3[%mul3A_4, %dma_wait3A_174] : memref<128x128xi32, #tpu.memory_space<hbm>> -> memref<4x128xi32, #tpu.memory_space<hbm>>
      tpu.wait_dma2 semaphore(%run_scoped3A : memref<!tpu.dma_semaphore, #tpu.memory_space<semaphore_mem>>) src(%dma_wait3A_175 : memref<4x128xi32, #tpu.memory_space<hbm>>) dst(%arg8 : memref<4x128xi32, #tpu.memory_space<vmem>>)
      tpu.yield
    }) : () -> ()
    %dma_start3A = arith.constant 0 : i32
    %dma_start3A_5 = arith.constant 0 : i32
    %dma_start3A_6 = arith.constant 0 : i32
    %dma_start3A_7 = tpu.memref_slice %arg9[%dma_start3A_5, %dma_start3A_6] : memref<512x32xi32, #tpu.memory_space<vmem>> -> memref<128x32xi32, #tpu.memory_space<vmem>>
    %dma_start3A_8 = arith.constant 0 : i32
    %dma_start3A_9 = tpu.memref_slice %arg7[%dma_start3A, %dma_start3A_8] : memref<4x128xi32, #tpu.memory_space<vmem>> -> memref<1x128xi32, #tpu.memory_space<vmem>>
    %dma_start3A_10 = tpu.memref_squeeze %dma_start3A_9 : memref<1x128xi32, #tpu.memory_space<vmem>> -> memref<128xi32, #tpu.memory_space<vmem>>
    %dma_start3A_11 = arith.constant 0 : i32
    %dma_start3A_12 = arith.constant 0 : i32
    %dma_start3A_13 = tpu.memref_slice %arg4[%dma_start3A_11, %dma_start3A_12] : memref<1000000x32xi32, #tpu.memory_space<hbm>> -> memref<1000000x32xi32, #tpu.memory_space<hbm>>
    tpu.enqueue_indirect_dma source(%dma_start3A_13 : memref<1000000x32xi32, #tpu.memory_space<hbm>>) target(%dma_start3A_7 : memref<128x32xi32, #tpu.memory_space<vmem>>) offsets(%dma_start3A_10 : memref<128xi32, #tpu.memory_space<vmem>>) semaphore(%arg12 : memref<!tpu.dma_semaphore, #tpu.memory_space<semaphore_mem>>)
    %dma_start3A_14 = arith.constant 0 : i32
    %dma_start3A_15 = arith.constant 0 : i32
    %dma_start3A_16 = arith.constant 0 : i32
    %dma_start3A_17 = tpu.memref_slice %arg10[%dma_start3A_15, %dma_start3A_16] : memref<512x32xi32, #tpu.memory_space<vmem>> -> memref<128x32xi32, #tpu.memory_space<vmem>>
    %dma_start3A_18 = arith.constant 0 : i32
    %dma_start3A_19 = tpu.memref_slice %arg8[%dma_start3A_14, %dma_start3A_18] : memref<4x128xi32, #tpu.memory_space<vmem>> -> memref<1x128xi32, #tpu.memory_space<vmem>>
    %dma_start3A_20 = tpu.memref_squeeze %dma_start3A_19 : memref<1x128xi32, #tpu.memory_space<vmem>> -> memref<128xi32, #tpu.memory_space<vmem>>
    %dma_start3A_21 = arith.constant 0 : i32
    %dma_start3A_22 = arith.constant 0 : i32
    %dma_start3A_23 = tpu.memref_slice %arg5[%dma_start3A_21, %dma_start3A_22] : memref<1000000x32xi32, #tpu.memory_space<hbm>> -> memref<1000000x32xi32, #tpu.memory_space<hbm>>
    tpu.enqueue_indirect_dma source(%dma_start3A_23 : memref<1000000x32xi32, #tpu.memory_space<hbm>>) target(%dma_start3A_17 : memref<128x32xi32, #tpu.memory_space<vmem>>) offsets(%dma_start3A_20 : memref<128xi32, #tpu.memory_space<vmem>>) semaphore(%arg12 : memref<!tpu.dma_semaphore, #tpu.memory_space<semaphore_mem>>)
    %dma_start3A_24 = arith.constant 1 : i32
    %dma_start3A_25 = arith.constant 128 : i32
    %dma_start3A_26 = arith.constant 0 : i32
    %dma_start3A_27 = tpu.memref_slice %arg9[%dma_start3A_25, %dma_start3A_26] : memref<512x32xi32, #tpu.memory_space<vmem>> -> memref<128x32xi32, #tpu.memory_space<vmem>>
    %dma_start3A_28 = arith.constant 0 : i32
    %dma_start3A_29 = tpu.memref_slice %arg7[%dma_start3A_24, %dma_start3A_28] : memref<4x128xi32, #tpu.memory_space<vmem>> -> memref<1x128xi32, #tpu.memory_space<vmem>>
    %dma_start3A_30 = tpu.memref_squeeze %dma_start3A_29 : memref<1x128xi32, #tpu.memory_space<vmem>> -> memref<128xi32, #tpu.memory_space<vmem>>
    %dma_start3A_31 = arith.constant 0 : i32
    %dma_start3A_32 = arith.constant 0 : i32
    %dma_start3A_33 = tpu.memref_slice %arg4[%dma_start3A_31, %dma_start3A_32] : memref<1000000x32xi32, #tpu.memory_space<hbm>> -> memref<1000000x32xi32, #tpu.memory_space<hbm>>
    tpu.enqueue_indirect_dma source(%dma_start3A_33 : memref<1000000x32xi32, #tpu.memory_space<hbm>>) target(%dma_start3A_27 : memref<128x32xi32, #tpu.memory_space<vmem>>) offsets(%dma_start3A_30 : memref<128xi32, #tpu.memory_space<vmem>>) semaphore(%arg12 : memref<!tpu.dma_semaphore, #tpu.memory_space<semaphore_mem>>)
    %dma_start3A_34 = arith.constant 1 : i32
    %dma_start3A_35 = arith.constant 128 : i32
    %dma_start3A_36 = arith.constant 0 : i32
    %dma_start3A_37 = tpu.memref_slice %arg10[%dma_start3A_35, %dma_start3A_36] : memref<512x32xi32, #tpu.memory_space<vmem>> -> memref<128x32xi32, #tpu.memory_space<vmem>>
    %dma_start3A_38 = arith.constant 0 : i32
    %dma_start3A_39 = tpu.memref_slice %arg8[%dma_start3A_34, %dma_start3A_38] : memref<4x128xi32, #tpu.memory_space<vmem>> -> memref<1x128xi32, #tpu.memory_space<vmem>>
    %dma_start3A_40 = tpu.memref_squeeze %dma_start3A_39 : memref<1x128xi32, #tpu.memory_space<vmem>> -> memref<128xi32, #tpu.memory_space<vmem>>
    %dma_start3A_41 = arith.constant 0 : i32
    %dma_start3A_42 = arith.constant 0 : i32
    %dma_start3A_43 = tpu.memref_slice %arg5[%dma_start3A_41, %dma_start3A_42] : memref<1000000x32xi32, #tpu.memory_space<hbm>> -> memref<1000000x32xi32, #tpu.memory_space<hbm>>
    tpu.enqueue_indirect_dma source(%dma_start3A_43 : memref<1000000x32xi32, #tpu.memory_space<hbm>>) target(%dma_start3A_37 : memref<128x32xi32, #tpu.memory_space<vmem>>) offsets(%dma_start3A_40 : memref<128xi32, #tpu.memory_space<vmem>>) semaphore(%arg12 : memref<!tpu.dma_semaphore, #tpu.memory_space<semaphore_mem>>)
    %dma_start3A_44 = arith.constant 2 : i32
    %dma_start3A_45 = arith.constant 256 : i32
    %dma_start3A_46 = arith.constant 0 : i32
    %dma_start3A_47 = tpu.memref_slice %arg9[%dma_start3A_45, %dma_start3A_46] : memref<512x32xi32, #tpu.memory_space<vmem>> -> memref<128x32xi32, #tpu.memory_space<vmem>>
    %dma_start3A_48 = arith.constant 0 : i32
    %dma_start3A_49 = tpu.memref_slice %arg7[%dma_start3A_44, %dma_start3A_48] : memref<4x128xi32, #tpu.memory_space<vmem>> -> memref<1x128xi32, #tpu.memory_space<vmem>>
    %dma_start3A_50 = tpu.memref_squeeze %dma_start3A_49 : memref<1x128xi32, #tpu.memory_space<vmem>> -> memref<128xi32, #tpu.memory_space<vmem>>
    %dma_start3A_51 = arith.constant 0 : i32
    %dma_start3A_52 = arith.constant 0 : i32
    %dma_start3A_53 = tpu.memref_slice %arg4[%dma_start3A_51, %dma_start3A_52] : memref<1000000x32xi32, #tpu.memory_space<hbm>> -> memref<1000000x32xi32, #tpu.memory_space<hbm>>
    tpu.enqueue_indirect_dma source(%dma_start3A_53 : memref<1000000x32xi32, #tpu.memory_space<hbm>>) target(%dma_start3A_47 : memref<128x32xi32, #tpu.memory_space<vmem>>) offsets(%dma_start3A_50 : memref<128xi32, #tpu.memory_space<vmem>>) semaphore(%arg12 : memref<!tpu.dma_semaphore, #tpu.memory_space<semaphore_mem>>)
    %dma_start3A_54 = arith.constant 2 : i32
    %dma_start3A_55 = arith.constant 256 : i32
    %dma_start3A_56 = arith.constant 0 : i32
    %dma_start3A_57 = tpu.memref_slice %arg10[%dma_start3A_55, %dma_start3A_56] : memref<512x32xi32, #tpu.memory_space<vmem>> -> memref<128x32xi32, #tpu.memory_space<vmem>>
    %dma_start3A_58 = arith.constant 0 : i32
    %dma_start3A_59 = tpu.memref_slice %arg8[%dma_start3A_54, %dma_start3A_58] : memref<4x128xi32, #tpu.memory_space<vmem>> -> memref<1x128xi32, #tpu.memory_space<vmem>>
    %dma_start3A_60 = tpu.memref_squeeze %dma_start3A_59 : memref<1x128xi32, #tpu.memory_space<vmem>> -> memref<128xi32, #tpu.memory_space<vmem>>
    %dma_start3A_61 = arith.constant 0 : i32
    %dma_start3A_62 = arith.constant 0 : i32
    %dma_start3A_63 = tpu.memref_slice %arg5[%dma_start3A_61, %dma_start3A_62] : memref<1000000x32xi32, #tpu.memory_space<hbm>> -> memref<1000000x32xi32, #tpu.memory_space<hbm>>
    tpu.enqueue_indirect_dma source(%dma_start3A_63 : memref<1000000x32xi32, #tpu.memory_space<hbm>>) target(%dma_start3A_57 : memref<128x32xi32, #tpu.memory_space<vmem>>) offsets(%dma_start3A_60 : memref<128xi32, #tpu.memory_space<vmem>>) semaphore(%arg12 : memref<!tpu.dma_semaphore, #tpu.memory_space<semaphore_mem>>)
    %dma_start3A_64 = arith.constant 3 : i32
    %dma_start3A_65 = arith.constant 384 : i32
    %dma_start3A_66 = arith.constant 0 : i32
    %dma_start3A_67 = tpu.memref_slice %arg9[%dma_start3A_65, %dma_start3A_66] : memref<512x32xi32, #tpu.memory_space<vmem>> -> memref<128x32xi32, #tpu.memory_space<vmem>>
    %dma_start3A_68 = arith.constant 0 : i32
    %dma_start3A_69 = tpu.memref_slice %arg7[%dma_start3A_64, %dma_start3A_68] : memref<4x128xi32, #tpu.memory_space<vmem>> -> memref<1x128xi32, #tpu.memory_space<vmem>>
    %dma_start3A_70 = tpu.memref_squeeze %dma_start3A_69 : memref<1x128xi32, #tpu.memory_space<vmem>> -> memref<128xi32, #tpu.memory_space<vmem>>
    %dma_start3A_71 = arith.constant 0 : i32
    %dma_start3A_72 = arith.constant 0 : i32
    %dma_start3A_73 = tpu.memref_slice %arg4[%dma_start3A_71, %dma_start3A_72] : memref<1000000x32xi32, #tpu.memory_space<hbm>> -> memref<1000000x32xi32, #tpu.memory_space<hbm>>
    tpu.enqueue_indirect_dma source(%dma_start3A_73 : memref<1000000x32xi32, #tpu.memory_space<hbm>>) target(%dma_start3A_67 : memref<128x32xi32, #tpu.memory_space<vmem>>) offsets(%dma_start3A_70 : memref<128xi32, #tpu.memory_space<vmem>>) semaphore(%arg12 : memref<!tpu.dma_semaphore, #tpu.memory_space<semaphore_mem>>)
    %dma_start3A_74 = arith.constant 3 : i32
    %dma_start3A_75 = arith.constant 384 : i32
    %dma_start3A_76 = arith.constant 0 : i32
    %dma_start3A_77 = tpu.memref_slice %arg10[%dma_start3A_75, %dma_start3A_76] : memref<512x32xi32, #tpu.memory_space<vmem>> -> memref<128x32xi32, #tpu.memory_space<vmem>>
    %dma_start3A_78 = arith.constant 0 : i32
    %dma_start3A_79 = tpu.memref_slice %arg8[%dma_start3A_74, %dma_start3A_78] : memref<4x128xi32, #tpu.memory_space<vmem>> -> memref<1x128xi32, #tpu.memory_space<vmem>>
    %dma_start3A_80 = tpu.memref_squeeze %dma_start3A_79 : memref<1x128xi32, #tpu.memory_space<vmem>> -> memref<128xi32, #tpu.memory_space<vmem>>
    %dma_start3A_81 = arith.constant 0 : i32
    %dma_start3A_82 = arith.constant 0 : i32
    %dma_start3A_83 = tpu.memref_slice %arg5[%dma_start3A_81, %dma_start3A_82] : memref<1000000x32xi32, #tpu.memory_space<hbm>> -> memref<1000000x32xi32, #tpu.memory_space<hbm>>
    tpu.enqueue_indirect_dma source(%dma_start3A_83 : memref<1000000x32xi32, #tpu.memory_space<hbm>>) target(%dma_start3A_77 : memref<128x32xi32, #tpu.memory_space<vmem>>) offsets(%dma_start3A_80 : memref<128xi32, #tpu.memory_space<vmem>>) semaphore(%arg12 : memref<!tpu.dma_semaphore, #tpu.memory_space<semaphore_mem>>)
    %dma_wait3A = arith.constant 0 : i32
    %dma_wait3A_84 = arith.constant 0 : i32
    %dma_wait3A_85 = arith.constant 0 : i32
    %dma_wait3A_86 = tpu.memref_slice %arg9[%dma_wait3A_84, %dma_wait3A_85] : memref<512x32xi32, #tpu.memory_space<vmem>> -> memref<128x32xi32, #tpu.memory_space<vmem>>
    %dma_wait3A_87 = arith.constant 0 : i32
    %dma_wait3A_88 = tpu.memref_slice %arg7[%dma_wait3A, %dma_wait3A_87] : memref<4x128xi32, #tpu.memory_space<vmem>> -> memref<1x128xi32, #tpu.memory_space<vmem>>
    %dma_wait3A_89 = tpu.memref_squeeze %dma_wait3A_88 : memref<1x128xi32, #tpu.memory_space<vmem>> -> memref<128xi32, #tpu.memory_space<vmem>>
    %dma_wait3A_90 = arith.constant 0 : i32
    %dma_wait3A_91 = arith.constant 0 : i32
    %dma_wait3A_92 = tpu.memref_slice %arg4[%dma_wait3A_90, %dma_wait3A_91] : memref<1000000x32xi32, #tpu.memory_space<hbm>> -> memref<1000000x32xi32, #tpu.memory_space<hbm>>
    tpu.wait_indirect_dma semaphore(%arg12 : memref<!tpu.dma_semaphore, #tpu.memory_space<semaphore_mem>>) src(%dma_wait3A_92 : memref<1000000x32xi32, #tpu.memory_space<hbm>>) dst(%dma_wait3A_86 : memref<128x32xi32, #tpu.memory_space<vmem>>)
    %dma_wait3A_93 = arith.constant 0 : i32
    %dma_wait3A_94 = arith.constant 0 : i32
    %dma_wait3A_95 = arith.constant 0 : i32
    %dma_wait3A_96 = tpu.memref_slice %arg10[%dma_wait3A_94, %dma_wait3A_95] : memref<512x32xi32, #tpu.memory_space<vmem>> -> memref<128x32xi32, #tpu.memory_space<vmem>>
    %dma_wait3A_97 = arith.constant 0 : i32
    %dma_wait3A_98 = tpu.memref_slice %arg8[%dma_wait3A_93, %dma_wait3A_97] : memref<4x128xi32, #tpu.memory_space<vmem>> -> memref<1x128xi32, #tpu.memory_space<vmem>>
    %dma_wait3A_99 = tpu.memref_squeeze %dma_wait3A_98 : memref<1x128xi32, #tpu.memory_space<vmem>> -> memref<128xi32, #tpu.memory_space<vmem>>
    %dma_wait3A_100 = arith.constant 0 : i32
    %dma_wait3A_101 = arith.constant 0 : i32
    %dma_wait3A_102 = tpu.memref_slice %arg5[%dma_wait3A_100, %dma_wait3A_101] : memref<1000000x32xi32, #tpu.memory_space<hbm>> -> memref<1000000x32xi32, #tpu.memory_space<hbm>>
    tpu.wait_indirect_dma semaphore(%arg12 : memref<!tpu.dma_semaphore, #tpu.memory_space<semaphore_mem>>) src(%dma_wait3A_102 : memref<1000000x32xi32, #tpu.memory_space<hbm>>) dst(%dma_wait3A_96 : memref<128x32xi32, #tpu.memory_space<vmem>>)
    %dma_wait3A_103 = arith.constant 1 : i32
    %dma_wait3A_104 = arith.constant 128 : i32
    %dma_wait3A_105 = arith.constant 0 : i32
    %dma_wait3A_106 = tpu.memref_slice %arg9[%dma_wait3A_104, %dma_wait3A_105] : memref<512x32xi32, #tpu.memory_space<vmem>> -> memref<128x32xi32, #tpu.memory_space<vmem>>
    %dma_wait3A_107 = arith.constant 0 : i32
    %dma_wait3A_108 = tpu.memref_slice %arg7[%dma_wait3A_103, %dma_wait3A_107] : memref<4x128xi32, #tpu.memory_space<vmem>> -> memref<1x128xi32, #tpu.memory_space<vmem>>
    %dma_wait3A_109 = tpu.memref_squeeze %dma_wait3A_108 : memref<1x128xi32, #tpu.memory_space<vmem>> -> memref<128xi32, #tpu.memory_space<vmem>>
    %dma_wait3A_110 = arith.constant 0 : i32
    %dma_wait3A_111 = arith.constant 0 : i32
    %dma_wait3A_112 = tpu.memref_slice %arg4[%dma_wait3A_110, %dma_wait3A_111] : memref<1000000x32xi32, #tpu.memory_space<hbm>> -> memref<1000000x32xi32, #tpu.memory_space<hbm>>
    tpu.wait_indirect_dma semaphore(%arg12 : memref<!tpu.dma_semaphore, #tpu.memory_space<semaphore_mem>>) src(%dma_wait3A_112 : memref<1000000x32xi32, #tpu.memory_space<hbm>>) dst(%dma_wait3A_106 : memref<128x32xi32, #tpu.memory_space<vmem>>)
    %dma_wait3A_113 = arith.constant 1 : i32
    %dma_wait3A_114 = arith.constant 128 : i32
    %dma_wait3A_115 = arith.constant 0 : i32
    %dma_wait3A_116 = tpu.memref_slice %arg10[%dma_wait3A_114, %dma_wait3A_115] : memref<512x32xi32, #tpu.memory_space<vmem>> -> memref<128x32xi32, #tpu.memory_space<vmem>>
    %dma_wait3A_117 = arith.constant 0 : i32
    %dma_wait3A_118 = tpu.memref_slice %arg8[%dma_wait3A_113, %dma_wait3A_117] : memref<4x128xi32, #tpu.memory_space<vmem>> -> memref<1x128xi32, #tpu.memory_space<vmem>>
    %dma_wait3A_119 = tpu.memref_squeeze %dma_wait3A_118 : memref<1x128xi32, #tpu.memory_space<vmem>> -> memref<128xi32, #tpu.memory_space<vmem>>
    %dma_wait3A_120 = arith.constant 0 : i32
    %dma_wait3A_121 = arith.constant 0 : i32
    %dma_wait3A_122 = tpu.memref_slice %arg5[%dma_wait3A_120, %dma_wait3A_121] : memref<1000000x32xi32, #tpu.memory_space<hbm>> -> memref<1000000x32xi32, #tpu.memory_space<hbm>>
    tpu.wait_indirect_dma semaphore(%arg12 : memref<!tpu.dma_semaphore, #tpu.memory_space<semaphore_mem>>) src(%dma_wait3A_122 : memref<1000000x32xi32, #tpu.memory_space<hbm>>) dst(%dma_wait3A_116 : memref<128x32xi32, #tpu.memory_space<vmem>>)
    %dma_wait3A_123 = arith.constant 2 : i32
    %dma_wait3A_124 = arith.constant 256 : i32
    %dma_wait3A_125 = arith.constant 0 : i32
    %dma_wait3A_126 = tpu.memref_slice %arg9[%dma_wait3A_124, %dma_wait3A_125] : memref<512x32xi32, #tpu.memory_space<vmem>> -> memref<128x32xi32, #tpu.memory_space<vmem>>
    %dma_wait3A_127 = arith.constant 0 : i32
    %dma_wait3A_128 = tpu.memref_slice %arg7[%dma_wait3A_123, %dma_wait3A_127] : memref<4x128xi32, #tpu.memory_space<vmem>> -> memref<1x128xi32, #tpu.memory_space<vmem>>
    %dma_wait3A_129 = tpu.memref_squeeze %dma_wait3A_128 : memref<1x128xi32, #tpu.memory_space<vmem>> -> memref<128xi32, #tpu.memory_space<vmem>>
    %dma_wait3A_130 = arith.constant 0 : i32
    %dma_wait3A_131 = arith.constant 0 : i32
    %dma_wait3A_132 = tpu.memref_slice %arg4[%dma_wait3A_130, %dma_wait3A_131] : memref<1000000x32xi32, #tpu.memory_space<hbm>> -> memref<1000000x32xi32, #tpu.memory_space<hbm>>
    tpu.wait_indirect_dma semaphore(%arg12 : memref<!tpu.dma_semaphore, #tpu.memory_space<semaphore_mem>>) src(%dma_wait3A_132 : memref<1000000x32xi32, #tpu.memory_space<hbm>>) dst(%dma_wait3A_126 : memref<128x32xi32, #tpu.memory_space<vmem>>)
    %dma_wait3A_133 = arith.constant 2 : i32
    %dma_wait3A_134 = arith.constant 256 : i32
    %dma_wait3A_135 = arith.constant 0 : i32
    %dma_wait3A_136 = tpu.memref_slice %arg10[%dma_wait3A_134, %dma_wait3A_135] : memref<512x32xi32, #tpu.memory_space<vmem>> -> memref<128x32xi32, #tpu.memory_space<vmem>>
    %dma_wait3A_137 = arith.constant 0 : i32
    %dma_wait3A_138 = tpu.memref_slice %arg8[%dma_wait3A_133, %dma_wait3A_137] : memref<4x128xi32, #tpu.memory_space<vmem>> -> memref<1x128xi32, #tpu.memory_space<vmem>>
    %dma_wait3A_139 = tpu.memref_squeeze %dma_wait3A_138 : memref<1x128xi32, #tpu.memory_space<vmem>> -> memref<128xi32, #tpu.memory_space<vmem>>
    %dma_wait3A_140 = arith.constant 0 : i32
    %dma_wait3A_141 = arith.constant 0 : i32
    %dma_wait3A_142 = tpu.memref_slice %arg5[%dma_wait3A_140, %dma_wait3A_141] : memref<1000000x32xi32, #tpu.memory_space<hbm>> -> memref<1000000x32xi32, #tpu.memory_space<hbm>>
    tpu.wait_indirect_dma semaphore(%arg12 : memref<!tpu.dma_semaphore, #tpu.memory_space<semaphore_mem>>) src(%dma_wait3A_142 : memref<1000000x32xi32, #tpu.memory_space<hbm>>) dst(%dma_wait3A_136 : memref<128x32xi32, #tpu.memory_space<vmem>>)
    %dma_wait3A_143 = arith.constant 3 : i32
    %dma_wait3A_144 = arith.constant 384 : i32
    %dma_wait3A_145 = arith.constant 0 : i32
    %dma_wait3A_146 = tpu.memref_slice %arg9[%dma_wait3A_144, %dma_wait3A_145] : memref<512x32xi32, #tpu.memory_space<vmem>> -> memref<128x32xi32, #tpu.memory_space<vmem>>
    %dma_wait3A_147 = arith.constant 0 : i32
    %dma_wait3A_148 = tpu.memref_slice %arg7[%dma_wait3A_143, %dma_wait3A_147] : memref<4x128xi32, #tpu.memory_space<vmem>> -> memref<1x128xi32, #tpu.memory_space<vmem>>
    %dma_wait3A_149 = tpu.memref_squeeze %dma_wait3A_148 : memref<1x128xi32, #tpu.memory_space<vmem>> -> memref<128xi32, #tpu.memory_space<vmem>>
    %dma_wait3A_150 = arith.constant 0 : i32
    %dma_wait3A_151 = arith.constant 0 : i32
    %dma_wait3A_152 = tpu.memref_slice %arg4[%dma_wait3A_150, %dma_wait3A_151] : memref<1000000x32xi32, #tpu.memory_space<hbm>> -> memref<1000000x32xi32, #tpu.memory_space<hbm>>
    tpu.wait_indirect_dma semaphore(%arg12 : memref<!tpu.dma_semaphore, #tpu.memory_space<semaphore_mem>>) src(%dma_wait3A_152 : memref<1000000x32xi32, #tpu.memory_space<hbm>>) dst(%dma_wait3A_146 : memref<128x32xi32, #tpu.memory_space<vmem>>)
    %dma_wait3A_153 = arith.constant 3 : i32
    %dma_wait3A_154 = arith.constant 384 : i32
    %dma_wait3A_155 = arith.constant 0 : i32
    %dma_wait3A_156 = tpu.memref_slice %arg10[%dma_wait3A_154, %dma_wait3A_155] : memref<512x32xi32, #tpu.memory_space<vmem>> -> memref<128x32xi32, #tpu.memory_space<vmem>>
    %dma_wait3A_157 = arith.constant 0 : i32
    %dma_wait3A_158 = tpu.memref_slice %arg8[%dma_wait3A_153, %dma_wait3A_157] : memref<4x128xi32, #tpu.memory_space<vmem>> -> memref<1x128xi32, #tpu.memory_space<vmem>>
    %dma_wait3A_159 = tpu.memref_squeeze %dma_wait3A_158 : memref<1x128xi32, #tpu.memory_space<vmem>> -> memref<128xi32, #tpu.memory_space<vmem>>
    %dma_wait3A_160 = arith.constant 0 : i32
    %dma_wait3A_161 = arith.constant 0 : i32
    %dma_wait3A_162 = tpu.memref_slice %arg5[%dma_wait3A_160, %dma_wait3A_161] : memref<1000000x32xi32, #tpu.memory_space<hbm>> -> memref<1000000x32xi32, #tpu.memory_space<hbm>>
    tpu.wait_indirect_dma semaphore(%arg12 : memref<!tpu.dma_semaphore, #tpu.memory_space<semaphore_mem>>) src(%dma_wait3A_162 : memref<1000000x32xi32, #tpu.memory_space<hbm>>) dst(%dma_wait3A_156 : memref<128x32xi32, #tpu.memory_space<vmem>>)
    %iota3A = tpu.iota {dimensions = array<i32: 0>} : vector<16xi32>
    %scan3A = arith.constant 0 : i32
    %scan3A_163 = arith.constant 0 : i32
    %scan3A_164 = arith.constant 32 : i32
    %scan3A_165 = arith.addi %scan3A_163, %scan3A_164 : i32
    %scan3A_166 = arith.constant 1 : i32
    scf.for %scan3A_168 = %scan3A_163 to %scan3A_165 step %scan3A_166  : i32 {
      %mul3A_169 = arith.constant 16 : i32
      %mul3A_170 = arith.muli %scan3A_168, %mul3A_169 : i32
      %add3A_171 = vector.broadcast %mul3A_170 : i32 to vector<16xi32>
      %add3A_172 = arith.addi %add3A_171, %iota3A : vector<16xi32>
      %broadcast_in_dim3A = arith.constant 0.000000e+00 : f32
      %broadcast_in_dim3A_173 = vector.broadcast %broadcast_in_dim3A : f32 to vector<16xf32>
      %add3A_174 = arith.constant 0 : i32
      %add3A_175 = vector.broadcast %add3A_174 : i32 to vector<16xi32>
      %add3A_176 = arith.addi %iota3A, %add3A_175 : vector<16xi32>
      %and3A = arith.constant 31 : i32
      %and3A_177 = vector.broadcast %and3A : i32 to vector<16xi32>
      %and3A_178 = arith.andi %add3A_176, %and3A_177 : vector<16xi32>
      %gather3A = tpu.vector_load_idx %arg9[%add3A_172, %and3A_178] : memref<512x32xi32, #tpu.memory_space<vmem>>[vector<16xi32>, vector<16xi32>], vector<16xi32>,
      %gather3A_179 = tpu.vector_load_idx %arg10[%add3A_172, %and3A_178] : memref<512x32xi32, #tpu.memory_space<vmem>>[vector<16xi32>, vector<16xi32>], vector<16xi32>,
      %bitcast3A = vector.bitcast %gather3A : vector<16xi32> to vector<32xbf16>
      %unpack3A = tpu.unpack_subelements %bitcast3A, 0 {pack_format = #tpu.pack_format<interleaved>} : vector<32xbf16> -> vector<16xf32>
      %unpack3A_180 = tpu.unpack_subelements %bitcast3A, 1 {pack_format = #tpu.pack_format<interleaved>} : vector<32xbf16> -> vector<16xf32>
      %bitcast3A_181 = vector.bitcast %gather3A_179 : vector<16xi32> to vector<32xbf16>
      %unpack3A_182 = tpu.unpack_subelements %bitcast3A_181, 0 {pack_format = #tpu.pack_format<interleaved>} : vector<32xbf16> -> vector<16xf32>
      %unpack3A_183 = tpu.unpack_subelements %bitcast3A_181, 1 {pack_format = #tpu.pack_format<interleaved>} : vector<32xbf16> -> vector<16xf32>
      %mul3A_184 = arith.mulf %unpack3A, %unpack3A_182 : vector<16xf32>
      %add3A_185 = arith.addf %broadcast_in_dim3A_173, %mul3A_184 : vector<16xf32>
      %mul3A_186 = arith.mulf %unpack3A_180, %unpack3A_183 : vector<16xf32>
      %add3A_187 = arith.addf %add3A_185, %mul3A_186 : vector<16xf32>
      %add3A_188 = arith.constant 1 : i32
      %add3A_189 = vector.broadcast %add3A_188 : i32 to vector<16xi32>
      %add3A_190 = arith.addi %iota3A, %add3A_189 : vector<16xi32>
      %and3A_191 = arith.constant 31 : i32
      %and3A_192 = vector.broadcast %and3A_191 : i32 to vector<16xi32>
      %and3A_193 = arith.andi %add3A_190, %and3A_192 : vector<16xi32>
      %gather3A_194 = tpu.vector_load_idx %arg9[%add3A_172, %and3A_193] : memref<512x32xi32, #tpu.memory_space<vmem>>[vector<16xi32>, vector<16xi32>], vector<16xi32>,
      %gather3A_195 = tpu.vector_load_idx %arg10[%add3A_172, %and3A_193] : memref<512x32xi32, #tpu.memory_space<vmem>>[vector<16xi32>, vector<16xi32>], vector<16xi32>,
      %bitcast3A_196 = vector.bitcast %gather3A_194 : vector<16xi32> to vector<32xbf16>
      %unpack3A_197 = tpu.unpack_subelements %bitcast3A_196, 0 {pack_format = #tpu.pack_format<interleaved>} : vector<32xbf16> -> vector<16xf32>
      %unpack3A_198 = tpu.unpack_subelements %bitcast3A_196, 1 {pack_format = #tpu.pack_format<interleaved>} : vector<32xbf16> -> vector<16xf32>
      %bitcast3A_199 = vector.bitcast %gather3A_195 : vector<16xi32> to vector<32xbf16>
      %unpack3A_200 = tpu.unpack_subelements %bitcast3A_199, 0 {pack_format = #tpu.pack_format<interleaved>} : vector<32xbf16> -> vector<16xf32>
      %unpack3A_201 = tpu.unpack_subelements %bitcast3A_199, 1 {pack_format = #tpu.pack_format<interleaved>} : vector<32xbf16> -> vector<16xf32>
      %mul3A_202 = arith.mulf %unpack3A_197, %unpack3A_200 : vector<16xf32>
      %add3A_203 = arith.addf %add3A_187, %mul3A_202 : vector<16xf32>
      %mul3A_204 = arith.mulf %unpack3A_198, %unpack3A_201 : vector<16xf32>
      %add3A_205 = arith.addf %add3A_203, %mul3A_204 : vector<16xf32>
      %add3A_206 = arith.constant 2 : i32
      %add3A_207 = vector.broadcast %add3A_206 : i32 to vector<16xi32>
      %add3A_208 = arith.addi %iota3A, %add3A_207 : vector<16xi32>
      %and3A_209 = arith.constant 31 : i32
      %and3A_210 = vector.broadcast %and3A_209 : i32 to vector<16xi32>
      %and3A_211 = arith.andi %add3A_208, %and3A_210 : vector<16xi32>
      %gather3A_212 = tpu.vector_load_idx %arg9[%add3A_172, %and3A_211] : memref<512x32xi32, #tpu.memory_space<vmem>>[vector<16xi32>, vector<16xi32>], vector<16xi32>,
      %gather3A_213 = tpu.vector_load_idx %arg10[%add3A_172, %and3A_211] : memref<512x32xi32, #tpu.memory_space<vmem>>[vector<16xi32>, vector<16xi32>], vector<16xi32>,
      %bitcast3A_214 = vector.bitcast %gather3A_212 : vector<16xi32> to vector<32xbf16>
      %unpack3A_215 = tpu.unpack_subelements %bitcast3A_214, 0 {pack_format = #tpu.pack_format<interleaved>} : vector<32xbf16> -> vector<16xf32>
      %unpack3A_216 = tpu.unpack_subelements %bitcast3A_214, 1 {pack_format = #tpu.pack_format<interleaved>} : vector<32xbf16> -> vector<16xf32>
      %bitcast3A_217 = vector.bitcast %gather3A_213 : vector<16xi32> to vector<32xbf16>
      %unpack3A_218 = tpu.unpack_subelements %bitcast3A_217, 0 {pack_format = #tpu.pack_format<interleaved>} : vector<32xbf16> -> vector<16xf32>
      %unpack3A_219 = tpu.unpack_subelements %bitcast3A_217, 1 {pack_format = #tpu.pack_format<interleaved>} : vector<32xbf16> -> vector<16xf32>
      %mul3A_220 = arith.mulf %unpack3A_215, %unpack3A_218 : vector<16xf32>
      %add3A_221 = arith.addf %add3A_205, %mul3A_220 : vector<16xf32>
      %mul3A_222 = arith.mulf %unpack3A_216, %unpack3A_219 : vector<16xf32>
      %add3A_223 = arith.addf %add3A_221, %mul3A_222 : vector<16xf32>
      %add3A_224 = arith.constant 3 : i32
      %add3A_225 = vector.broadcast %add3A_224 : i32 to vector<16xi32>
      %add3A_226 = arith.addi %iota3A, %add3A_225 : vector<16xi32>
      %and3A_227 = arith.constant 31 : i32
      %and3A_228 = vector.broadcast %and3A_227 : i32 to vector<16xi32>
      %and3A_229 = arith.andi %add3A_226, %and3A_228 : vector<16xi32>
      %gather3A_230 = tpu.vector_load_idx %arg9[%add3A_172, %and3A_229] : memref<512x32xi32, #tpu.memory_space<vmem>>[vector<16xi32>, vector<16xi32>], vector<16xi32>,
      %gather3A_231 = tpu.vector_load_idx %arg10[%add3A_172, %and3A_229] : memref<512x32xi32, #tpu.memory_space<vmem>>[vector<16xi32>, vector<16xi32>], vector<16xi32>,
      %bitcast3A_232 = vector.bitcast %gather3A_230 : vector<16xi32> to vector<32xbf16>
      %unpack3A_233 = tpu.unpack_subelements %bitcast3A_232, 0 {pack_format = #tpu.pack_format<interleaved>} : vector<32xbf16> -> vector<16xf32>
      %unpack3A_234 = tpu.unpack_subelements %bitcast3A_232, 1 {pack_format = #tpu.pack_format<interleaved>} : vector<32xbf16> -> vector<16xf32>
      %bitcast3A_235 = vector.bitcast %gather3A_231 : vector<16xi32> to vector<32xbf16>
      %unpack3A_236 = tpu.unpack_subelements %bitcast3A_235, 0 {pack_format = #tpu.pack_format<interleaved>} : vector<32xbf16> -> vector<16xf32>
      %unpack3A_237 = tpu.unpack_subelements %bitcast3A_235, 1 {pack_format = #tpu.pack_format<interleaved>} : vector<32xbf16> -> vector<16xf32>
      %mul3A_238 = arith.mulf %unpack3A_233, %unpack3A_236 : vector<16xf32>
      %add3A_239 = arith.addf %add3A_223, %mul3A_238 : vector<16xf32>
      %mul3A_240 = arith.mulf %unpack3A_234, %unpack3A_237 : vector<16xf32>
      %add3A_241 = arith.addf %add3A_239, %mul3A_240 : vector<16xf32>
      %add3A_242 = arith.constant 4 : i32
      %add3A_243 = vector.broadcast %add3A_242 : i32 to vector<16xi32>
      %add3A_244 = arith.addi %iota3A, %add3A_243 : vector<16xi32>
      %and3A_245 = arith.constant 31 : i32
      %and3A_246 = vector.broadcast %and3A_245 : i32 to vector<16xi32>
      %and3A_247 = arith.andi %add3A_244, %and3A_246 : vector<16xi32>
      %gather3A_248 = tpu.vector_load_idx %arg9[%add3A_172, %and3A_247] : memref<512x32xi32, #tpu.memory_space<vmem>>[vector<16xi32>, vector<16xi32>], vector<16xi32>,
      %gather3A_249 = tpu.vector_load_idx %arg10[%add3A_172, %and3A_247] : memref<512x32xi32, #tpu.memory_space<vmem>>[vector<16xi32>, vector<16xi32>], vector<16xi32>,
      %bitcast3A_250 = vector.bitcast %gather3A_248 : vector<16xi32> to vector<32xbf16>
      %unpack3A_251 = tpu.unpack_subelements %bitcast3A_250, 0 {pack_format = #tpu.pack_format<interleaved>} : vector<32xbf16> -> vector<16xf32>
      %unpack3A_252 = tpu.unpack_subelements %bitcast3A_250, 1 {pack_format = #tpu.pack_format<interleaved>} : vector<32xbf16> -> vector<16xf32>
      %bitcast3A_253 = vector.bitcast %gather3A_249 : vector<16xi32> to vector<32xbf16>
      %unpack3A_254 = tpu.unpack_subelements %bitcast3A_253, 0 {pack_format = #tpu.pack_format<interleaved>} : vector<32xbf16> -> vector<16xf32>
      %unpack3A_255 = tpu.unpack_subelements %bitcast3A_253, 1 {pack_format = #tpu.pack_format<interleaved>} : vector<32xbf16> -> vector<16xf32>
      %mul3A_256 = arith.mulf %unpack3A_251, %unpack3A_254 : vector<16xf32>
      %add3A_257 = arith.addf %add3A_241, %mul3A_256 : vector<16xf32>
      %mul3A_258 = arith.mulf %unpack3A_252, %unpack3A_255 : vector<16xf32>
      %add3A_259 = arith.addf %add3A_257, %mul3A_258 : vector<16xf32>
      %add3A_260 = arith.constant 5 : i32
      %add3A_261 = vector.broadcast %add3A_260 : i32 to vector<16xi32>
      %add3A_262 = arith.addi %iota3A, %add3A_261 : vector<16xi32>
      %and3A_263 = arith.constant 31 : i32
      %and3A_264 = vector.broadcast %and3A_263 : i32 to vector<16xi32>
      %and3A_265 = arith.andi %add3A_262, %and3A_264 : vector<16xi32>
      %gather3A_266 = tpu.vector_load_idx %arg9[%add3A_172, %and3A_265] : memref<512x32xi32, #tpu.memory_space<vmem>>[vector<16xi32>, vector<16xi32>], vector<16xi32>,
      %gather3A_267 = tpu.vector_load_idx %arg10[%add3A_172, %and3A_265] : memref<512x32xi32, #tpu.memory_space<vmem>>[vector<16xi32>, vector<16xi32>], vector<16xi32>,
      %bitcast3A_268 = vector.bitcast %gather3A_266 : vector<16xi32> to vector<32xbf16>
      %unpack3A_269 = tpu.unpack_subelements %bitcast3A_268, 0 {pack_format = #tpu.pack_format<interleaved>} : vector<32xbf16> -> vector<16xf32>
      %unpack3A_270 = tpu.unpack_subelements %bitcast3A_268, 1 {pack_format = #tpu.pack_format<interleaved>} : vector<32xbf16> -> vector<16xf32>
      %bitcast3A_271 = vector.bitcast %gather3A_267 : vector<16xi32> to vector<32xbf16>
      %unpack3A_272 = tpu.unpack_subelements %bitcast3A_271, 0 {pack_format = #tpu.pack_format<interleaved>} : vector<32xbf16> -> vector<16xf32>
      %unpack3A_273 = tpu.unpack_subelements %bitcast3A_271, 1 {pack_format = #tpu.pack_format<interleaved>} : vector<32xbf16> -> vector<16xf32>
      %mul3A_274 = arith.mulf %unpack3A_269, %unpack3A_272 : vector<16xf32>
      %add3A_275 = arith.addf %add3A_259, %mul3A_274 : vector<16xf32>
      %mul3A_276 = arith.mulf %unpack3A_270, %unpack3A_273 : vector<16xf32>
      %add3A_277 = arith.addf %add3A_275, %mul3A_276 : vector<16xf32>
      %add3A_278 = arith.constant 6 : i32
      %add3A_279 = vector.broadcast %add3A_278 : i32 to vector<16xi32>
      %add3A_280 = arith.addi %iota3A, %add3A_279 : vector<16xi32>
      %and3A_281 = arith.constant 31 : i32
      %and3A_282 = vector.broadcast %and3A_281 : i32 to vector<16xi32>
      %and3A_283 = arith.andi %add3A_280, %and3A_282 : vector<16xi32>
      %gather3A_284 = tpu.vector_load_idx %arg9[%add3A_172, %and3A_283] : memref<512x32xi32, #tpu.memory_space<vmem>>[vector<16xi32>, vector<16xi32>], vector<16xi32>,
      %gather3A_285 = tpu.vector_load_idx %arg10[%add3A_172, %and3A_283] : memref<512x32xi32, #tpu.memory_space<vmem>>[vector<16xi32>, vector<16xi32>], vector<16xi32>,
      %bitcast3A_286 = vector.bitcast %gather3A_284 : vector<16xi32> to vector<32xbf16>
      %unpack3A_287 = tpu.unpack_subelements %bitcast3A_286, 0 {pack_format = #tpu.pack_format<interleaved>} : vector<32xbf16> -> vector<16xf32>
      %unpack3A_288 = tpu.unpack_subelements %bitcast3A_286, 1 {pack_format = #tpu.pack_format<interleaved>} : vector<32xbf16> -> vector<16xf32>
      %bitcast3A_289 = vector.bitcast %gather3A_285 : vector<16xi32> to vector<32xbf16>
      %unpack3A_290 = tpu.unpack_subelements %bitcast3A_289, 0 {pack_format = #tpu.pack_format<interleaved>} : vector<32xbf16> -> vector<16xf32>
      %unpack3A_291 = tpu.unpack_subelements %bitcast3A_289, 1 {pack_format = #tpu.pack_format<interleaved>} : vector<32xbf16> -> vector<16xf32>
      %mul3A_292 = arith.mulf %unpack3A_287, %unpack3A_290 : vector<16xf32>
      %add3A_293 = arith.addf %add3A_277, %mul3A_292 : vector<16xf32>
      %mul3A_294 = arith.mulf %unpack3A_288, %unpack3A_291 : vector<16xf32>
      %add3A_295 = arith.addf %add3A_293, %mul3A_294 : vector<16xf32>
      %add3A_296 = arith.constant 7 : i32
      %add3A_297 = vector.broadcast %add3A_296 : i32 to vector<16xi32>
      %add3A_298 = arith.addi %iota3A, %add3A_297 : vector<16xi32>
      %and3A_299 = arith.constant 31 : i32
      %and3A_300 = vector.broadcast %and3A_299 : i32 to vector<16xi32>
      %and3A_301 = arith.andi %add3A_298, %and3A_300 : vector<16xi32>
      %gather3A_302 = tpu.vector_load_idx %arg9[%add3A_172, %and3A_301] : memref<512x32xi32, #tpu.memory_space<vmem>>[vector<16xi32>, vector<16xi32>], vector<16xi32>,
      %gather3A_303 = tpu.vector_load_idx %arg10[%add3A_172, %and3A_301] : memref<512x32xi32, #tpu.memory_space<vmem>>[vector<16xi32>, vector<16xi32>], vector<16xi32>,
      %bitcast3A_304 = vector.bitcast %gather3A_302 : vector<16xi32> to vector<32xbf16>
      %unpack3A_305 = tpu.unpack_subelements %bitcast3A_304, 0 {pack_format = #tpu.pack_format<interleaved>} : vector<32xbf16> -> vector<16xf32>
      %unpack3A_306 = tpu.unpack_subelements %bitcast3A_304, 1 {pack_format = #tpu.pack_format<interleaved>} : vector<32xbf16> -> vector<16xf32>
      %bitcast3A_307 = vector.bitcast %gather3A_303 : vector<16xi32> to vector<32xbf16>
      %unpack3A_308 = tpu.unpack_subelements %bitcast3A_307, 0 {pack_format = #tpu.pack_format<interleaved>} : vector<32xbf16> -> vector<16xf32>
      %unpack3A_309 = tpu.unpack_subelements %bitcast3A_307, 1 {pack_format = #tpu.pack_format<interleaved>} : vector<32xbf16> -> vector<16xf32>
      %mul3A_310 = arith.mulf %unpack3A_305, %unpack3A_308 : vector<16xf32>
      %add3A_311 = arith.addf %add3A_295, %mul3A_310 : vector<16xf32>
      %mul3A_312 = arith.mulf %unpack3A_306, %unpack3A_309 : vector<16xf32>
      %add3A_313 = arith.addf %add3A_311, %mul3A_312 : vector<16xf32>
      %add3A_314 = arith.constant 8 : i32
      %add3A_315 = vector.broadcast %add3A_314 : i32 to vector<16xi32>
      %add3A_316 = arith.addi %iota3A, %add3A_315 : vector<16xi32>
      %and3A_317 = arith.constant 31 : i32
      %and3A_318 = vector.broadcast %and3A_317 : i32 to vector<16xi32>
      %and3A_319 = arith.andi %add3A_316, %and3A_318 : vector<16xi32>
      %gather3A_320 = tpu.vector_load_idx %arg9[%add3A_172, %and3A_319] : memref<512x32xi32, #tpu.memory_space<vmem>>[vector<16xi32>, vector<16xi32>], vector<16xi32>,
      %gather3A_321 = tpu.vector_load_idx %arg10[%add3A_172, %and3A_319] : memref<512x32xi32, #tpu.memory_space<vmem>>[vector<16xi32>, vector<16xi32>], vector<16xi32>,
      %bitcast3A_322 = vector.bitcast %gather3A_320 : vector<16xi32> to vector<32xbf16>
      %unpack3A_323 = tpu.unpack_subelements %bitcast3A_322, 0 {pack_format = #tpu.pack_format<interleaved>} : vector<32xbf16> -> vector<16xf32>
      %unpack3A_324 = tpu.unpack_subelements %bitcast3A_322, 1 {pack_format = #tpu.pack_format<interleaved>} : vector<32xbf16> -> vector<16xf32>
      %bitcast3A_325 = vector.bitcast %gather3A_321 : vector<16xi32> to vector<32xbf16>
      %unpack3A_326 = tpu.unpack_subelements %bitcast3A_325, 0 {pack_format = #tpu.pack_format<interleaved>} : vector<32xbf16> -> vector<16xf32>
      %unpack3A_327 = tpu.unpack_subelements %bitcast3A_325, 1 {pack_format = #tpu.pack_format<interleaved>} : vector<32xbf16> -> vector<16xf32>
      %mul3A_328 = arith.mulf %unpack3A_323, %unpack3A_326 : vector<16xf32>
      %add3A_329 = arith.addf %add3A_313, %mul3A_328 : vector<16xf32>
      %mul3A_330 = arith.mulf %unpack3A_324, %unpack3A_327 : vector<16xf32>
      %add3A_331 = arith.addf %add3A_329, %mul3A_330 : vector<16xf32>
      %add3A_332 = arith.constant 9 : i32
      %add3A_333 = vector.broadcast %add3A_332 : i32 to vector<16xi32>
      %add3A_334 = arith.addi %iota3A, %add3A_333 : vector<16xi32>
      %and3A_335 = arith.constant 31 : i32
      %and3A_336 = vector.broadcast %and3A_335 : i32 to vector<16xi32>
      %and3A_337 = arith.andi %add3A_334, %and3A_336 : vector<16xi32>
      %gather3A_338 = tpu.vector_load_idx %arg9[%add3A_172, %and3A_337] : memref<512x32xi32, #tpu.memory_space<vmem>>[vector<16xi32>, vector<16xi32>], vector<16xi32>,
      %gather3A_339 = tpu.vector_load_idx %arg10[%add3A_172, %and3A_337] : memref<512x32xi32, #tpu.memory_space<vmem>>[vector<16xi32>, vector<16xi32>], vector<16xi32>,
      %bitcast3A_340 = vector.bitcast %gather3A_338 : vector<16xi32> to vector<32xbf16>
      %unpack3A_341 = tpu.unpack_subelements %bitcast3A_340, 0 {pack_format = #tpu.pack_format<interleaved>} : vector<32xbf16> -> vector<16xf32>
      %unpack3A_342 = tpu.unpack_subelements %bitcast3A_340, 1 {pack_format = #tpu.pack_format<interleaved>} : vector<32xbf16> -> vector<16xf32>
      %bitcast3A_343 = vector.bitcast %gather3A_339 : vector<16xi32> to vector<32xbf16>
      %unpack3A_344 = tpu.unpack_subelements %bitcast3A_343, 0 {pack_format = #tpu.pack_format<interleaved>} : vector<32xbf16> -> vector<16xf32>
      %unpack3A_345 = tpu.unpack_subelements %bitcast3A_343, 1 {pack_format = #tpu.pack_format<interleaved>} : vector<32xbf16> -> vector<16xf32>
      %mul3A_346 = arith.mulf %unpack3A_341, %unpack3A_344 : vector<16xf32>
      %add3A_347 = arith.addf %add3A_331, %mul3A_346 : vector<16xf32>
      %mul3A_348 = arith.mulf %unpack3A_342, %unpack3A_345 : vector<16xf32>
      %add3A_349 = arith.addf %add3A_347, %mul3A_348 : vector<16xf32>
      %add3A_350 = arith.constant 10 : i32
      %add3A_351 = vector.broadcast %add3A_350 : i32 to vector<16xi32>
      %add3A_352 = arith.addi %iota3A, %add3A_351 : vector<16xi32>
      %and3A_353 = arith.constant 31 : i32
      %and3A_354 = vector.broadcast %and3A_353 : i32 to vector<16xi32>
      %and3A_355 = arith.andi %add3A_352, %and3A_354 : vector<16xi32>
      %gather3A_356 = tpu.vector_load_idx %arg9[%add3A_172, %and3A_355] : memref<512x32xi32, #tpu.memory_space<vmem>>[vector<16xi32>, vector<16xi32>], vector<16xi32>,
      %gather3A_357 = tpu.vector_load_idx %arg10[%add3A_172, %and3A_355] : memref<512x32xi32, #tpu.memory_space<vmem>>[vector<16xi32>, vector<16xi32>], vector<16xi32>,
      %bitcast3A_358 = vector.bitcast %gather3A_356 : vector<16xi32> to vector<32xbf16>
      %unpack3A_359 = tpu.unpack_subelements %bitcast3A_358, 0 {pack_format = #tpu.pack_format<interleaved>} : vector<32xbf16> -> vector<16xf32>
      %unpack3A_360 = tpu.unpack_subelements %bitcast3A_358, 1 {pack_format = #tpu.pack_format<interleaved>} : vector<32xbf16> -> vector<16xf32>
      %bitcast3A_361 = vector.bitcast %gather3A_357 : vector<16xi32> to vector<32xbf16>
      %unpack3A_362 = tpu.unpack_subelements %bitcast3A_361, 0 {pack_format = #tpu.pack_format<interleaved>} : vector<32xbf16> -> vector<16xf32>
      %unpack3A_363 = tpu.unpack_subelements %bitcast3A_361, 1 {pack_format = #tpu.pack_format<interleaved>} : vector<32xbf16> -> vector<16xf32>
      %mul3A_364 = arith.mulf %unpack3A_359, %unpack3A_362 : vector<16xf32>
      %add3A_365 = arith.addf %add3A_349, %mul3A_364 : vector<16xf32>
      %mul3A_366 = arith.mulf %unpack3A_360, %unpack3A_363 : vector<16xf32>
      %add3A_367 = arith.addf %add3A_365, %mul3A_366 : vector<16xf32>
      %add3A_368 = arith.constant 11 : i32
      %add3A_369 = vector.broadcast %add3A_368 : i32 to vector<16xi32>
      %add3A_370 = arith.addi %iota3A, %add3A_369 : vector<16xi32>
      %and3A_371 = arith.constant 31 : i32
      %and3A_372 = vector.broadcast %and3A_371 : i32 to vector<16xi32>
      %and3A_373 = arith.andi %add3A_370, %and3A_372 : vector<16xi32>
      %gather3A_374 = tpu.vector_load_idx %arg9[%add3A_172, %and3A_373] : memref<512x32xi32, #tpu.memory_space<vmem>>[vector<16xi32>, vector<16xi32>], vector<16xi32>,
      %gather3A_375 = tpu.vector_load_idx %arg10[%add3A_172, %and3A_373] : memref<512x32xi32, #tpu.memory_space<vmem>>[vector<16xi32>, vector<16xi32>], vector<16xi32>,
      %bitcast3A_376 = vector.bitcast %gather3A_374 : vector<16xi32> to vector<32xbf16>
      %unpack3A_377 = tpu.unpack_subelements %bitcast3A_376, 0 {pack_format = #tpu.pack_format<interleaved>} : vector<32xbf16> -> vector<16xf32>
      %unpack3A_378 = tpu.unpack_subelements %bitcast3A_376, 1 {pack_format = #tpu.pack_format<interleaved>} : vector<32xbf16> -> vector<16xf32>
      %bitcast3A_379 = vector.bitcast %gather3A_375 : vector<16xi32> to vector<32xbf16>
      %unpack3A_380 = tpu.unpack_subelements %bitcast3A_379, 0 {pack_format = #tpu.pack_format<interleaved>} : vector<32xbf16> -> vector<16xf32>
      %unpack3A_381 = tpu.unpack_subelements %bitcast3A_379, 1 {pack_format = #tpu.pack_format<interleaved>} : vector<32xbf16> -> vector<16xf32>
      %mul3A_382 = arith.mulf %unpack3A_377, %unpack3A_380 : vector<16xf32>
      %add3A_383 = arith.addf %add3A_367, %mul3A_382 : vector<16xf32>
      %mul3A_384 = arith.mulf %unpack3A_378, %unpack3A_381 : vector<16xf32>
      %add3A_385 = arith.addf %add3A_383, %mul3A_384 : vector<16xf32>
      %add3A_386 = arith.constant 12 : i32
      %add3A_387 = vector.broadcast %add3A_386 : i32 to vector<16xi32>
      %add3A_388 = arith.addi %iota3A, %add3A_387 : vector<16xi32>
      %and3A_389 = arith.constant 31 : i32
      %and3A_390 = vector.broadcast %and3A_389 : i32 to vector<16xi32>
      %and3A_391 = arith.andi %add3A_388, %and3A_390 : vector<16xi32>
      %gather3A_392 = tpu.vector_load_idx %arg9[%add3A_172, %and3A_391] : memref<512x32xi32, #tpu.memory_space<vmem>>[vector<16xi32>, vector<16xi32>], vector<16xi32>,
      %gather3A_393 = tpu.vector_load_idx %arg10[%add3A_172, %and3A_391] : memref<512x32xi32, #tpu.memory_space<vmem>>[vector<16xi32>, vector<16xi32>], vector<16xi32>,
      %bitcast3A_394 = vector.bitcast %gather3A_392 : vector<16xi32> to vector<32xbf16>
      %unpack3A_395 = tpu.unpack_subelements %bitcast3A_394, 0 {pack_format = #tpu.pack_format<interleaved>} : vector<32xbf16> -> vector<16xf32>
      %unpack3A_396 = tpu.unpack_subelements %bitcast3A_394, 1 {pack_format = #tpu.pack_format<interleaved>} : vector<32xbf16> -> vector<16xf32>
      %bitcast3A_397 = vector.bitcast %gather3A_393 : vector<16xi32> to vector<32xbf16>
      %unpack3A_398 = tpu.unpack_subelements %bitcast3A_397, 0 {pack_format = #tpu.pack_format<interleaved>} : vector<32xbf16> -> vector<16xf32>
      %unpack3A_399 = tpu.unpack_subelements %bitcast3A_397, 1 {pack_format = #tpu.pack_format<interleaved>} : vector<32xbf16> -> vector<16xf32>
      %mul3A_400 = arith.mulf %unpack3A_395, %unpack3A_398 : vector<16xf32>
      %add3A_401 = arith.addf %add3A_385, %mul3A_400 : vector<16xf32>
      %mul3A_402 = arith.mulf %unpack3A_396, %unpack3A_399 : vector<16xf32>
      %add3A_403 = arith.addf %add3A_401, %mul3A_402 : vector<16xf32>
      %add3A_404 = arith.constant 13 : i32
      %add3A_405 = vector.broadcast %add3A_404 : i32 to vector<16xi32>
      %add3A_406 = arith.addi %iota3A, %add3A_405 : vector<16xi32>
      %and3A_407 = arith.constant 31 : i32
      %and3A_408 = vector.broadcast %and3A_407 : i32 to vector<16xi32>
      %and3A_409 = arith.andi %add3A_406, %and3A_408 : vector<16xi32>
      %gather3A_410 = tpu.vector_load_idx %arg9[%add3A_172, %and3A_409] : memref<512x32xi32, #tpu.memory_space<vmem>>[vector<16xi32>, vector<16xi32>], vector<16xi32>,
      %gather3A_411 = tpu.vector_load_idx %arg10[%add3A_172, %and3A_409] : memref<512x32xi32, #tpu.memory_space<vmem>>[vector<16xi32>, vector<16xi32>], vector<16xi32>,
      %bitcast3A_412 = vector.bitcast %gather3A_410 : vector<16xi32> to vector<32xbf16>
      %unpack3A_413 = tpu.unpack_subelements %bitcast3A_412, 0 {pack_format = #tpu.pack_format<interleaved>} : vector<32xbf16> -> vector<16xf32>
      %unpack3A_414 = tpu.unpack_subelements %bitcast3A_412, 1 {pack_format = #tpu.pack_format<interleaved>} : vector<32xbf16> -> vector<16xf32>
      %bitcast3A_415 = vector.bitcast %gather3A_411 : vector<16xi32> to vector<32xbf16>
      %unpack3A_416 = tpu.unpack_subelements %bitcast3A_415, 0 {pack_format = #tpu.pack_format<interleaved>} : vector<32xbf16> -> vector<16xf32>
      %unpack3A_417 = tpu.unpack_subelements %bitcast3A_415, 1 {pack_format = #tpu.pack_format<interleaved>} : vector<32xbf16> -> vector<16xf32>
      %mul3A_418 = arith.mulf %unpack3A_413, %unpack3A_416 : vector<16xf32>
      %add3A_419 = arith.addf %add3A_403, %mul3A_418 : vector<16xf32>
      %mul3A_420 = arith.mulf %unpack3A_414, %unpack3A_417 : vector<16xf32>
      %add3A_421 = arith.addf %add3A_419, %mul3A_420 : vector<16xf32>
      %add3A_422 = arith.constant 14 : i32
      %add3A_423 = vector.broadcast %add3A_422 : i32 to vector<16xi32>
      %add3A_424 = arith.addi %iota3A, %add3A_423 : vector<16xi32>
      %and3A_425 = arith.constant 31 : i32
      %and3A_426 = vector.broadcast %and3A_425 : i32 to vector<16xi32>
      %and3A_427 = arith.andi %add3A_424, %and3A_426 : vector<16xi32>
      %gather3A_428 = tpu.vector_load_idx %arg9[%add3A_172, %and3A_427] : memref<512x32xi32, #tpu.memory_space<vmem>>[vector<16xi32>, vector<16xi32>], vector<16xi32>,
      %gather3A_429 = tpu.vector_load_idx %arg10[%add3A_172, %and3A_427] : memref<512x32xi32, #tpu.memory_space<vmem>>[vector<16xi32>, vector<16xi32>], vector<16xi32>,
      %bitcast3A_430 = vector.bitcast %gather3A_428 : vector<16xi32> to vector<32xbf16>
      %unpack3A_431 = tpu.unpack_subelements %bitcast3A_430, 0 {pack_format = #tpu.pack_format<interleaved>} : vector<32xbf16> -> vector<16xf32>
      %unpack3A_432 = tpu.unpack_subelements %bitcast3A_430, 1 {pack_format = #tpu.pack_format<interleaved>} : vector<32xbf16> -> vector<16xf32>
      %bitcast3A_433 = vector.bitcast %gather3A_429 : vector<16xi32> to vector<32xbf16>
      %unpack3A_434 = tpu.unpack_subelements %bitcast3A_433, 0 {pack_format = #tpu.pack_format<interleaved>} : vector<32xbf16> -> vector<16xf32>
      %unpack3A_435 = tpu.unpack_subelements %bitcast3A_433, 1 {pack_format = #tpu.pack_format<interleaved>} : vector<32xbf16> -> vector<16xf32>
      %mul3A_436 = arith.mulf %unpack3A_431, %unpack3A_434 : vector<16xf32>
      %add3A_437 = arith.addf %add3A_421, %mul3A_436 : vector<16xf32>
      %mul3A_438 = arith.mulf %unpack3A_432, %unpack3A_435 : vector<16xf32>
      %add3A_439 = arith.addf %add3A_437, %mul3A_438 : vector<16xf32>
      %add3A_440 = arith.constant 15 : i32
      %add3A_441 = vector.broadcast %add3A_440 : i32 to vector<16xi32>
      %add3A_442 = arith.addi %iota3A, %add3A_441 : vector<16xi32>
      %and3A_443 = arith.constant 31 : i32
      %and3A_444 = vector.broadcast %and3A_443 : i32 to vector<16xi32>
      %and3A_445 = arith.andi %add3A_442, %and3A_444 : vector<16xi32>
      %gather3A_446 = tpu.vector_load_idx %arg9[%add3A_172, %and3A_445] : memref<512x32xi32, #tpu.memory_space<vmem>>[vector<16xi32>, vector<16xi32>], vector<16xi32>,
      %gather3A_447 = tpu.vector_load_idx %arg10[%add3A_172, %and3A_445] : memref<512x32xi32, #tpu.memory_space<vmem>>[vector<16xi32>, vector<16xi32>], vector<16xi32>,
      %bitcast3A_448 = vector.bitcast %gather3A_446 : vector<16xi32> to vector<32xbf16>
      %unpack3A_449 = tpu.unpack_subelements %bitcast3A_448, 0 {pack_format = #tpu.pack_format<interleaved>} : vector<32xbf16> -> vector<16xf32>
      %unpack3A_450 = tpu.unpack_subelements %bitcast3A_448, 1 {pack_format = #tpu.pack_format<interleaved>} : vector<32xbf16> -> vector<16xf32>
      %bitcast3A_451 = vector.bitcast %gather3A_447 : vector<16xi32> to vector<32xbf16>
      %unpack3A_452 = tpu.unpack_subelements %bitcast3A_451, 0 {pack_format = #tpu.pack_format<interleaved>} : vector<32xbf16> -> vector<16xf32>
      %unpack3A_453 = tpu.unpack_subelements %bitcast3A_451, 1 {pack_format = #tpu.pack_format<interleaved>} : vector<32xbf16> -> vector<16xf32>
      %mul3A_454 = arith.mulf %unpack3A_449, %unpack3A_452 : vector<16xf32>
      %add3A_455 = arith.addf %add3A_439, %mul3A_454 : vector<16xf32>
      %mul3A_456 = arith.mulf %unpack3A_450, %unpack3A_453 : vector<16xf32>
      %add3A_457 = arith.addf %add3A_455, %mul3A_456 : vector<16xf32>
      %add3A_458 = arith.constant 16 : i32
      %add3A_459 = vector.broadcast %add3A_458 : i32 to vector<16xi32>
      %add3A_460 = arith.addi %iota3A, %add3A_459 : vector<16xi32>
      %and3A_461 = arith.constant 31 : i32
      %and3A_462 = vector.broadcast %and3A_461 : i32 to vector<16xi32>
      %and3A_463 = arith.andi %add3A_460, %and3A_462 : vector<16xi32>
      %gather3A_464 = tpu.vector_load_idx %arg9[%add3A_172, %and3A_463] : memref<512x32xi32, #tpu.memory_space<vmem>>[vector<16xi32>, vector<16xi32>], vector<16xi32>,
      %gather3A_465 = tpu.vector_load_idx %arg10[%add3A_172, %and3A_463] : memref<512x32xi32, #tpu.memory_space<vmem>>[vector<16xi32>, vector<16xi32>], vector<16xi32>,
      %bitcast3A_466 = vector.bitcast %gather3A_464 : vector<16xi32> to vector<32xbf16>
      %unpack3A_467 = tpu.unpack_subelements %bitcast3A_466, 0 {pack_format = #tpu.pack_format<interleaved>} : vector<32xbf16> -> vector<16xf32>
      %unpack3A_468 = tpu.unpack_subelements %bitcast3A_466, 1 {pack_format = #tpu.pack_format<interleaved>} : vector<32xbf16> -> vector<16xf32>
      %bitcast3A_469 = vector.bitcast %gather3A_465 : vector<16xi32> to vector<32xbf16>
      %unpack3A_470 = tpu.unpack_subelements %bitcast3A_469, 0 {pack_format = #tpu.pack_format<interleaved>} : vector<32xbf16> -> vector<16xf32>
      %unpack3A_471 = tpu.unpack_subelements %bitcast3A_469, 1 {pack_format = #tpu.pack_format<interleaved>} : vector<32xbf16> -> vector<16xf32>
      %mul3A_472 = arith.mulf %unpack3A_467, %unpack3A_470 : vector<16xf32>
      %add3A_473 = arith.addf %add3A_457, %mul3A_472 : vector<16xf32>
      %mul3A_474 = arith.mulf %unpack3A_468, %unpack3A_471 : vector<16xf32>
      %add3A_475 = arith.addf %add3A_473, %mul3A_474 : vector<16xf32>
      %add3A_476 = arith.constant 17 : i32
      %add3A_477 = vector.broadcast %add3A_476 : i32 to vector<16xi32>
      %add3A_478 = arith.addi %iota3A, %add3A_477 : vector<16xi32>
      %and3A_479 = arith.constant 31 : i32
      %and3A_480 = vector.broadcast %and3A_479 : i32 to vector<16xi32>
      %and3A_481 = arith.andi %add3A_478, %and3A_480 : vector<16xi32>
      %gather3A_482 = tpu.vector_load_idx %arg9[%add3A_172, %and3A_481] : memref<512x32xi32, #tpu.memory_space<vmem>>[vector<16xi32>, vector<16xi32>], vector<16xi32>,
      %gather3A_483 = tpu.vector_load_idx %arg10[%add3A_172, %and3A_481] : memref<512x32xi32, #tpu.memory_space<vmem>>[vector<16xi32>, vector<16xi32>], vector<16xi32>,
      %bitcast3A_484 = vector.bitcast %gather3A_482 : vector<16xi32> to vector<32xbf16>
      %unpack3A_485 = tpu.unpack_subelements %bitcast3A_484, 0 {pack_format = #tpu.pack_format<interleaved>} : vector<32xbf16> -> vector<16xf32>
      %unpack3A_486 = tpu.unpack_subelements %bitcast3A_484, 1 {pack_format = #tpu.pack_format<interleaved>} : vector<32xbf16> -> vector<16xf32>
      %bitcast3A_487 = vector.bitcast %gather3A_483 : vector<16xi32> to vector<32xbf16>
      %unpack3A_488 = tpu.unpack_subelements %bitcast3A_487, 0 {pack_format = #tpu.pack_format<interleaved>} : vector<32xbf16> -> vector<16xf32>
      %unpack3A_489 = tpu.unpack_subelements %bitcast3A_487, 1 {pack_format = #tpu.pack_format<interleaved>} : vector<32xbf16> -> vector<16xf32>
      %mul3A_490 = arith.mulf %unpack3A_485, %unpack3A_488 : vector<16xf32>
      %add3A_491 = arith.addf %add3A_475, %mul3A_490 : vector<16xf32>
      %mul3A_492 = arith.mulf %unpack3A_486, %unpack3A_489 : vector<16xf32>
      %add3A_493 = arith.addf %add3A_491, %mul3A_492 : vector<16xf32>
      %add3A_494 = arith.constant 18 : i32
      %add3A_495 = vector.broadcast %add3A_494 : i32 to vector<16xi32>
      %add3A_496 = arith.addi %iota3A, %add3A_495 : vector<16xi32>
      %and3A_497 = arith.constant 31 : i32
      %and3A_498 = vector.broadcast %and3A_497 : i32 to vector<16xi32>
      %and3A_499 = arith.andi %add3A_496, %and3A_498 : vector<16xi32>
      %gather3A_500 = tpu.vector_load_idx %arg9[%add3A_172, %and3A_499] : memref<512x32xi32, #tpu.memory_space<vmem>>[vector<16xi32>, vector<16xi32>], vector<16xi32>,
      %gather3A_501 = tpu.vector_load_idx %arg10[%add3A_172, %and3A_499] : memref<512x32xi32, #tpu.memory_space<vmem>>[vector<16xi32>, vector<16xi32>], vector<16xi32>,
      %bitcast3A_502 = vector.bitcast %gather3A_500 : vector<16xi32> to vector<32xbf16>
      %unpack3A_503 = tpu.unpack_subelements %bitcast3A_502, 0 {pack_format = #tpu.pack_format<interleaved>} : vector<32xbf16> -> vector<16xf32>
      %unpack3A_504 = tpu.unpack_subelements %bitcast3A_502, 1 {pack_format = #tpu.pack_format<interleaved>} : vector<32xbf16> -> vector<16xf32>
      %bitcast3A_505 = vector.bitcast %gather3A_501 : vector<16xi32> to vector<32xbf16>
      %unpack3A_506 = tpu.unpack_subelements %bitcast3A_505, 0 {pack_format = #tpu.pack_format<interleaved>} : vector<32xbf16> -> vector<16xf32>
      %unpack3A_507 = tpu.unpack_subelements %bitcast3A_505, 1 {pack_format = #tpu.pack_format<interleaved>} : vector<32xbf16> -> vector<16xf32>
      %mul3A_508 = arith.mulf %unpack3A_503, %unpack3A_506 : vector<16xf32>
      %add3A_509 = arith.addf %add3A_493, %mul3A_508 : vector<16xf32>
      %mul3A_510 = arith.mulf %unpack3A_504, %unpack3A_507 : vector<16xf32>
      %add3A_511 = arith.addf %add3A_509, %mul3A_510 : vector<16xf32>
      %add3A_512 = arith.constant 19 : i32
      %add3A_513 = vector.broadcast %add3A_512 : i32 to vector<16xi32>
      %add3A_514 = arith.addi %iota3A, %add3A_513 : vector<16xi32>
      %and3A_515 = arith.constant 31 : i32
      %and3A_516 = vector.broadcast %and3A_515 : i32 to vector<16xi32>
      %and3A_517 = arith.andi %add3A_514, %and3A_516 : vector<16xi32>
      %gather3A_518 = tpu.vector_load_idx %arg9[%add3A_172, %and3A_517] : memref<512x32xi32, #tpu.memory_space<vmem>>[vector<16xi32>, vector<16xi32>], vector<16xi32>,
      %gather3A_519 = tpu.vector_load_idx %arg10[%add3A_172, %and3A_517] : memref<512x32xi32, #tpu.memory_space<vmem>>[vector<16xi32>, vector<16xi32>], vector<16xi32>,
      %bitcast3A_520 = vector.bitcast %gather3A_518 : vector<16xi32> to vector<32xbf16>
      %unpack3A_521 = tpu.unpack_subelements %bitcast3A_520, 0 {pack_format = #tpu.pack_format<interleaved>} : vector<32xbf16> -> vector<16xf32>
      %unpack3A_522 = tpu.unpack_subelements %bitcast3A_520, 1 {pack_format = #tpu.pack_format<interleaved>} : vector<32xbf16> -> vector<16xf32>
      %bitcast3A_523 = vector.bitcast %gather3A_519 : vector<16xi32> to vector<32xbf16>
      %unpack3A_524 = tpu.unpack_subelements %bitcast3A_523, 0 {pack_format = #tpu.pack_format<interleaved>} : vector<32xbf16> -> vector<16xf32>
      %unpack3A_525 = tpu.unpack_subelements %bitcast3A_523, 1 {pack_format = #tpu.pack_format<interleaved>} : vector<32xbf16> -> vector<16xf32>
      %mul3A_526 = arith.mulf %unpack3A_521, %unpack3A_524 : vector<16xf32>
      %add3A_527 = arith.addf %add3A_511, %mul3A_526 : vector<16xf32>
      %mul3A_528 = arith.mulf %unpack3A_522, %unpack3A_525 : vector<16xf32>
      %add3A_529 = arith.addf %add3A_527, %mul3A_528 : vector<16xf32>
      %add3A_530 = arith.constant 20 : i32
      %add3A_531 = vector.broadcast %add3A_530 : i32 to vector<16xi32>
      %add3A_532 = arith.addi %iota3A, %add3A_531 : vector<16xi32>
      %and3A_533 = arith.constant 31 : i32
      %and3A_534 = vector.broadcast %and3A_533 : i32 to vector<16xi32>
      %and3A_535 = arith.andi %add3A_532, %and3A_534 : vector<16xi32>
      %gather3A_536 = tpu.vector_load_idx %arg9[%add3A_172, %and3A_535] : memref<512x32xi32, #tpu.memory_space<vmem>>[vector<16xi32>, vector<16xi32>], vector<16xi32>,
      %gather3A_537 = tpu.vector_load_idx %arg10[%add3A_172, %and3A_535] : memref<512x32xi32, #tpu.memory_space<vmem>>[vector<16xi32>, vector<16xi32>], vector<16xi32>,
      %bitcast3A_538 = vector.bitcast %gather3A_536 : vector<16xi32> to vector<32xbf16>
      %unpack3A_539 = tpu.unpack_subelements %bitcast3A_538, 0 {pack_format = #tpu.pack_format<interleaved>} : vector<32xbf16> -> vector<16xf32>
      %unpack3A_540 = tpu.unpack_subelements %bitcast3A_538, 1 {pack_format = #tpu.pack_format<interleaved>} : vector<32xbf16> -> vector<16xf32>
      %bitcast3A_541 = vector.bitcast %gather3A_537 : vector<16xi32> to vector<32xbf16>
      %unpack3A_542 = tpu.unpack_subelements %bitcast3A_541, 0 {pack_format = #tpu.pack_format<interleaved>} : vector<32xbf16> -> vector<16xf32>
      %unpack3A_543 = tpu.unpack_subelements %bitcast3A_541, 1 {pack_format = #tpu.pack_format<interleaved>} : vector<32xbf16> -> vector<16xf32>
      %mul3A_544 = arith.mulf %unpack3A_539, %unpack3A_542 : vector<16xf32>
      %add3A_545 = arith.addf %add3A_529, %mul3A_544 : vector<16xf32>
      %mul3A_546 = arith.mulf %unpack3A_540, %unpack3A_543 : vector<16xf32>
      %add3A_547 = arith.addf %add3A_545, %mul3A_546 : vector<16xf32>
      %add3A_548 = arith.constant 21 : i32
      %add3A_549 = vector.broadcast %add3A_548 : i32 to vector<16xi32>
      %add3A_550 = arith.addi %iota3A, %add3A_549 : vector<16xi32>
      %and3A_551 = arith.constant 31 : i32
      %and3A_552 = vector.broadcast %and3A_551 : i32 to vector<16xi32>
      %and3A_553 = arith.andi %add3A_550, %and3A_552 : vector<16xi32>
      %gather3A_554 = tpu.vector_load_idx %arg9[%add3A_172, %and3A_553] : memref<512x32xi32, #tpu.memory_space<vmem>>[vector<16xi32>, vector<16xi32>], vector<16xi32>,
      %gather3A_555 = tpu.vector_load_idx %arg10[%add3A_172, %and3A_553] : memref<512x32xi32, #tpu.memory_space<vmem>>[vector<16xi32>, vector<16xi32>], vector<16xi32>,
      %bitcast3A_556 = vector.bitcast %gather3A_554 : vector<16xi32> to vector<32xbf16>
      %unpack3A_557 = tpu.unpack_subelements %bitcast3A_556, 0 {pack_format = #tpu.pack_format<interleaved>} : vector<32xbf16> -> vector<16xf32>
      %unpack3A_558 = tpu.unpack_subelements %bitcast3A_556, 1 {pack_format = #tpu.pack_format<interleaved>} : vector<32xbf16> -> vector<16xf32>
      %bitcast3A_559 = vector.bitcast %gather3A_555 : vector<16xi32> to vector<32xbf16>
      %unpack3A_560 = tpu.unpack_subelements %bitcast3A_559, 0 {pack_format = #tpu.pack_format<interleaved>} : vector<32xbf16> -> vector<16xf32>
      %unpack3A_561 = tpu.unpack_subelements %bitcast3A_559, 1 {pack_format = #tpu.pack_format<interleaved>} : vector<32xbf16> -> vector<16xf32>
      %mul3A_562 = arith.mulf %unpack3A_557, %unpack3A_560 : vector<16xf32>
      %add3A_563 = arith.addf %add3A_547, %mul3A_562 : vector<16xf32>
      %mul3A_564 = arith.mulf %unpack3A_558, %unpack3A_561 : vector<16xf32>
      %add3A_565 = arith.addf %add3A_563, %mul3A_564 : vector<16xf32>
      %add3A_566 = arith.constant 22 : i32
      %add3A_567 = vector.broadcast %add3A_566 : i32 to vector<16xi32>
      %add3A_568 = arith.addi %iota3A, %add3A_567 : vector<16xi32>
      %and3A_569 = arith.constant 31 : i32
      %and3A_570 = vector.broadcast %and3A_569 : i32 to vector<16xi32>
      %and3A_571 = arith.andi %add3A_568, %and3A_570 : vector<16xi32>
      %gather3A_572 = tpu.vector_load_idx %arg9[%add3A_172, %and3A_571] : memref<512x32xi32, #tpu.memory_space<vmem>>[vector<16xi32>, vector<16xi32>], vector<16xi32>,
      %gather3A_573 = tpu.vector_load_idx %arg10[%add3A_172, %and3A_571] : memref<512x32xi32, #tpu.memory_space<vmem>>[vector<16xi32>, vector<16xi32>], vector<16xi32>,
      %bitcast3A_574 = vector.bitcast %gather3A_572 : vector<16xi32> to vector<32xbf16>
      %unpack3A_575 = tpu.unpack_subelements %bitcast3A_574, 0 {pack_format = #tpu.pack_format<interleaved>} : vector<32xbf16> -> vector<16xf32>
      %unpack3A_576 = tpu.unpack_subelements %bitcast3A_574, 1 {pack_format = #tpu.pack_format<interleaved>} : vector<32xbf16> -> vector<16xf32>
      %bitcast3A_577 = vector.bitcast %gather3A_573 : vector<16xi32> to vector<32xbf16>
      %unpack3A_578 = tpu.unpack_subelements %bitcast3A_577, 0 {pack_format = #tpu.pack_format<interleaved>} : vector<32xbf16> -> vector<16xf32>
      %unpack3A_579 = tpu.unpack_subelements %bitcast3A_577, 1 {pack_format = #tpu.pack_format<interleaved>} : vector<32xbf16> -> vector<16xf32>
      %mul3A_580 = arith.mulf %unpack3A_575, %unpack3A_578 : vector<16xf32>
      %add3A_581 = arith.addf %add3A_565, %mul3A_580 : vector<16xf32>
      %mul3A_582 = arith.mulf %unpack3A_576, %unpack3A_579 : vector<16xf32>
      %add3A_583 = arith.addf %add3A_581, %mul3A_582 : vector<16xf32>
      %add3A_584 = arith.constant 23 : i32
      %add3A_585 = vector.broadcast %add3A_584 : i32 to vector<16xi32>
      %add3A_586 = arith.addi %iota3A, %add3A_585 : vector<16xi32>
      %and3A_587 = arith.constant 31 : i32
      %and3A_588 = vector.broadcast %and3A_587 : i32 to vector<16xi32>
      %and3A_589 = arith.andi %add3A_586, %and3A_588 : vector<16xi32>
      %gather3A_590 = tpu.vector_load_idx %arg9[%add3A_172, %and3A_589] : memref<512x32xi32, #tpu.memory_space<vmem>>[vector<16xi32>, vector<16xi32>], vector<16xi32>,
      %gather3A_591 = tpu.vector_load_idx %arg10[%add3A_172, %and3A_589] : memref<512x32xi32, #tpu.memory_space<vmem>>[vector<16xi32>, vector<16xi32>], vector<16xi32>,
      %bitcast3A_592 = vector.bitcast %gather3A_590 : vector<16xi32> to vector<32xbf16>
      %unpack3A_593 = tpu.unpack_subelements %bitcast3A_592, 0 {pack_format = #tpu.pack_format<interleaved>} : vector<32xbf16> -> vector<16xf32>
      %unpack3A_594 = tpu.unpack_subelements %bitcast3A_592, 1 {pack_format = #tpu.pack_format<interleaved>} : vector<32xbf16> -> vector<16xf32>
      %bitcast3A_595 = vector.bitcast %gather3A_591 : vector<16xi32> to vector<32xbf16>
      %unpack3A_596 = tpu.unpack_subelements %bitcast3A_595, 0 {pack_format = #tpu.pack_format<interleaved>} : vector<32xbf16> -> vector<16xf32>
      %unpack3A_597 = tpu.unpack_subelements %bitcast3A_595, 1 {pack_format = #tpu.pack_format<interleaved>} : vector<32xbf16> -> vector<16xf32>
      %mul3A_598 = arith.mulf %unpack3A_593, %unpack3A_596 : vector<16xf32>
      %add3A_599 = arith.addf %add3A_583, %mul3A_598 : vector<16xf32>
      %mul3A_600 = arith.mulf %unpack3A_594, %unpack3A_597 : vector<16xf32>
      %add3A_601 = arith.addf %add3A_599, %mul3A_600 : vector<16xf32>
      %add3A_602 = arith.constant 24 : i32
      %add3A_603 = vector.broadcast %add3A_602 : i32 to vector<16xi32>
      %add3A_604 = arith.addi %iota3A, %add3A_603 : vector<16xi32>
      %and3A_605 = arith.constant 31 : i32
      %and3A_606 = vector.broadcast %and3A_605 : i32 to vector<16xi32>
      %and3A_607 = arith.andi %add3A_604, %and3A_606 : vector<16xi32>
      %gather3A_608 = tpu.vector_load_idx %arg9[%add3A_172, %and3A_607] : memref<512x32xi32, #tpu.memory_space<vmem>>[vector<16xi32>, vector<16xi32>], vector<16xi32>,
      %gather3A_609 = tpu.vector_load_idx %arg10[%add3A_172, %and3A_607] : memref<512x32xi32, #tpu.memory_space<vmem>>[vector<16xi32>, vector<16xi32>], vector<16xi32>,
      %bitcast3A_610 = vector.bitcast %gather3A_608 : vector<16xi32> to vector<32xbf16>
      %unpack3A_611 = tpu.unpack_subelements %bitcast3A_610, 0 {pack_format = #tpu.pack_format<interleaved>} : vector<32xbf16> -> vector<16xf32>
      %unpack3A_612 = tpu.unpack_subelements %bitcast3A_610, 1 {pack_format = #tpu.pack_format<interleaved>} : vector<32xbf16> -> vector<16xf32>
      %bitcast3A_613 = vector.bitcast %gather3A_609 : vector<16xi32> to vector<32xbf16>
      %unpack3A_614 = tpu.unpack_subelements %bitcast3A_613, 0 {pack_format = #tpu.pack_format<interleaved>} : vector<32xbf16> -> vector<16xf32>
      %unpack3A_615 = tpu.unpack_subelements %bitcast3A_613, 1 {pack_format = #tpu.pack_format<interleaved>} : vector<32xbf16> -> vector<16xf32>
      %mul3A_616 = arith.mulf %unpack3A_611, %unpack3A_614 : vector<16xf32>
      %add3A_617 = arith.addf %add3A_601, %mul3A_616 : vector<16xf32>
      %mul3A_618 = arith.mulf %unpack3A_612, %unpack3A_615 : vector<16xf32>
      %add3A_619 = arith.addf %add3A_617, %mul3A_618 : vector<16xf32>
      %add3A_620 = arith.constant 25 : i32
      %add3A_621 = vector.broadcast %add3A_620 : i32 to vector<16xi32>
      %add3A_622 = arith.addi %iota3A, %add3A_621 : vector<16xi32>
      %and3A_623 = arith.constant 31 : i32
      %and3A_624 = vector.broadcast %and3A_623 : i32 to vector<16xi32>
      %and3A_625 = arith.andi %add3A_622, %and3A_624 : vector<16xi32>
      %gather3A_626 = tpu.vector_load_idx %arg9[%add3A_172, %and3A_625] : memref<512x32xi32, #tpu.memory_space<vmem>>[vector<16xi32>, vector<16xi32>], vector<16xi32>,
      %gather3A_627 = tpu.vector_load_idx %arg10[%add3A_172, %and3A_625] : memref<512x32xi32, #tpu.memory_space<vmem>>[vector<16xi32>, vector<16xi32>], vector<16xi32>,
      %bitcast3A_628 = vector.bitcast %gather3A_626 : vector<16xi32> to vector<32xbf16>
      %unpack3A_629 = tpu.unpack_subelements %bitcast3A_628, 0 {pack_format = #tpu.pack_format<interleaved>} : vector<32xbf16> -> vector<16xf32>
      %unpack3A_630 = tpu.unpack_subelements %bitcast3A_628, 1 {pack_format = #tpu.pack_format<interleaved>} : vector<32xbf16> -> vector<16xf32>
      %bitcast3A_631 = vector.bitcast %gather3A_627 : vector<16xi32> to vector<32xbf16>
      %unpack3A_632 = tpu.unpack_subelements %bitcast3A_631, 0 {pack_format = #tpu.pack_format<interleaved>} : vector<32xbf16> -> vector<16xf32>
      %unpack3A_633 = tpu.unpack_subelements %bitcast3A_631, 1 {pack_format = #tpu.pack_format<interleaved>} : vector<32xbf16> -> vector<16xf32>
      %mul3A_634 = arith.mulf %unpack3A_629, %unpack3A_632 : vector<16xf32>
      %add3A_635 = arith.addf %add3A_619, %mul3A_634 : vector<16xf32>
      %mul3A_636 = arith.mulf %unpack3A_630, %unpack3A_633 : vector<16xf32>
      %add3A_637 = arith.addf %add3A_635, %mul3A_636 : vector<16xf32>
      %add3A_638 = arith.constant 26 : i32
      %add3A_639 = vector.broadcast %add3A_638 : i32 to vector<16xi32>
      %add3A_640 = arith.addi %iota3A, %add3A_639 : vector<16xi32>
      %and3A_641 = arith.constant 31 : i32
      %and3A_642 = vector.broadcast %and3A_641 : i32 to vector<16xi32>
      %and3A_643 = arith.andi %add3A_640, %and3A_642 : vector<16xi32>
      %gather3A_644 = tpu.vector_load_idx %arg9[%add3A_172, %and3A_643] : memref<512x32xi32, #tpu.memory_space<vmem>>[vector<16xi32>, vector<16xi32>], vector<16xi32>,
      %gather3A_645 = tpu.vector_load_idx %arg10[%add3A_172, %and3A_643] : memref<512x32xi32, #tpu.memory_space<vmem>>[vector<16xi32>, vector<16xi32>], vector<16xi32>,
      %bitcast3A_646 = vector.bitcast %gather3A_644 : vector<16xi32> to vector<32xbf16>
      %unpack3A_647 = tpu.unpack_subelements %bitcast3A_646, 0 {pack_format = #tpu.pack_format<interleaved>} : vector<32xbf16> -> vector<16xf32>
      %unpack3A_648 = tpu.unpack_subelements %bitcast3A_646, 1 {pack_format = #tpu.pack_format<interleaved>} : vector<32xbf16> -> vector<16xf32>
      %bitcast3A_649 = vector.bitcast %gather3A_645 : vector<16xi32> to vector<32xbf16>
      %unpack3A_650 = tpu.unpack_subelements %bitcast3A_649, 0 {pack_format = #tpu.pack_format<interleaved>} : vector<32xbf16> -> vector<16xf32>
      %unpack3A_651 = tpu.unpack_subelements %bitcast3A_649, 1 {pack_format = #tpu.pack_format<interleaved>} : vector<32xbf16> -> vector<16xf32>
      %mul3A_652 = arith.mulf %unpack3A_647, %unpack3A_650 : vector<16xf32>
      %add3A_653 = arith.addf %add3A_637, %mul3A_652 : vector<16xf32>
      %mul3A_654 = arith.mulf %unpack3A_648, %unpack3A_651 : vector<16xf32>
      %add3A_655 = arith.addf %add3A_653, %mul3A_654 : vector<16xf32>
      %add3A_656 = arith.constant 27 : i32
      %add3A_657 = vector.broadcast %add3A_656 : i32 to vector<16xi32>
      %add3A_658 = arith.addi %iota3A, %add3A_657 : vector<16xi32>
      %and3A_659 = arith.constant 31 : i32
      %and3A_660 = vector.broadcast %and3A_659 : i32 to vector<16xi32>
      %and3A_661 = arith.andi %add3A_658, %and3A_660 : vector<16xi32>
      %gather3A_662 = tpu.vector_load_idx %arg9[%add3A_172, %and3A_661] : memref<512x32xi32, #tpu.memory_space<vmem>>[vector<16xi32>, vector<16xi32>], vector<16xi32>,
      %gather3A_663 = tpu.vector_load_idx %arg10[%add3A_172, %and3A_661] : memref<512x32xi32, #tpu.memory_space<vmem>>[vector<16xi32>, vector<16xi32>], vector<16xi32>,
      %bitcast3A_664 = vector.bitcast %gather3A_662 : vector<16xi32> to vector<32xbf16>
      %unpack3A_665 = tpu.unpack_subelements %bitcast3A_664, 0 {pack_format = #tpu.pack_format<interleaved>} : vector<32xbf16> -> vector<16xf32>
      %unpack3A_666 = tpu.unpack_subelements %bitcast3A_664, 1 {pack_format = #tpu.pack_format<interleaved>} : vector<32xbf16> -> vector<16xf32>
      %bitcast3A_667 = vector.bitcast %gather3A_663 : vector<16xi32> to vector<32xbf16>
      %unpack3A_668 = tpu.unpack_subelements %bitcast3A_667, 0 {pack_format = #tpu.pack_format<interleaved>} : vector<32xbf16> -> vector<16xf32>
      %unpack3A_669 = tpu.unpack_subelements %bitcast3A_667, 1 {pack_format = #tpu.pack_format<interleaved>} : vector<32xbf16> -> vector<16xf32>
      %mul3A_670 = arith.mulf %unpack3A_665, %unpack3A_668 : vector<16xf32>
      %add3A_671 = arith.addf %add3A_655, %mul3A_670 : vector<16xf32>
      %mul3A_672 = arith.mulf %unpack3A_666, %unpack3A_669 : vector<16xf32>
      %add3A_673 = arith.addf %add3A_671, %mul3A_672 : vector<16xf32>
      %add3A_674 = arith.constant 28 : i32
      %add3A_675 = vector.broadcast %add3A_674 : i32 to vector<16xi32>
      %add3A_676 = arith.addi %iota3A, %add3A_675 : vector<16xi32>
      %and3A_677 = arith.constant 31 : i32
      %and3A_678 = vector.broadcast %and3A_677 : i32 to vector<16xi32>
      %and3A_679 = arith.andi %add3A_676, %and3A_678 : vector<16xi32>
      %gather3A_680 = tpu.vector_load_idx %arg9[%add3A_172, %and3A_679] : memref<512x32xi32, #tpu.memory_space<vmem>>[vector<16xi32>, vector<16xi32>], vector<16xi32>,
      %gather3A_681 = tpu.vector_load_idx %arg10[%add3A_172, %and3A_679] : memref<512x32xi32, #tpu.memory_space<vmem>>[vector<16xi32>, vector<16xi32>], vector<16xi32>,
      %bitcast3A_682 = vector.bitcast %gather3A_680 : vector<16xi32> to vector<32xbf16>
      %unpack3A_683 = tpu.unpack_subelements %bitcast3A_682, 0 {pack_format = #tpu.pack_format<interleaved>} : vector<32xbf16> -> vector<16xf32>
      %unpack3A_684 = tpu.unpack_subelements %bitcast3A_682, 1 {pack_format = #tpu.pack_format<interleaved>} : vector<32xbf16> -> vector<16xf32>
      %bitcast3A_685 = vector.bitcast %gather3A_681 : vector<16xi32> to vector<32xbf16>
      %unpack3A_686 = tpu.unpack_subelements %bitcast3A_685, 0 {pack_format = #tpu.pack_format<interleaved>} : vector<32xbf16> -> vector<16xf32>
      %unpack3A_687 = tpu.unpack_subelements %bitcast3A_685, 1 {pack_format = #tpu.pack_format<interleaved>} : vector<32xbf16> -> vector<16xf32>
      %mul3A_688 = arith.mulf %unpack3A_683, %unpack3A_686 : vector<16xf32>
      %add3A_689 = arith.addf %add3A_673, %mul3A_688 : vector<16xf32>
      %mul3A_690 = arith.mulf %unpack3A_684, %unpack3A_687 : vector<16xf32>
      %add3A_691 = arith.addf %add3A_689, %mul3A_690 : vector<16xf32>
      %add3A_692 = arith.constant 29 : i32
      %add3A_693 = vector.broadcast %add3A_692 : i32 to vector<16xi32>
      %add3A_694 = arith.addi %iota3A, %add3A_693 : vector<16xi32>
      %and3A_695 = arith.constant 31 : i32
      %and3A_696 = vector.broadcast %and3A_695 : i32 to vector<16xi32>
      %and3A_697 = arith.andi %add3A_694, %and3A_696 : vector<16xi32>
      %gather3A_698 = tpu.vector_load_idx %arg9[%add3A_172, %and3A_697] : memref<512x32xi32, #tpu.memory_space<vmem>>[vector<16xi32>, vector<16xi32>], vector<16xi32>,
      %gather3A_699 = tpu.vector_load_idx %arg10[%add3A_172, %and3A_697] : memref<512x32xi32, #tpu.memory_space<vmem>>[vector<16xi32>, vector<16xi32>], vector<16xi32>,
      %bitcast3A_700 = vector.bitcast %gather3A_698 : vector<16xi32> to vector<32xbf16>
      %unpack3A_701 = tpu.unpack_subelements %bitcast3A_700, 0 {pack_format = #tpu.pack_format<interleaved>} : vector<32xbf16> -> vector<16xf32>
      %unpack3A_702 = tpu.unpack_subelements %bitcast3A_700, 1 {pack_format = #tpu.pack_format<interleaved>} : vector<32xbf16> -> vector<16xf32>
      %bitcast3A_703 = vector.bitcast %gather3A_699 : vector<16xi32> to vector<32xbf16>
      %unpack3A_704 = tpu.unpack_subelements %bitcast3A_703, 0 {pack_format = #tpu.pack_format<interleaved>} : vector<32xbf16> -> vector<16xf32>
      %unpack3A_705 = tpu.unpack_subelements %bitcast3A_703, 1 {pack_format = #tpu.pack_format<interleaved>} : vector<32xbf16> -> vector<16xf32>
      %mul3A_706 = arith.mulf %unpack3A_701, %unpack3A_704 : vector<16xf32>
      %add3A_707 = arith.addf %add3A_691, %mul3A_706 : vector<16xf32>
      %mul3A_708 = arith.mulf %unpack3A_702, %unpack3A_705 : vector<16xf32>
      %add3A_709 = arith.addf %add3A_707, %mul3A_708 : vector<16xf32>
      %add3A_710 = arith.constant 30 : i32
      %add3A_711 = vector.broadcast %add3A_710 : i32 to vector<16xi32>
      %add3A_712 = arith.addi %iota3A, %add3A_711 : vector<16xi32>
      %and3A_713 = arith.constant 31 : i32
      %and3A_714 = vector.broadcast %and3A_713 : i32 to vector<16xi32>
      %and3A_715 = arith.andi %add3A_712, %and3A_714 : vector<16xi32>
      %gather3A_716 = tpu.vector_load_idx %arg9[%add3A_172, %and3A_715] : memref<512x32xi32, #tpu.memory_space<vmem>>[vector<16xi32>, vector<16xi32>], vector<16xi32>,
      %gather3A_717 = tpu.vector_load_idx %arg10[%add3A_172, %and3A_715] : memref<512x32xi32, #tpu.memory_space<vmem>>[vector<16xi32>, vector<16xi32>], vector<16xi32>,
      %bitcast3A_718 = vector.bitcast %gather3A_716 : vector<16xi32> to vector<32xbf16>
      %unpack3A_719 = tpu.unpack_subelements %bitcast3A_718, 0 {pack_format = #tpu.pack_format<interleaved>} : vector<32xbf16> -> vector<16xf32>
      %unpack3A_720 = tpu.unpack_subelements %bitcast3A_718, 1 {pack_format = #tpu.pack_format<interleaved>} : vector<32xbf16> -> vector<16xf32>
      %bitcast3A_721 = vector.bitcast %gather3A_717 : vector<16xi32> to vector<32xbf16>
      %unpack3A_722 = tpu.unpack_subelements %bitcast3A_721, 0 {pack_format = #tpu.pack_format<interleaved>} : vector<32xbf16> -> vector<16xf32>
      %unpack3A_723 = tpu.unpack_subelements %bitcast3A_721, 1 {pack_format = #tpu.pack_format<interleaved>} : vector<32xbf16> -> vector<16xf32>
      %mul3A_724 = arith.mulf %unpack3A_719, %unpack3A_722 : vector<16xf32>
      %add3A_725 = arith.addf %add3A_709, %mul3A_724 : vector<16xf32>
      %mul3A_726 = arith.mulf %unpack3A_720, %unpack3A_723 : vector<16xf32>
      %add3A_727 = arith.addf %add3A_725, %mul3A_726 : vector<16xf32>
      %add3A_728 = arith.constant 31 : i32
      %add3A_729 = vector.broadcast %add3A_728 : i32 to vector<16xi32>
      %add3A_730 = arith.addi %iota3A, %add3A_729 : vector<16xi32>
      %and3A_731 = arith.constant 31 : i32
      %and3A_732 = vector.broadcast %and3A_731 : i32 to vector<16xi32>
      %and3A_733 = arith.andi %add3A_730, %and3A_732 : vector<16xi32>
      %gather3A_734 = tpu.vector_load_idx %arg9[%add3A_172, %and3A_733] : memref<512x32xi32, #tpu.memory_space<vmem>>[vector<16xi32>, vector<16xi32>], vector<16xi32>,
      %gather3A_735 = tpu.vector_load_idx %arg10[%add3A_172, %and3A_733] : memref<512x32xi32, #tpu.memory_space<vmem>>[vector<16xi32>, vector<16xi32>], vector<16xi32>,
      %bitcast3A_736 = vector.bitcast %gather3A_734 : vector<16xi32> to vector<32xbf16>
      %unpack3A_737 = tpu.unpack_subelements %bitcast3A_736, 0 {pack_format = #tpu.pack_format<interleaved>} : vector<32xbf16> -> vector<16xf32>
      %unpack3A_738 = tpu.unpack_subelements %bitcast3A_736, 1 {pack_format = #tpu.pack_format<interleaved>} : vector<32xbf16> -> vector<16xf32>
      %bitcast3A_739 = vector.bitcast %gather3A_735 : vector<16xi32> to vector<32xbf16>
      %unpack3A_740 = tpu.unpack_subelements %bitcast3A_739, 0 {pack_format = #tpu.pack_format<interleaved>} : vector<32xbf16> -> vector<16xf32>
      %unpack3A_741 = tpu.unpack_subelements %bitcast3A_739, 1 {pack_format = #tpu.pack_format<interleaved>} : vector<32xbf16> -> vector<16xf32>
      %mul3A_742 = arith.mulf %unpack3A_737, %unpack3A_740 : vector<16xf32>
      %add3A_743 = arith.addf %add3A_727, %mul3A_742 : vector<16xf32>
      %mul3A_744 = arith.mulf %unpack3A_738, %unpack3A_741 : vector<16xf32>
      %add3A_745 = arith.addf %add3A_743, %mul3A_744 : vector<16xf32>
      %mul3A_746 = arith.constant 16 : i32
      %mul3A_747 = arith.muli %scan3A_168, %mul3A_746 : i32
      %swap3A = arith.index_cast %mul3A_747 : i32 to index
      %swap3A_748 = tpu.vector_load %arg11[%swap3A] {strides = array<i32>} : memref<512xf32, #tpu.memory_space<vmem>>, vector<16xf32>,
      tpu.vector_store %arg11[%swap3A], %add3A_745 {strides = array<i32>} : memref<512xf32, #tpu.memory_space<vmem>>, vector<16xf32>,
    }
    %scan3A_167 = arith.constant 32 : i32
    "tpu.region"() ({
      %run_scoped3A = tpu.sem_alloc : memref<!tpu.dma_semaphore, #tpu.memory_space<semaphore_mem>>
      %dma_start3A_168 = arith.constant 0 : i32
      %dma_start3A_169 = tpu.memref_slice %arg6[%add3A, %dma_start3A_168] : memref<32x512xf32, #tpu.memory_space<hbm>> -> memref<1x512xf32, #tpu.memory_space<hbm>>
      %dma_start3A_170 = tpu.memref_squeeze %dma_start3A_169 : memref<1x512xf32, #tpu.memory_space<hbm>> -> memref<512xf32, #tpu.memory_space<hbm>>
      %dma_start3A_171 = arith.constant 0 : i32
      %dma_start3A_172 = tpu.memref_slice %arg6[%add3A, %dma_start3A_171] : memref<32x512xf32, #tpu.memory_space<hbm>> -> memref<1x512xf32, #tpu.memory_space<hbm>>
      %dma_start3A_173 = tpu.memref_squeeze %dma_start3A_172 : memref<1x512xf32, #tpu.memory_space<hbm>> -> memref<512xf32, #tpu.memory_space<hbm>>
      tpu.enqueue_dma source(%arg11 : memref<512xf32, #tpu.memory_space<vmem>>) target(%dma_start3A_173 : memref<512xf32, #tpu.memory_space<hbm>>) target_semaphore(%run_scoped3A : memref<!tpu.dma_semaphore, #tpu.memory_space<semaphore_mem>>)
      %dma_wait3A_174 = arith.constant 0 : i32
      %dma_wait3A_175 = tpu.memref_slice %arg6[%add3A, %dma_wait3A_174] : memref<32x512xf32, #tpu.memory_space<hbm>> -> memref<1x512xf32, #tpu.memory_space<hbm>>
      %dma_wait3A_176 = tpu.memref_squeeze %dma_wait3A_175 : memref<1x512xf32, #tpu.memory_space<hbm>> -> memref<512xf32, #tpu.memory_space<hbm>>
      %dma_wait3A_177 = arith.constant 0 : i32
      %dma_wait3A_178 = tpu.memref_slice %arg6[%add3A, %dma_wait3A_177] : memref<32x512xf32, #tpu.memory_space<hbm>> -> memref<1x512xf32, #tpu.memory_space<hbm>>
      %dma_wait3A_179 = tpu.memref_squeeze %dma_wait3A_178 : memref<1x512xf32, #tpu.memory_space<hbm>> -> memref<512xf32, #tpu.memory_space<hbm>>
      tpu.wait_dma2 semaphore(%run_scoped3A : memref<!tpu.dma_semaphore, #tpu.memory_space<semaphore_mem>>) src(%arg11 : memref<512xf32, #tpu.memory_space<vmem>>) dst(%dma_wait3A_179 : memref<512xf32, #tpu.memory_space<hbm>>)
      tpu.yield
    }) : () -> ()
    return
  }
}

</mosaic_0001>

<sc_bundles>
// kernel: kernel.3.cloned.1.call-start
scs
__scs_entry_jumppad:
0x0: {  	(pc) =	sbr.rel $0x88, $3  }
0x1: {  	(tag) =	ssettag $0x0;
	lr =	simm.s32 $0x1  }
0x2: {  	[smem:$0x3F9D] =	sst lr;
	_ =	strace $0xD0000000  }
0x3: {  	_ = 	snop  }
0x4: {  	_ = 	snop  }
0x5: {  	_ = 	snop  }
0x6: {  	_ = 	snop  }
0x7: {  	_ = 	snop  }
__scs_overlays_trampoline_lowered:
0x8: {  	[smem:$0x3FAC] =	sst s0  }
0x9: {  	[smem:$0x3FAD] =	sst s1  }
0xa: {  	[smem:$0x3FAE] =	sst s2  }
0xb: {  	[smem:$0x3FAF] =	sst s3  }
0xc: {  	[smem:$0x3FB0] =	sst s4  }
0xd: {  	[smem:$0x3FB1] =	sst s5  }
0xe: {  	[smem:$0x3FB2] =	sst s6  }
0xf: {  	[smem:$0x3FB3] =	sst s7  }
0x10: {  	[smem:$0x3FB4] =	sst s8  }
0x11: {  	[smem:$0x3FB5] =	sst s9;
	s0 =	simm.s32 @!p0 $0x0  }
0x12: {  	s1 =	sld [smem:$0x3F9B];
	s0 =	simm.s32 @p0 $0x1  }
0x13: {  	[smem:$0x3FB6] =	sst s0;
	s0 =	simm.s32 @!p1 $0x0  }
0x14: {  	s2 =	sld [smem:$0x3F9A];
	s0 =	simm.s32 @p1 $0x1  }
0x15: {  	[smem:$0x3FB7] =	sst s0;
	s0 =	simm.s32 @!p2 $0x0  }
0x16: {  	s3 =	sld [smem:$0x3FDB];
	s0 =	simm.s32 @p2 $0x1  }
0x17: {  	s4 =	simm.s32 $0x1BF5;
	[smem:$0x3FB9] =	sst s0  }
0x18: {  	s0 =	sld [smem:$0x3F9C];
	_ =	swait.ge [sflag:s4], $0x0  }
0x19: {  	s7 =	sld [smem:$0x3F9D]  }
0x1a: {  	s8 =	sadd.s32 $0xFFFFE003, lr  }
0x1b: {  	s9 =	sadd.s32 $0xFFFFFEF7, lr;
	s5 =	simm.s32 $0xFFFFFFFF;
	p2 =	slt.u32 s8, $0xFFFFF086  }
0x1c: {  	p1 =	slt.u32 s9, $0xF7A;
	s5 =	simm.s32 @!p2 $0x0  }
0x1d: {  	s5 =	simm.s32 @p1 $0x1;
	p0 =	seq.s32 s7, s2  }
0x1e: {  	s7 =	smul.u32 @!p0 $0xF7A, s2;
	p2 =	seq.s32 @!p0 s5, $0x0  }
0x1f: {  	s9 =	smul.u32 $0xF7A, s1;
	s8 =	simm.s32 @!p0 $0x1BF5;
	p2 =	por !p2, p0  }
0x20: {  	[sflag:s8] =	ssyncset.s32 @!p0 $0xFFFFF086;
	s6 =	sadd.s32 @!p0 s3, s7;
	s7 =	simm.s32 @!p0 $0x108  }
0x21: {  	s3 =	sadd.s32 s3, s9;
	s6 =	sadd.s32 @!p0 $0x88, s6;
	s7 =	simm.s32 @p2 $0x1082  }
0x22: {  	[simem:s7], [sflag:s8] =	dma.local @!p0 [hbm:s6], $0xF7A  }
0x23: {  	s9 =	sor.u32 $0xD0000000, s2;
	s6 =	simm.s32 $0x108;
	_ =	swait.ge @!p0 [sflag:s8], $0x0  }
0x24: {  	s3 =	sadd.s32 $0x88, s3;
	s6 =	simm.s32 @!p1 $0x1082;
	[sflag:s4] =	ssyncset.s32 $0xFFFFF086  }
0x25: {  	[simem:s6], [sflag:s4] =	dma.local [hbm:s3], $0xF7A  }
0x26: {  	[smem:$0x3F9D] =	sst s1;
	(tag) =	ssettag s2;
	_ =	strace s9  }
0x27: {  	s1 =	sld [smem:$0x3FAD]  }
0x28: {  	s2 =	sld [smem:$0x3FAE]  }
0x29: {  	s4 =	sld [smem:$0x3FB0]  }
0x2a: {  	p0 =	seq.s32 s5, $0x0;
	s5 =	sld [smem:$0x3FB1]  }
0x2b: {  	s6 =	sld [smem:$0x3FB2]  }
0x2c: {  	s7 =	sld [smem:$0x3FB3]  }
0x2d: {  	s3 =	simm.s32 $0x108;
	s8 =	sld [smem:$0x3FB4]  }
0x2e: {  	s3 =	simm.s32 @!p0 $0x1082;
	s9 =	sld [smem:$0x3FB5]  }
0x2f: {  	lr =	sadd.s32 s0, s3;
	s0 =	sld [smem:$0x3FAC]  }
0x30: {  	s3 =	sld [smem:$0x3FAF]  }
0x31: {  	[smem:$0x3FB8] =	sst s10  }
0x32: {  	s10 =	sld [smem:$0x3FB6];
	_ =	sdelay $0x3  }
0x33: {  	p0 =	seq.s32 s10, $0x1;
	s10 =	sld [smem:$0x3FB8];
	_ =	sdelay $0x3  }
0x34: {  	[smem:$0x3FB8] =	sst s10  }
0x35: {  	s10 =	sld [smem:$0x3FB7];
	_ =	sdelay $0x3  }
0x36: {  	p1 =	seq.s32 s10, $0x1;
	s10 =	sld [smem:$0x3FB8];
	_ =	sdelay $0x3  }
0x37: {  	[smem:$0x3FB8] =	sst s10  }
0x38: {  	s10 =	sld [smem:$0x3FB9]  }
0x39: {  	_ = 	snop;
	(pc) =	sbr.ind lr, $3  }
0x3a: {  	_ = 	snop  }
0x3b: {  	_ = 	snop  }
0x3c: {  	p2 =	seq.s32 s10, $0x1;
	s10 =	sld [smem:$0x3FB8]  }
0x3d: {  	_ =	shalt  }
0x3e: {  	_ =	shalt  }
0x3f: {  	_ =	shalt  }
0x40: {  	_ =	shalt  }
0x41: {  	_ =	shalt  }
0x42: {  	_ =	shalt  }
0x43: {  	_ =	shalt  }
0x44: {  	_ =	shalt  }
0x45: {  	_ =	shalt  }
0x46: {  	_ =	shalt  }
0x47: {  	_ =	shalt  }
0x48: {  	_ =	shalt  }
0x49: {  	_ =	shalt  }
0x4a: {  	_ =	shalt  }
0x4b: {  	_ =	shalt  }
0x4c: {  	_ =	shalt  }
0x4d: {  	_ =	shalt  }
0x4e: {  	_ =	shalt  }
0x4f: {  	_ =	shalt  }
0x50: {  	_ =	shalt  }
0x51: {  	_ =	shalt  }
0x52: {  	_ =	shalt  }
0x53: {  	_ =	shalt  }
0x54: {  	_ =	shalt  }
0x55: {  	_ =	shalt  }
0x56: {  	_ =	shalt  }
0x57: {  	_ =	shalt  }
0x58: {  	_ =	shalt  }
0x59: {  	_ =	shalt  }
0x5a: {  	_ =	shalt  }
0x5b: {  	_ =	shalt  }
0x5c: {  	_ =	shalt  }
0x5d: {  	_ =	shalt  }
0x5e: {  	_ =	shalt  }
0x5f: {  	_ =	shalt  }
0x60: {  	_ =	shalt  }
0x61: {  	_ =	shalt  }
0x62: {  	_ =	shalt  }
0x63: {  	_ =	shalt  }
0x64: {  	_ =	shalt  }
0x65: {  	_ =	shalt  }
0x66: {  	_ =	shalt  }
0x67: {  	_ =	shalt  }
0x68: {  	_ =	shalt  }
0x69: {  	_ =	shalt  }
0x6a: {  	_ =	shalt  }
0x6b: {  	_ =	shalt  }
0x6c: {  	_ =	shalt  }
0x6d: {  	_ =	shalt  }
0x6e: {  	_ =	shalt  }
0x6f: {  	_ =	shalt  }
0x70: {  	_ =	shalt  }
0x71: {  	_ =	shalt  }
0x72: {  	_ =	shalt  }
0x73: {  	_ =	shalt  }
0x74: {  	_ =	shalt  }
0x75: {  	_ =	shalt  }
0x76: {  	_ =	shalt  }
0x77: {  	_ =	shalt  }
0x78: {  	_ =	shalt  }
0x79: {  	_ =	shalt  }
0x7a: {  	_ =	shalt  }
0x7b: {  	_ =	shalt  }
0x7c: {  	_ =	shalt  }
0x7d: {  	_ =	shalt  }
0x7e: {  	_ =	shalt  }
0x7f: {  	_ =	shalt  }
0x80: {  	_ =	shalt  }
0x81: {  	_ =	shalt  }
0x82: {  	_ =	shalt  }
0x83: {  	_ =	shalt  }
0x84: {  	_ =	shalt  }
0x85: {  	_ =	shalt  }
0x86: {  	_ =	shalt  }
0x87: {  	_ =	shalt  }
.Lfunc_end0:
.L_simem_size_0:
called_computation.2_lowered:
.L_overlay_start_0:
0x88: {  	s2 =	sld [smem:$0x3FD9]  }
0x89: {  	s3 =	sld [smem:$0x3FFE];
	_ =	sdelay $0x1  }
0x8a: {  	s1 =	srdreg.scid  }
0x8b: {  	s0 =	sand.u32 $0x1, s1  }
0x8c: {  	s17 =	sshll.u32 s0, $0xA;
	s2 =	sadd.s32 s3, s2  }
0x8d: {  	s2 =	sadd.s32 s2, s17  }
0x8e: {  	[smem:$0x3FC4] =	sst s2  }
0x8f: {  	_ = 	snop  }
0x90: {  	s2 =	sld [smem:$0x3FC9]  }
0x91: {  	s18 =	sld [smem:$0x3FC8]  }
0x92: {  	s4 =	sld [smem:$0x3FD0];
	(tm) =	ssettm $0x1  }
0x93: {  	s5 =	sld [smem:$0x3FFB];
	_ =	sdelay $0x3  }
0x94: {  	_ =	strace s5  }
0x95: {  	s5 =	sld [smem:$0x3FFC];
	_ =	sdelay $0x3  }
0x96: {  	_ =	strace s5  }
0x97: {  	s5 =	sld [smem:$0x3FFD];
	_ =	sdelay $0x3  }
0x98: {  	_ =	strace s5  }
0x99: {  	_ =	strace $0x8FFFFFFF  }
0x9a: {  	s19 =	sld [smem:$0x3FDB];
	_ =	sdelay $0x1  }
0x9b: {  	s6 =	simm.s32 $_scs_section_size  }
0x9c: {  	s7 =	simm.s32 $_size__tile_overlayer_lowered;
	s8 =	simm.s32 $_tile_overlayer_lowered  }
0x9d: {  	s22 =	simm.s32 $0x1BFF;
	s21 =	sshll.u32 s8, $0x1;
	s5 =	sadd.s32 s6, s19  }
0x9e: {  	s9 =	simm.s32 $0x0;
	s20 =	sshll.u32 s7, $0x1;
	s7 =	sadd.s32 s21, s5  }
0x9f: {  	[timem:s9], [sflag:s22] =	dma.local [hbm:s7], s20  }
0xa0: {  	_ =	swait.ge [sflag:s22], s20  }
0xa1: {  	s6 =	ssub.s32 $0x0, s20;
	[sflag:s22] =	ssyncset.done $0x0  }
0xa2: {  	[sflag:s22] =	ssyncadd.s32 s6;
	_ =	sdelay $0x1  }
0xa3: {  	s23 =	simm.s32 $0x1B8B  }
0xa4: {  	_ =	swait.ge [sflag:s23], $0x1  }
0xa5: {  	[sflag:s23] =	ssyncset.done $0x0  }
0xa6: {  	s25 =	simm.s32 $0x1B8E;
	s24 =	sld [smem:$0x3FFE];
	[sflag:s23] =	ssyncadd.s32 $0xFFFFFFFF  }
0xa7: {  	s26 =	simm.s32 $execute0_lowered;
	[smem:$0x3FD2] =	sst s25  }
0xa8: {  	s7 =	sshll.u32 s26, $0x1;
	_ =	strace $0x8000004C;
	[dreg:$0x1] =	wrdreg $0xFFFFFFFF  }
0xa9: {  	s28 =	simm.s32 $_size_execute0_lowered;
	s5 =	sadd.s32 s5, s7;
	[dreg:$0x0] =	wrdreg $0x0  }
0xaa: {  	s7 =	sshll.u32 s28, $0x1;
	[dreg:$0x2] =	wrdreg s5  }
0xab: {  	[dreg:$0x3] =	wrdreg s7  }
0xac: {  	[dreg:$0x4] =	wrdreg $0xC0  }
0xad: {  	_ =	task [dreg:s9], $0x5FFFF  }
0xae: {  	[dreg:$0x1] =	wrdreg $0xFFFFFFFF  }
0xaf: {  	[dreg:$0x0] =	wrdreg $0x60  }
0xb0: {  	[dreg:$0x2] =	wrdreg s2  }
0xb1: {  	[dreg:$0x3] =	wrdreg s18  }
0xb2: {  	[dreg:$0x4] =	wrdreg s24  }
0xb3: {  	[dreg:$0x5] =	wrdreg s4  }
0xb4: {  	[dreg:$0x6] =	wrdreg $0x9  }
0xb5: {  	_ =	task.clear_ibuf [dreg:s9], $0x7FFFF;
	_ =	strace $0x9000004C  }
0xb6: {  	s29 =	simm.s32 $0x9;
	_ =	strace $0x8000004E  }
0xb7: {  	_ =	swait.ge [sflag:s29], $0x1  }
0xb8: {  	[sflag:s29] =	ssyncadd.s32 $0xFFFFFFFF  }
0xb9: {  	_ =	strace $0x9000004E  }
0xba: {  	_ =	sfence  }
0xbb: {  	s30 =	sld [smem:$0x0];
	_ =	sdelay $0x2  }
0xbc: {  	s31 =	sshll.u32 s1, $0xD;
	s1 =	sshrl.u32 s1, $0x2  }
0xbd: {  	s3 =	sand.u32 $0x4000, s31;
	s1 =	sadd.s32 s1, s30  }
0xbe: {  	s0 =	sor.u32 s3, s0;
	s1 =	sshll.u32 s1, $0x11  }
0xbf: {  	s0 =	sor.u32 s1, s0  }
0xc0: {  	s0 =	sadd.s32 $0x8F2B, s0  }
0xc1: {  	[sflag:s0] =	ssyncadd.remote.s32 $0x1  }
0xc2: {  	_ =	sfence.sel $0xFFFF  }
0xc3: {  	[dreg:$0x0] =	wrdreg $0xFFFFFFFF;
	(pc) =	sbr.abs _section_cstart, $3  }
0xc4: {  	[dreg:$0x1] =	wrdreg $0xFFFFFFFF  }
0xc5: {  	_ =	task.clear_ibuf [dreg:s9], $0x2FFFF;
	_ =	strace $0x9FFFFFFF  }
0xc6: {  	(tm) =	ssettm $0x7FFFFFFF  }
0xc7: {  	_ =	shalt  }
tec
execute0_lowered:
.L_overlay_start_1:
0x0: {  	(tag) =	ssettag $0x1  }
0x1: {  	v0 =	vlaneseq.u32;
	v17 =	vimm.s32 $0x14131211;
	v18 =	vimm.s32 $0x18171615  }
0x2: {  	v19 =	vimm.s32 $0x1C1B1A19;
	v21 =	vimm.s32 $0x19181716;
	vm0 =	vcmask $0x1F10  }
0x3: {  	v22 =	vimm.s32 $0x1D1C1B1A;
	v24 =	vimm.s32 $0x16151413;
	v26 =	vimm.s32 $0x1A191817  }
0x4: {  	v29 =	vimm.s32 $0x201001F;
	v30 =	vimm.s32 $0x3020100;
	v31 =	vimm.s32 $0x1F1E1D1C  }
0x5: {  	v32 =	vimm.s32 $0x17161514;
	v33 =	vimm.s32 $0x1B1A1918;
	v53 =	vimm.s32 $0x4030201  }
0x6: {  	v54 =	vimm.s32 $0x5040302;
	v38 =	vimm.s32 $0x6050403;
	v55 =	vimm.s32 $0x98765432  }
0x7: {  	v56 =	vimm.s32 $0xA9876543;
	v57 =	vimm.s32 $0x32107654;
	v59 =	vimm.s32 $0x43218765  }
0x8: {  	v60 =	vimm.s32 $0x54329876;
	v61 =	vimm.s32 $0x6543A987;
	vm15 =	vcmask $0x2F10  }
0x9: {  	vm1 =	vcmask $0x3F30;
	v1 =	vmul.u32 $0x20, v0;
	v2 =	vadd.s32 $0x1, v0  }
0xa: {  	v3 =	vadd.s32 $0x2, v0;
	v4 =	vadd.s32 $0x3, v0;
	v5 =	vadd.s32 $0x4, v0  }
0xb: {  	v6 =	vadd.s32 $0x5, v0;
	v7 =	vadd.s32 $0x6, v0;
	v8 =	vadd.s32 $0x7, v0  }
0xc: {  	v9 =	vadd.s32 $0x8, v0;
	v10 =	vadd.s32 $0x9, v0;
	v11 =	vadd.s32 $0xA, v0  }
0xd: {  	v12 =	vadd.s32 $0xB, v0;
	v13 =	vadd.s32 $0xC, v0;
	v14 =	vadd.s32 $0xD, v0  }
0xe: {  	v15 =	vadd.s32 $0xE, v0;
	v17 =	vunpack.c.0.s8.s32 v17;
	v20 =	vunpack.c.0.s8.s32 v18  }
0xf: {  	v19 =	vunpack.c.0.s8.s32 v19;
	v18 =	vimm.s32 $0x1F1E1D;
	v21 =	vunpack.c.0.s8.s32 v21  }
0x10: {  	v22 =	vunpack.c.0.s8.s32 v22;
	v27 =	vunpack.c.0.s8.s32 v18;
	v18 =	vimm.s32 $0x15141312  }
0x11: {  	v29 =	vunpack.c.0.s8.s32 v29;
	v30 =	vunpack.c.0.s8.s32 v30;
	v18 =	vunpack.c.0.s8.s32 v18  }
0x12: {  	v31 =	vunpack.c.0.s8.s32 v31;
	v32 =	vunpack.c.0.s8.s32 v32;
	v33 =	vunpack.c.0.s8.s32 v33  }
0x13: {  	v17 =	vsel vm0, v20, v17;
	v23 =	vsel vm0, v21, v18;
	v18 =	vimm.s32 $0x1001F1E  }
0x14: {  	v37 =	vsel vm0, v19, v20;
	v25 =	vsel vm0, v27, v19;
	v28 =	vunpack.c.0.s8.s32 v18  }
0x15: {  	v18 =	vunpack.c.0.s8.s32 v24;
	v24 =	vunpack.c.0.s8.s32 v26;
	v26 =	vimm.s32 $0x1E1D1C1B  }
0x16: {  	v17 =	vcombine.low v17, v25;
	v26 =	vunpack.c.0.s8.s32 v26;
	v34 =	vsel vm0, v28, v22  }
0x17: {  	v35 =	vsel vm0, v24, v18;
	v18 =	vsel vm0, v30, v31;
	v30 =	vsel vm0, v33, v32  }
0x18: {  	v32 =	vunpack.c.0.s8.s32 v54;
	v22 =	vsel vm0, v22, v21;
	v36 =	vsel vm0, v29, v26  }
0x19: {  	v18 =	vcombine.low v30, v18;
	v30 =	vunpack.c.0.s8.s32 v53;
	v19 =	vcombine.low v23, v34  }
0x1a: {  	v23 =	vunpack.c.0.s8.s32 v38;
	v24 =	vsel vm0, v26, v24;
	v26 =	vimm.s32 $0x76543210  }
0x1b: {  	v20 =	vcombine.low v35, v36;
	v32 =	vsel vm0, v32, v28;
	v30 =	vsel vm0, v30, v27  }
0x1c: {  	s5 =	rddreg [dreg:$0x0];
	v26 =	vunpack.c.l.s4.s8 v26;
	v21 =	vcombine.low v37, v30;
	v30 =	vimm.s32 $0x87654321  }
0x1d: {  	s6 =	rddreg [dreg:$0x1];
	v22 =	vcombine.low v22, v32;
	v23 =	vsel vm0, v23, v29;
	v30 =	vunpack.c.l.s4.s8 v30  }
0x1e: {  	s4 =	rddreg [dreg:$0x2];
	v32 =	vunpack.c.l.s4.s8 v55;
	v23 =	vcombine.low v24, v23;
	v26 =	vunpack.c.0.s8.s32 v26  }
0x1f: {  	s7 =	rddreg [dreg:$0x3];
	v24 =	vsel vm0, v31, v33;
	v33 =	vunpack.c.l.s4.s8 v56;
	v30 =	vunpack.c.0.s8.s32 v30  }
0x20: {  	s0 =	rddreg [dreg:$0x4];
	s1 =	simm.s32 $0x0;
	v35 =	vunpack.c.l.s4.s8 v61;
	v32 =	vunpack.c.0.s8.s32 v32;
	v24 =	vcombine.low v24, v26  }
0x21: {  	s8 =	srdreg.scid;
	s2 =	stileid.u32;
	s12 =	simm.s32 $0x4400;
	v58 =	vunpack.c.0.s8.s32 v33;
	v26 =	vand.u32 $0xF, v30;
	v30 =	vunpack.c.l.s4.s8 v57  }
0x22: {  	s13 =	simm.s32 $0x80;
	s14 =	simm.s32 $0x1400;
	s15 =	simm.s32 $0x280;
	v33 =	vunpack.c.l.s4.s8 v59;
	v25 =	vcombine.low v25, v26;
	v26 =	vand.u32 $0xF, v32  }
0x23: {  	s16 =	simm.s32 $0x5400;
	s17 =	simm.s32 $0x100;
	s18 =	simm.s32 $0x2400;
	v26 =	vcombine.low v34, v26;
	v30 =	vunpack.c.0.s8.s32 v30;
	v34 =	vunpack.c.l.s4.s8 v60  }
0x24: {  	s19 =	simm.s32 $0x300;
	s20 =	simm.s32 $0x6400;
	s21 =	simm.s32 $0x180;
	v16 =	vadd.s32 $0xF, v0;
	v35 =	vunpack.c.0.s8.s32 v35;
	v33 =	vunpack.c.0.s8.s32 v33  }
0x25: {  	s22 =	simm.s32 $0x3400;
	s23 =	simm.s32 $0x380;
	s24 =	simm.s32 $0x7400;
	v32 =	vand.u32 $0xF, v58;
	v30 =	vand.u32 $0xF, v30;
	v34 =	vunpack.c.0.s8.s32 v34  }
0x26: {  	s25 =	simm.s32 $0x1;
	s26 =	simm.s32 $0x8400;
	s28 =	simm.s32 $0x0;
	v33 =	vand.u32 $0xF, v33;
	v30 =	vsel vm15, v30, v31;
	v31 =	vimm.s32 $0xB0A0908  }
0x27: {  	[smem:$0x7FF] =	sst s1;
	s3 =	sadd.s32 $0x3D0C00, s4;
	s8 =	sand.u32 $0x1, s8;
	v33 =	vsel vm15, v33, v27;
	v31 =	vunpack.c.0.s8.s32 v31;
	v27 =	vand.u32 $0xF, v34  }
0x28: {  	s10 =	sshll.u32 s2, $0x7;
	s4 =	sadd.s32 $0x200, s4;
	s9 =	ssub.s32 $0x2, s8;
	v34 =	vsel vm15, v27, v28;
	v27 =	vimm.s32 $0xC0B0A09;
	v28 =	vand.u32 $0xF, v35  }
0x29: {  	_ =	strace $0x8000004D;
	s8 =	sshll.u32 s8, $0x6;
	s11 =	sshrl.u32 s9, $0x1;
	v35 =	vsel vm15, v28, v29;
	v28 =	vimm.s32 $0xD0C0B0A;
	v29 =	vimm.s32 $0xE0D0C0B  }
0x2a: {  	s8 =	sor.u32 s8, s10;
	s10 =	simm.s32 $0x200;
	s9 =	ssub.s32 s9, s11;
	v62 =	vunpack.c.0.s8.s32 v27;
	v63 =	vunpack.c.0.s8.s32 v28;
	v39 =	vunpack.c.0.s8.s32 v29  }
0x2b: {  	s5 =	sadd.s32 s5, s8;
	s6 =	sadd.s32 s6, s8;
	s7 =	sadd.s32 s7, s8;
	v27 =	vcombine.low v36, v32;
	v28 =	vor.u32 $0x10, v0;
	v29 =	vsel vm1, v31, v30  }
0x2c: {  	s11 =	simm.s32 $0x400;
	s8 =	smax.u32 s9, $0x1;
	s9 =	simm.s32 $0x2;
	v30 =	vsel vm1, v62, v33;
	v31 =	vsel vm1, v63, v34;
	v32 =	vsel vm1, v39, v35  }
.LBB2_1:
0x2d: {  	[tilespmem:s1], [sflag:$0x2] =	stream.linear.gather [hbm4b:s5+s1], $0x200, $0x38;
	[tilespmem:$0x8600] =	vst v63  }
0x2e: {  	_ =	swait.ge [sflag:s9], $0x200  }
0x2f: {  	[sflag:s9] =	ssyncset.done $0x0  }
0x30: {  	[sflag:s9] =	ssyncadd.s32 $0xFFFFFE00  }
0x31: {  	[tilespmem:s10], [sflag:$0x2] =	stream.linear.gather [hbm4b:s6+s1], $0x200, $0x38;
	[tilespmem:$0x8600] =	vst v63  }
0x32: {  	_ =	swait.ge [sflag:s9], $0x200  }
0x33: {  	[sflag:s9] =	ssyncset.done $0x0  }
0x34: {  	[sflag:s9] =	ssyncadd.s32 $0xFFFFFE00  }
0x35: {  	[tilespmem:s11], [sflag:$0x1] =	stream.indirect.gather [hbm4b:s3+s13], $0x20, s1, s13, $0xb8;
	[tilespmem:$0x8600] =	vst v63  }
0x36: {  	_ = 	snop  }
0x37: {  	[tilespmem:s12], [sflag:$0x1] =	stream.indirect.gather [hbm4b:s4+s13], $0x20, s10, s13, $0xb8;
	[tilespmem:$0x8600] =	vst v63  }
0x38: {  	_ = 	snop  }
0x39: {  	[tilespmem:s14], [sflag:$0x1] =	stream.indirect.gather [hbm4b:s3+s13], $0x20, s13, s13, $0xb8;
	[tilespmem:$0x8600] =	vst v63  }
0x3a: {  	_ = 	snop  }
0x3b: {  	[tilespmem:s16], [sflag:$0x1] =	stream.indirect.gather [hbm4b:s4+s13], $0x20, s15, s13, $0xb8;
	[tilespmem:$0x8600] =	vst v63  }
0x3c: {  	_ = 	snop  }
0x3d: {  	[tilespmem:s18], [sflag:$0x1] =	stream.indirect.gather [hbm4b:s3+s13], $0x20, s17, s13, $0xb8;
	[tilespmem:$0x8600] =	vst v63  }
0x3e: {  	_ = 	snop  }
0x3f: {  	[tilespmem:s20], [sflag:$0x1] =	stream.indirect.gather [hbm4b:s4+s13], $0x20, s19, s13, $0xb8;
	[tilespmem:$0x8600] =	vst v63  }
0x40: {  	_ = 	snop  }
0x41: {  	[tilespmem:s22], [sflag:$0x1] =	stream.indirect.gather [hbm4b:s3+s13], $0x20, s21, s13, $0xb8;
	[tilespmem:$0x8600] =	vst v63  }
0x42: {  	_ = 	snop  }
0x43: {  	[tilespmem:s24], [sflag:$0x1] =	stream.indirect.gather [hbm4b:s4+s13], $0x20, s23, s13, $0xb8;
	[tilespmem:$0x8600] =	vst v63  }
0x44: {  	_ =	swait.ge [sflag:s25], $0x1000  }
0x45: {  	[sflag:s25] =	ssyncset.done $0x0  }
0x46: {  	[sflag:s25] =	ssyncadd.s32 $0xFFFFF000  }
0x47: {  	_ =	swait.ge [sflag:s25], $0x1000  }
0x48: {  	[sflag:s25] =	ssyncset.done $0x0  }
0x49: {  	[sflag:s25] =	ssyncadd.s32 $0xFFFFF000  }
0x4a: {  	_ =	swait.ge [sflag:s25], $0x1000  }
0x4b: {  	[sflag:s25] =	ssyncset.done $0x0  }
0x4c: {  	[sflag:s25] =	ssyncadd.s32 $0xFFFFF000  }
0x4d: {  	_ =	swait.ge [sflag:s25], $0x1000  }
0x4e: {  	[sflag:s25] =	ssyncset.done $0x0  }
0x4f: {  	[sflag:s25] =	ssyncadd.s32 $0xFFFFF000  }
0x50: {  	_ =	swait.ge [sflag:s25], $0x1000  }
0x51: {  	[sflag:s25] =	ssyncset.done $0x0  }
0x52: {  	[sflag:s25] =	ssyncadd.s32 $0xFFFFF000  }
0x53: {  	_ =	swait.ge [sflag:s25], $0x1000  }
0x54: {  	v33 =	vmov s1;
	[sflag:s25] =	ssyncset.done $0x0  }
0x55: {  	v33 =	vshll.u32 v33, $0x5;
	[sflag:s25] =	ssyncadd.s32 $0xFFFFF000  }
0x56: {  	v33 =	vor.u32 v1, v33;
	_ =	swait.ge [sflag:s25], $0x1000  }
0x57: {  	v34 =	vor.u32 v0, v33;
	[sflag:s25] =	ssyncset.done $0x0  }
0x58: {  	[sflag:s25] =	ssyncadd.s32 $0xFFFFF000  }
0x59: {  	_ =	swait.ge [sflag:s25], $0x1000  }
0x5a: {  	[sflag:s25] =	ssyncset.done $0x0  }
0x5b: {  	v35 =	vor.u32 v2, v33;
	[sflag:s25] =	ssyncadd.s32 $0xFFFFF000  }
0x5c: {  	v36 =	vld.idx.msk [tilespmem:v34+s11+$0x0], $0xffff  }
0x5d: {  	v34 =	vld.idx.msk [tilespmem:v34+s12+$0x0], $0xffff;
	_ =	sdelay $0x1  }
0x5e: {  	v37 =	vor.u32 v3, v33  }
0x5f: {  	v38 =	vld.idx.msk [tilespmem:v35+s11+$0x0], $0xffff  }
0x60: {  	v35 =	vld.idx.msk [tilespmem:v35+s12+$0x0], $0xffff  }
0x61: {  	v39 =	vunpack.i.l.bf16.f32 v36;
	v40 =	vunpack.i.l.bf16.f32 v34  }
0x62: {  	v41 =	vor.u32 v4, v33;
	v39 =	vmul.f32 v40, v39  }
0x63: {  	v48 =	vld.idx.msk [tilespmem:v37+s11+$0x0], $0xffff;
	v36 =	vunpack.i.u.bf16.f32 v36;
	v34 =	vunpack.i.u.bf16.f32 v34  }
0x64: {  	v37 =	vld.idx.msk [tilespmem:v37+s12+$0x0], $0xffff;
	v34 =	vmul.f32 v34, v36;
	v39 =	vadd.f32 $0.0e+00, v39  }
0x65: {  	v49 =	vunpack.i.l.bf16.f32 v38;
	v42 =	vunpack.i.l.bf16.f32 v35  }
0x66: {  	v43 =	vor.u32 v5, v33;
	v36 =	vmul.f32 v42, v49;
	v34 =	vadd.f32 v39, v34  }
0x67: {  	v50 =	vld.idx.msk [tilespmem:v41+s11+$0x0], $0xffff;
	v38 =	vunpack.i.u.bf16.f32 v38;
	v35 =	vunpack.i.u.bf16.f32 v35  }
0x68: {  	v41 =	vld.idx.msk [tilespmem:v41+s12+$0x0], $0xffff;
	v35 =	vmul.f32 v35, v38;
	v34 =	vadd.f32 v36, v34  }
0x69: {  	v51 =	vunpack.i.l.bf16.f32 v48;
	v52 =	vunpack.i.l.bf16.f32 v37  }
0x6a: {  	v53 =	vor.u32 v6, v33;
	v54 =	vmul.f32 v52, v51;
	v34 =	vadd.f32 v34, v35  }
0x6b: {  	v55 =	vld.idx.msk [tilespmem:v43+s11+$0x0], $0xffff;
	v56 =	vunpack.i.u.bf16.f32 v48;
	v37 =	vunpack.i.u.bf16.f32 v37  }
0x6c: {  	v57 =	vld.idx.msk [tilespmem:v43+s12+$0x0], $0xffff;
	v58 =	vmul.f32 v37, v56;
	v34 =	vadd.f32 v54, v34  }
0x6d: {  	v59 =	vunpack.i.l.bf16.f32 v50;
	v60 =	vunpack.i.l.bf16.f32 v41  }
0x6e: {  	v61 =	vor.u32 v7, v33;
	v62 =	vmul.f32 v60, v59;
	v34 =	vadd.f32 v34, v58  }
0x6f: {  	v63 =	vld.idx.msk [tilespmem:v53+s11+$0x0], $0xffff;
	v45 =	vunpack.i.u.bf16.f32 v50;
	v46 =	vunpack.i.u.bf16.f32 v41  }
0x70: {  	v47 =	vld.idx.msk [tilespmem:v53+s12+$0x0], $0xffff;
	v48 =	vmul.f32 v46, v45;
	v34 =	vadd.f32 v62, v34  }
0x71: {  	v50 =	vunpack.i.l.bf16.f32 v57;
	v49 =	vunpack.i.l.bf16.f32 v55  }
0x72: {  	v51 =	vor.u32 v8, v33;
	v52 =	vmul.f32 v50, v49;
	v34 =	vadd.f32 v34, v48  }
0x73: {  	v53 =	vld.idx.msk [tilespmem:v61+s11+$0x0], $0xffff;
	v36 =	vunpack.i.u.bf16.f32 v55;
	v54 =	vunpack.i.u.bf16.f32 v57  }
0x74: {  	v55 =	vld.idx.msk [tilespmem:v61+s12+$0x0], $0xffff;
	v56 =	vmul.f32 v54, v36;
	v34 =	vadd.f32 v52, v34  }
0x75: {  	v57 =	vunpack.i.l.bf16.f32 v63;
	v58 =	vunpack.i.l.bf16.f32 v47  }
0x76: {  	v59 =	vor.u32 v9, v33;
	v60 =	vmul.f32 v58, v57;
	v34 =	vadd.f32 v34, v56  }
0x77: {  	v37 =	vunpack.i.u.bf16.f32 v63;
	v61 =	vld.idx.msk [tilespmem:v51+s11+$0x0], $0xffff;
	v62 =	vunpack.i.u.bf16.f32 v47  }
0x78: {  	v63 =	vld.idx.msk [tilespmem:v51+s12+$0x0], $0xffff;
	v45 =	vmul.f32 v62, v37;
	v34 =	vadd.f32 v60, v34  }
0x79: {  	v46 =	vunpack.i.l.bf16.f32 v53;
	v47 =	vunpack.i.l.bf16.f32 v55  }
0x7a: {  	v49 =	vmul.f32 v47, v46;
	v48 =	vor.u32 v10, v33;
	v34 =	vadd.f32 v34, v45  }
0x7b: {  	v38 =	vunpack.i.u.bf16.f32 v53;
	v50 =	vld.idx.msk [tilespmem:v59+s11+$0x0], $0xffff;
	v51 =	vunpack.i.u.bf16.f32 v55  }
0x7c: {  	v53 =	vmul.f32 v51, v38;
	v52 =	vld.idx.msk [tilespmem:v59+s12+$0x0], $0xffff;
	v34 =	vadd.f32 v49, v34  }
0x7d: {  	v54 =	vunpack.i.l.bf16.f32 v61;
	v55 =	vunpack.i.l.bf16.f32 v63  }
0x7e: {  	v57 =	vmul.f32 v55, v54;
	v56 =	vor.u32 v11, v33;
	v34 =	vadd.f32 v34, v53  }
0x7f: {  	v36 =	vunpack.i.u.bf16.f32 v61;
	v59 =	vunpack.i.u.bf16.f32 v63;
	v58 =	vld.idx.msk [tilespmem:v48+s11+$0x0], $0xffff  }
0x80: {  	v61 =	vmul.f32 v59, v36;
	v60 =	vld.idx.msk [tilespmem:v48+s12+$0x0], $0xffff;
	v34 =	vadd.f32 v57, v34  }
0x81: {  	v62 =	vunpack.i.l.bf16.f32 v50;
	v63 =	vunpack.i.l.bf16.f32 v52  }
0x82: {  	v45 =	vor.u32 v12, v33;
	v46 =	vmul.f32 v63, v62;
	v34 =	vadd.f32 v34, v61  }
0x83: {  	v37 =	vunpack.i.u.bf16.f32 v50;
	v48 =	vunpack.i.u.bf16.f32 v52;
	v47 =	vld.idx.msk [tilespmem:v56+s11+$0x0], $0xffff  }
0x84: {  	v50 =	vmul.f32 v48, v37;
	v49 =	vld.idx.msk [tilespmem:v56+s12+$0x0], $0xffff;
	v34 =	vadd.f32 v46, v34  }
0x85: {  	v51 =	vunpack.i.l.bf16.f32 v58;
	v52 =	vunpack.i.l.bf16.f32 v60  }
0x86: {  	v53 =	vor.u32 v13, v33;
	v54 =	vmul.f32 v52, v51;
	v34 =	vadd.f32 v34, v50  }
0x87: {  	v38 =	vunpack.i.u.bf16.f32 v58;
	v56 =	vunpack.i.u.bf16.f32 v60;
	v55 =	vld.idx.msk [tilespmem:v45+s11+$0x0], $0xffff  }
0x88: {  	v58 =	vmul.f32 v56, v38;
	v57 =	vld.idx.msk [tilespmem:v45+s12+$0x0], $0xffff;
	v34 =	vadd.f32 v54, v34  }
0x89: {  	v59 =	vunpack.i.l.bf16.f32 v47;
	v60 =	vunpack.i.l.bf16.f32 v49  }
0x8a: {  	v61 =	vor.u32 v14, v33;
	v62 =	vmul.f32 v60, v59;
	v34 =	vadd.f32 v34, v58  }
0x8b: {  	v36 =	vunpack.i.u.bf16.f32 v47;
	v45 =	vunpack.i.u.bf16.f32 v49;
	v63 =	vld.idx.msk [tilespmem:v53+s11+$0x0], $0xffff  }
0x8c: {  	v47 =	vmul.f32 v45, v36;
	v46 =	vld.idx.msk [tilespmem:v53+s12+$0x0], $0xffff;
	v34 =	vadd.f32 v62, v34  }
0x8d: {  	v48 =	vunpack.i.l.bf16.f32 v55;
	v49 =	vunpack.i.l.bf16.f32 v57  }
0x8e: {  	v50 =	vor.u32 v15, v33;
	v51 =	vmul.f32 v49, v48;
	v34 =	vadd.f32 v34, v47  }
0x8f: {  	v37 =	vunpack.i.u.bf16.f32 v55;
	v53 =	vunpack.i.u.bf16.f32 v57;
	v52 =	vld.idx.msk [tilespmem:v61+s11+$0x0], $0xffff  }
0x90: {  	v55 =	vmul.f32 v53, v37;
	v54 =	vld.idx.msk [tilespmem:v61+s12+$0x0], $0xffff;
	v34 =	vadd.f32 v51, v34  }
0x91: {  	v56 =	vunpack.i.l.bf16.f32 v63;
	v57 =	vunpack.i.l.bf16.f32 v46  }
0x92: {  	v58 =	vor.u32 v16, v33;
	v59 =	vmul.f32 v57, v56;
	v34 =	vadd.f32 v34, v55  }
0x93: {  	v38 =	vunpack.i.u.bf16.f32 v63;
	v61 =	vunpack.i.u.bf16.f32 v46;
	v60 =	vld.idx.msk [tilespmem:v50+s11+$0x0], $0xffff  }
0x94: {  	v63 =	vmul.f32 v61, v38;
	v62 =	vld.idx.msk [tilespmem:v50+s12+$0x0], $0xffff;
	v34 =	vadd.f32 v59, v34  }
0x95: {  	v45 =	vunpack.i.l.bf16.f32 v52;
	v46 =	vunpack.i.l.bf16.f32 v54  }
0x96: {  	v47 =	vor.u32 v28, v33;
	v48 =	vmul.f32 v46, v45;
	v34 =	vadd.f32 v34, v63  }
0x97: {  	v36 =	vunpack.i.u.bf16.f32 v52;
	v50 =	vunpack.i.u.bf16.f32 v54;
	v49 =	vld.idx.msk [tilespmem:v58+s11+$0x0], $0xffff  }
0x98: {  	v52 =	vmul.f32 v50, v36;
	v51 =	vld.idx.msk [tilespmem:v58+s12+$0x0], $0xffff;
	v34 =	vadd.f32 v48, v34  }
0x99: {  	v53 =	vunpack.i.l.bf16.f32 v60;
	v54 =	vunpack.i.l.bf16.f32 v62  }
0x9a: {  	v55 =	vor.u32 v17, v33;
	v56 =	vmul.f32 v54, v53;
	v34 =	vadd.f32 v34, v52  }
0x9b: {  	v37 =	vunpack.i.u.bf16.f32 v60;
	v58 =	vunpack.i.u.bf16.f32 v62;
	v57 =	vld.idx.msk [tilespmem:v47+s11+$0x0], $0xffff  }
0x9c: {  	v60 =	vmul.f32 v58, v37;
	v59 =	vld.idx.msk [tilespmem:v47+s12+$0x0], $0xffff;
	v34 =	vadd.f32 v56, v34  }
0x9d: {  	v61 =	vunpack.i.l.bf16.f32 v49;
	v62 =	vunpack.i.l.bf16.f32 v51  }
0x9e: {  	v63 =	vor.u32 v19, v33;
	v44 =	vmul.f32 v62, v61;
	v34 =	vadd.f32 v34, v60  }
0x9f: {  	v38 =	vunpack.i.u.bf16.f32 v49;
	v46 =	vunpack.i.u.bf16.f32 v51;
	v45 =	vld.idx.msk [tilespmem:v55+s11+$0x0], $0xffff  }
0xa0: {  	v47 =	vld.idx.msk [tilespmem:v55+s12+$0x0], $0xffff;
	v48 =	vmul.f32 v46, v38;
	v34 =	vadd.f32 v44, v34  }
0xa1: {  	v49 =	vunpack.i.l.bf16.f32 v57;
	v50 =	vunpack.i.l.bf16.f32 v59  }
0xa2: {  	v51 =	vor.u32 v20, v33;
	v52 =	vmul.f32 v50, v49;
	v34 =	vadd.f32 v34, v48  }
0xa3: {  	v36 =	vunpack.i.u.bf16.f32 v57;
	v54 =	vunpack.i.u.bf16.f32 v59;
	v53 =	vld.idx.msk [tilespmem:v63+s11+$0x0], $0xffff  }
0xa4: {  	v55 =	vld.idx.msk [tilespmem:v63+s12+$0x0], $0xffff;
	v56 =	vmul.f32 v54, v36;
	v34 =	vadd.f32 v52, v34  }
0xa5: {  	v57 =	vunpack.i.l.bf16.f32 v45;
	v58 =	vunpack.i.l.bf16.f32 v47  }
0xa6: {  	v59 =	vor.u32 v18, v33;
	v60 =	vmul.f32 v58, v57;
	v34 =	vadd.f32 v34, v56  }
0xa7: {  	v61 =	vld.idx.msk [tilespmem:v51+s11+$0x0], $0xffff;
	v37 =	vunpack.i.u.bf16.f32 v45;
	v62 =	vunpack.i.u.bf16.f32 v47  }
0xa8: {  	v63 =	vld.idx.msk [tilespmem:v51+s12+$0x0], $0xffff;
	v45 =	vmul.f32 v62, v37;
	v34 =	vadd.f32 v60, v34  }
0xa9: {  	v46 =	vunpack.i.l.bf16.f32 v53;
	v47 =	vunpack.i.l.bf16.f32 v55  }
0xaa: {  	v49 =	vmul.f32 v47, v46;
	v48 =	vor.u32 v21, v33;
	v34 =	vadd.f32 v34, v45  }
0xab: {  	v50 =	vld.idx.msk [tilespmem:v59+s11+$0x0], $0xffff;
	v38 =	vunpack.i.u.bf16.f32 v53;
	v51 =	vunpack.i.u.bf16.f32 v55  }
0xac: {  	v53 =	vmul.f32 v51, v38;
	v52 =	vld.idx.msk [tilespmem:v59+s12+$0x0], $0xffff;
	v34 =	vadd.f32 v49, v34  }
0xad: {  	v54 =	vunpack.i.l.bf16.f32 v61;
	v55 =	vunpack.i.l.bf16.f32 v63  }
0xae: {  	v57 =	vmul.f32 v55, v54;
	v56 =	vor.u32 v22, v33;
	v34 =	vadd.f32 v34, v53  }
0xaf: {  	v36 =	vunpack.i.u.bf16.f32 v61;
	v59 =	vunpack.i.u.bf16.f32 v63;
	v58 =	vld.idx.msk [tilespmem:v48+s11+$0x0], $0xffff  }
0xb0: {  	v61 =	vmul.f32 v59, v36;
	v60 =	vld.idx.msk [tilespmem:v48+s12+$0x0], $0xffff;
	v34 =	vadd.f32 v57, v34  }
0xb1: {  	v62 =	vunpack.i.l.bf16.f32 v50;
	v63 =	vunpack.i.l.bf16.f32 v52  }
0xb2: {  	v45 =	vor.u32 v23, v33;
	v46 =	vmul.f32 v63, v62;
	v34 =	vadd.f32 v34, v61  }
0xb3: {  	v37 =	vunpack.i.u.bf16.f32 v50;
	v48 =	vunpack.i.u.bf16.f32 v52;
	v47 =	vld.idx.msk [tilespmem:v56+s11+$0x0], $0xffff  }
0xb4: {  	v50 =	vmul.f32 v48, v37;
	v49 =	vld.idx.msk [tilespmem:v56+s12+$0x0], $0xffff;
	v34 =	vadd.f32 v46, v34  }
0xb5: {  	v51 =	vunpack.i.l.bf16.f32 v58;
	v52 =	vunpack.i.l.bf16.f32 v60  }
0xb6: {  	v53 =	vor.u32 v24, v33;
	v54 =	vmul.f32 v52, v51;
	v34 =	vadd.f32 v34, v50  }
0xb7: {  	v38 =	vunpack.i.u.bf16.f32 v58;
	v56 =	vunpack.i.u.bf16.f32 v60;
	v55 =	vld.idx.msk [tilespmem:v45+s11+$0x0], $0xffff  }
0xb8: {  	v58 =	vmul.f32 v56, v38;
	v57 =	vld.idx.msk [tilespmem:v45+s12+$0x0], $0xffff;
	v34 =	vadd.f32 v54, v34  }
0xb9: {  	v59 =	vunpack.i.l.bf16.f32 v47;
	v60 =	vunpack.i.l.bf16.f32 v49  }
0xba: {  	v61 =	vor.u32 v25, v33;
	v62 =	vmul.f32 v60, v59;
	v34 =	vadd.f32 v34, v58  }
0xbb: {  	v36 =	vunpack.i.u.bf16.f32 v47;
	v45 =	vunpack.i.u.bf16.f32 v49;
	v63 =	vld.idx.msk [tilespmem:v53+s11+$0x0], $0xffff  }
0xbc: {  	v47 =	vmul.f32 v45, v36;
	v46 =	vld.idx.msk [tilespmem:v53+s12+$0x0], $0xffff;
	v34 =	vadd.f32 v62, v34  }
0xbd: {  	v48 =	vunpack.i.l.bf16.f32 v55;
	v49 =	vunpack.i.l.bf16.f32 v57  }
0xbe: {  	v50 =	vor.u32 v26, v33;
	v51 =	vmul.f32 v49, v48;
	v34 =	vadd.f32 v34, v47  }
0xbf: {  	v37 =	vunpack.i.u.bf16.f32 v55;
	v53 =	vunpack.i.u.bf16.f32 v57;
	v52 =	vld.idx.msk [tilespmem:v61+s11+$0x0], $0xffff  }
0xc0: {  	v55 =	vmul.f32 v53, v37;
	v54 =	vld.idx.msk [tilespmem:v61+s12+$0x0], $0xffff;
	v34 =	vadd.f32 v51, v34  }
0xc1: {  	v56 =	vunpack.i.l.bf16.f32 v63;
	v57 =	vunpack.i.l.bf16.f32 v46  }
0xc2: {  	v58 =	vor.u32 v27, v33;
	v59 =	vmul.f32 v57, v56;
	v34 =	vadd.f32 v34, v55  }
0xc3: {  	v38 =	vunpack.i.u.bf16.f32 v63;
	v61 =	vunpack.i.u.bf16.f32 v46;
	v60 =	vld.idx.msk [tilespmem:v50+s11+$0x0], $0xffff  }
0xc4: {  	v63 =	vmul.f32 v61, v38;
	v62 =	vld.idx.msk [tilespmem:v50+s12+$0x0], $0xffff;
	v34 =	vadd.f32 v59, v34  }
0xc5: {  	v45 =	vunpack.i.l.bf16.f32 v52;
	v46 =	vunpack.i.l.bf16.f32 v54  }
0xc6: {  	v47 =	vor.u32 v29, v33;
	v48 =	vmul.f32 v46, v45;
	v34 =	vadd.f32 v34, v63  }
0xc7: {  	v36 =	vunpack.i.u.bf16.f32 v52;
	v50 =	vunpack.i.u.bf16.f32 v54;
	v49 =	vld.idx.msk [tilespmem:v58+s11+$0x0], $0xffff  }
0xc8: {  	v52 =	vmul.f32 v50, v36;
	v51 =	vld.idx.msk [tilespmem:v58+s12+$0x0], $0xffff;
	v34 =	vadd.f32 v48, v34  }
0xc9: {  	v53 =	vunpack.i.l.bf16.f32 v60;
	v54 =	vunpack.i.l.bf16.f32 v62  }
0xca: {  	v55 =	vor.u32 v30, v33;
	v56 =	vmul.f32 v54, v53;
	v34 =	vadd.f32 v34, v52  }
0xcb: {  	v37 =	vunpack.i.u.bf16.f32 v60;
	v58 =	vunpack.i.u.bf16.f32 v62;
	v57 =	vld.idx.msk [tilespmem:v47+s11+$0x0], $0xffff  }
0xcc: {  	v60 =	vmul.f32 v58, v37;
	v59 =	vld.idx.msk [tilespmem:v47+s12+$0x0], $0xffff;
	v34 =	vadd.f32 v56, v34  }
0xcd: {  	v61 =	vunpack.i.l.bf16.f32 v49;
	v62 =	vunpack.i.l.bf16.f32 v51  }
0xce: {  	v63 =	vor.u32 v31, v33;
	v44 =	vmul.f32 v62, v61;
	v34 =	vadd.f32 v34, v60  }
0xcf: {  	v38 =	vunpack.i.u.bf16.f32 v49;
	v46 =	vunpack.i.u.bf16.f32 v51;
	v45 =	vld.idx.msk [tilespmem:v55+s11+$0x0], $0xffff  }
0xd0: {  	v47 =	vld.idx.msk [tilespmem:v55+s12+$0x0], $0xffff;
	v48 =	vmul.f32 v46, v38;
	v34 =	vadd.f32 v44, v34  }
0xd1: {  	v49 =	vunpack.i.l.bf16.f32 v57;
	v50 =	vunpack.i.l.bf16.f32 v59  }
0xd2: {  	v33 =	vor.u32 v32, v33;
	v51 =	vmul.f32 v50, v49;
	v34 =	vadd.f32 v34, v48  }
0xd3: {  	v36 =	vunpack.i.u.bf16.f32 v57;
	v53 =	vunpack.i.u.bf16.f32 v59;
	v52 =	vld.idx.msk [tilespmem:v63+s11+$0x0], $0xffff  }
0xd4: {  	v55 =	vmul.f32 v53, v36;
	v54 =	vld.idx.msk [tilespmem:v63+s12+$0x0], $0xffff;
	v34 =	vadd.f32 v51, v34  }
0xd5: {  	v56 =	vunpack.i.l.bf16.f32 v45;
	v57 =	vunpack.i.l.bf16.f32 v47  }
0xd6: {  	v58 =	vmul.f32 v57, v56;
	v34 =	vadd.f32 v34, v55  }
0xd7: {  	v59 =	vld.idx.msk [tilespmem:v33+s11+$0x0], $0xffff;
	v37 =	vunpack.i.u.bf16.f32 v45;
	v60 =	vunpack.i.u.bf16.f32 v47  }
0xd8: {  	v61 =	vld.idx.msk [tilespmem:v33+s12+$0x0], $0xffff;
	v63 =	vmul.f32 v60, v37;
	v62 =	vadd.f32 v58, v34  }
0xd9: {  	v42 =	vunpack.i.l.bf16.f32 v52;
	v43 =	vunpack.i.l.bf16.f32 v54  }
0xda: {  	v44 =	vmul.f32 v43, v42;
	v33 =	vadd.f32 v62, v63  }
0xdb: {  	v45 =	vunpack.i.u.bf16.f32 v52;
	v46 =	vunpack.i.u.bf16.f32 v54  }
0xdc: {  	s29 =	simm.s32 $0x10;
	v47 =	vmul.f32 v46, v45;
	v33 =	vadd.f32 v44, v33  }
0xdd: {  	v49 =	vunpack.i.l.bf16.f32 v59;
	v50 =	vunpack.i.l.bf16.f32 v61;
	v48 =	vmov s29  }
0xde: {  	v37 =	vmul.f32 v50, v49;
	v35 =	vshll.u32 v48, $0x5;
	v34 =	vadd.f32 v33, v47  }
0xdf: {  	v52 =	vunpack.i.u.bf16.f32 v61;
	v51 =	vunpack.i.u.bf16.f32 v59;
	v33 =	vor.u32 v1, v35  }
0xe0: {  	v35 =	vmul.f32 v52, v51;
	v53 =	vor.u32 v0, v33;
	v34 =	vadd.f32 v37, v34;
	_ =	sdelay $0x1  }
0xe1: {  	v34 =	vadd.f32 v34, v35;
	_ =	sdelay $0x1  }
0xe2: {  	v54 =	vor.u32 v2, v33;
	[tilespmem:s26+$0x0] =	vst v34  }
0xe3: {  	v34 =	vld.idx.msk [tilespmem:v53+s11+$0x0], $0xffff  }
0xe4: {  	v55 =	vld.idx.msk [tilespmem:v53+s12+$0x0], $0xffff;
	_ =	sdelay $0x1  }
0xe5: {  	v56 =	vor.u32 v3, v33  }
0xe6: {  	v57 =	vld.idx.msk [tilespmem:v54+s11+$0x0], $0xffff  }
0xe7: {  	v35 =	vld.idx.msk [tilespmem:v54+s12+$0x0], $0xffff  }
0xe8: {  	v58 =	vunpack.i.l.bf16.f32 v34;
	v59 =	vunpack.i.l.bf16.f32 v55  }
0xe9: {  	v60 =	vor.u32 v4, v33;
	v39 =	vmul.f32 v59, v58  }
0xea: {  	v61 =	vld.idx.msk [tilespmem:v56+s11+$0x0], $0xffff;
	v34 =	vunpack.i.u.bf16.f32 v34;
	v36 =	vunpack.i.u.bf16.f32 v55  }
0xeb: {  	v37 =	vld.idx.msk [tilespmem:v56+s12+$0x0], $0xffff;
	v34 =	vmul.f32 v36, v34;
	v39 =	vadd.f32 $0.0e+00, v39  }
0xec: {  	v62 =	vunpack.i.l.bf16.f32 v57;
	v63 =	vunpack.i.l.bf16.f32 v35  }
0xed: {  	v45 =	vor.u32 v5, v33;
	v36 =	vmul.f32 v63, v62;
	v34 =	vadd.f32 v39, v34  }
0xee: {  	v46 =	vld.idx.msk [tilespmem:v60+s11+$0x0], $0xffff;
	v38 =	vunpack.i.u.bf16.f32 v57;
	v35 =	vunpack.i.u.bf16.f32 v35  }
0xef: {  	v41 =	vld.idx.msk [tilespmem:v60+s12+$0x0], $0xffff;
	v35 =	vmul.f32 v35, v38;
	v34 =	vadd.f32 v36, v34  }
0xf0: {  	v47 =	vunpack.i.l.bf16.f32 v61;
	v48 =	vunpack.i.l.bf16.f32 v37  }
0xf1: {  	v49 =	vor.u32 v6, v33;
	v50 =	vmul.f32 v48, v47;
	v34 =	vadd.f32 v34, v35  }
0xf2: {  	v51 =	vld.idx.msk [tilespmem:v45+s11+$0x0], $0xffff;
	v52 =	vunpack.i.u.bf16.f32 v61;
	v37 =	vunpack.i.u.bf16.f32 v37  }
0xf3: {  	v53 =	vld.idx.msk [tilespmem:v45+s12+$0x0], $0xffff;
	v54 =	vmul.f32 v37, v52;
	v34 =	vadd.f32 v50, v34  }
0xf4: {  	v55 =	vunpack.i.l.bf16.f32 v46;
	v56 =	vunpack.i.l.bf16.f32 v41  }
0xf5: {  	v57 =	vor.u32 v7, v33;
	v58 =	vmul.f32 v56, v55;
	v34 =	vadd.f32 v34, v54  }
0xf6: {  	v60 =	vunpack.i.u.bf16.f32 v46;
	v61 =	vunpack.i.u.bf16.f32 v41;
	v59 =	vld.idx.msk [tilespmem:v49+s11+$0x0], $0xffff  }
0xf7: {  	v62 =	vld.idx.msk [tilespmem:v49+s12+$0x0], $0xffff;
	v63 =	vmul.f32 v61, v60;
	v34 =	vadd.f32 v58, v34  }
0xf8: {  	v45 =	vunpack.i.l.bf16.f32 v51;
	v46 =	vunpack.i.l.bf16.f32 v53  }
0xf9: {  	v47 =	vor.u32 v8, v33;
	v48 =	vmul.f32 v46, v45;
	v34 =	vadd.f32 v34, v63  }
0xfa: {  	v49 =	vld.idx.msk [tilespmem:v57+s11+$0x0], $0xffff;
	v36 =	vunpack.i.u.bf16.f32 v51;
	v50 =	vunpack.i.u.bf16.f32 v53  }
0xfb: {  	v51 =	vld.idx.msk [tilespmem:v57+s12+$0x0], $0xffff;
	v52 =	vmul.f32 v50, v36;
	v34 =	vadd.f32 v48, v34  }
0xfc: {  	v53 =	vunpack.i.l.bf16.f32 v59;
	v54 =	vunpack.i.l.bf16.f32 v62  }
0xfd: {  	v55 =	vor.u32 v9, v33;
	v56 =	vmul.f32 v54, v53;
	v34 =	vadd.f32 v34, v52  }
0xfe: {  	v37 =	vunpack.i.u.bf16.f32 v59;
	v57 =	vld.idx.msk [tilespmem:v47+s11+$0x0], $0xffff;
	v58 =	vunpack.i.u.bf16.f32 v62  }
0xff: {  	v59 =	vld.idx.msk [tilespmem:v47+s12+$0x0], $0xffff;
	v60 =	vmul.f32 v58, v37;
	v34 =	vadd.f32 v56, v34  }
0x100: {  	v61 =	vunpack.i.l.bf16.f32 v49;
	v62 =	vunpack.i.l.bf16.f32 v51  }
0x101: {  	v44 =	vmul.f32 v62, v61;
	v63 =	vor.u32 v10, v33;
	v34 =	vadd.f32 v34, v60  }
0x102: {  	v45 =	vld.idx.msk [tilespmem:v55+s11+$0x0], $0xffff;
	v38 =	vunpack.i.u.bf16.f32 v49;
	v46 =	vunpack.i.u.bf16.f32 v51  }
0x103: {  	v47 =	vld.idx.msk [tilespmem:v55+s12+$0x0], $0xffff;
	v48 =	vmul.f32 v46, v38;
	v34 =	vadd.f32 v44, v34  }
0x104: {  	v49 =	vunpack.i.l.bf16.f32 v57;
	v50 =	vunpack.i.l.bf16.f32 v59  }
0x105: {  	v51 =	vor.u32 v11, v33;
	v52 =	vmul.f32 v50, v49;
	v34 =	vadd.f32 v34, v48  }
0x106: {  	v36 =	vunpack.i.u.bf16.f32 v57;
	v54 =	vunpack.i.u.bf16.f32 v59;
	v53 =	vld.idx.msk [tilespmem:v63+s11+$0x0], $0xffff  }
0x107: {  	v55 =	vld.idx.msk [tilespmem:v63+s12+$0x0], $0xffff;
	v56 =	vmul.f32 v54, v36;
	v34 =	vadd.f32 v52, v34  }
0x108: {  	v57 =	vunpack.i.l.bf16.f32 v45;
	v58 =	vunpack.i.l.bf16.f32 v47  }
0x109: {  	v59 =	vor.u32 v12, v33;
	v60 =	vmul.f32 v58, v57;
	v34 =	vadd.f32 v34, v56  }
0x10a: {  	v37 =	vunpack.i.u.bf16.f32 v45;
	v62 =	vunpack.i.u.bf16.f32 v47;
	v61 =	vld.idx.msk [tilespmem:v51+s11+$0x0], $0xffff  }
0x10b: {  	v45 =	vmul.f32 v62, v37;
	v63 =	vld.idx.msk [tilespmem:v51+s12+$0x0], $0xffff;
	v34 =	vadd.f32 v60, v34  }
0x10c: {  	v46 =	vunpack.i.l.bf16.f32 v53;
	v47 =	vunpack.i.l.bf16.f32 v55  }
0x10d: {  	v49 =	vmul.f32 v47, v46;
	v48 =	vor.u32 v13, v33;
	v34 =	vadd.f32 v34, v45  }
0x10e: {  	v50 =	vld.idx.msk [tilespmem:v59+s11+$0x0], $0xffff;
	v38 =	vunpack.i.u.bf16.f32 v53;
	v51 =	vunpack.i.u.bf16.f32 v55  }
0x10f: {  	v53 =	vmul.f32 v51, v38;
	v52 =	vld.idx.msk [tilespmem:v59+s12+$0x0], $0xffff;
	v34 =	vadd.f32 v49, v34  }
0x110: {  	v54 =	vunpack.i.l.bf16.f32 v61;
	v55 =	vunpack.i.l.bf16.f32 v63  }
0x111: {  	v57 =	vmul.f32 v55, v54;
	v56 =	vor.u32 v14, v33;
	v34 =	vadd.f32 v34, v53  }
0x112: {  	v36 =	vunpack.i.u.bf16.f32 v61;
	v59 =	vunpack.i.u.bf16.f32 v63;
	v58 =	vld.idx.msk [tilespmem:v48+s11+$0x0], $0xffff  }
0x113: {  	v61 =	vmul.f32 v59, v36;
	v60 =	vld.idx.msk [tilespmem:v48+s12+$0x0], $0xffff;
	v34 =	vadd.f32 v57, v34  }
0x114: {  	v62 =	vunpack.i.l.bf16.f32 v50;
	v63 =	vunpack.i.l.bf16.f32 v52  }
0x115: {  	v45 =	vor.u32 v15, v33;
	v46 =	vmul.f32 v63, v62;
	v34 =	vadd.f32 v34, v61  }
0x116: {  	v37 =	vunpack.i.u.bf16.f32 v50;
	v48 =	vunpack.i.u.bf16.f32 v52;
	v47 =	vld.idx.msk [tilespmem:v56+s11+$0x0], $0xffff  }
0x117: {  	v50 =	vmul.f32 v48, v37;
	v49 =	vld.idx.msk [tilespmem:v56+s12+$0x0], $0xffff;
	v34 =	vadd.f32 v46, v34  }
0x118: {  	v51 =	vunpack.i.l.bf16.f32 v58;
	v52 =	vunpack.i.l.bf16.f32 v60  }
0x119: {  	v53 =	vor.u32 v16, v33;
	v54 =	vmul.f32 v52, v51;
	v34 =	vadd.f32 v34, v50  }
0x11a: {  	v38 =	vunpack.i.u.bf16.f32 v58;
	v56 =	vunpack.i.u.bf16.f32 v60;
	v55 =	vld.idx.msk [tilespmem:v45+s11+$0x0], $0xffff  }
0x11b: {  	v58 =	vmul.f32 v56, v38;
	v57 =	vld.idx.msk [tilespmem:v45+s12+$0x0], $0xffff;
	v34 =	vadd.f32 v54, v34  }
0x11c: {  	v59 =	vunpack.i.l.bf16.f32 v47;
	v60 =	vunpack.i.l.bf16.f32 v49  }
0x11d: {  	v61 =	vor.u32 v28, v33;
	v62 =	vmul.f32 v60, v59;
	v34 =	vadd.f32 v34, v58  }
0x11e: {  	v36 =	vunpack.i.u.bf16.f32 v47;
	v45 =	vunpack.i.u.bf16.f32 v49;
	v63 =	vld.idx.msk [tilespmem:v53+s11+$0x0], $0xffff  }
0x11f: {  	v47 =	vmul.f32 v45, v36;
	v46 =	vld.idx.msk [tilespmem:v53+s12+$0x0], $0xffff;
	v34 =	vadd.f32 v62, v34  }
0x120: {  	v48 =	vunpack.i.l.bf16.f32 v55;
	v49 =	vunpack.i.l.bf16.f32 v57  }
0x121: {  	v50 =	vor.u32 v17, v33;
	v51 =	vmul.f32 v49, v48;
	v34 =	vadd.f32 v34, v47  }
0x122: {  	v37 =	vunpack.i.u.bf16.f32 v55;
	v53 =	vunpack.i.u.bf16.f32 v57;
	v52 =	vld.idx.msk [tilespmem:v61+s11+$0x0], $0xffff  }
0x123: {  	v55 =	vmul.f32 v53, v37;
	v54 =	vld.idx.msk [tilespmem:v61+s12+$0x0], $0xffff;
	v34 =	vadd.f32 v51, v34  }
0x124: {  	v56 =	vunpack.i.l.bf16.f32 v63;
	v57 =	vunpack.i.l.bf16.f32 v46  }
0x125: {  	v58 =	vor.u32 v19, v33;
	v59 =	vmul.f32 v57, v56;
	v34 =	vadd.f32 v34, v55  }
0x126: {  	v38 =	vunpack.i.u.bf16.f32 v63;
	v61 =	vunpack.i.u.bf16.f32 v46;
	v60 =	vld.idx.msk [tilespmem:v50+s11+$0x0], $0xffff  }
0x127: {  	v63 =	vmul.f32 v61, v38;
	v62 =	vld.idx.msk [tilespmem:v50+s12+$0x0], $0xffff;
	v34 =	vadd.f32 v59, v34  }
0x128: {  	v45 =	vunpack.i.l.bf16.f32 v52;
	v46 =	vunpack.i.l.bf16.f32 v54  }
0x129: {  	v47 =	vor.u32 v20, v33;
	v48 =	vmul.f32 v46, v45;
	v34 =	vadd.f32 v34, v63  }
0x12a: {  	v36 =	vunpack.i.u.bf16.f32 v52;
	v50 =	vunpack.i.u.bf16.f32 v54;
	v49 =	vld.idx.msk [tilespmem:v58+s11+$0x0], $0xffff  }
0x12b: {  	v52 =	vmul.f32 v50, v36;
	v51 =	vld.idx.msk [tilespmem:v58+s12+$0x0], $0xffff;
	v34 =	vadd.f32 v48, v34  }
0x12c: {  	v53 =	vunpack.i.l.bf16.f32 v60;
	v54 =	vunpack.i.l.bf16.f32 v62  }
0x12d: {  	v55 =	vor.u32 v18, v33;
	v56 =	vmul.f32 v54, v53;
	v34 =	vadd.f32 v34, v52  }
0x12e: {  	v37 =	vunpack.i.u.bf16.f32 v60;
	v58 =	vunpack.i.u.bf16.f32 v62;
	v57 =	vld.idx.msk [tilespmem:v47+s11+$0x0], $0xffff  }
0x12f: {  	v60 =	vmul.f32 v58, v37;
	v59 =	vld.idx.msk [tilespmem:v47+s12+$0x0], $0xffff;
	v34 =	vadd.f32 v56, v34  }
0x130: {  	v61 =	vunpack.i.l.bf16.f32 v49;
	v62 =	vunpack.i.l.bf16.f32 v51  }
0x131: {  	v63 =	vor.u32 v21, v33;
	v44 =	vmul.f32 v62, v61;
	v34 =	vadd.f32 v34, v60  }
0x132: {  	v38 =	vunpack.i.u.bf16.f32 v49;
	v46 =	vunpack.i.u.bf16.f32 v51;
	v45 =	vld.idx.msk [tilespmem:v55+s11+$0x0], $0xffff  }
0x133: {  	v47 =	vld.idx.msk [tilespmem:v55+s12+$0x0], $0xffff;
	v48 =	vmul.f32 v46, v38;
	v34 =	vadd.f32 v44, v34  }
0x134: {  	v49 =	vunpack.i.l.bf16.f32 v57;
	v50 =	vunpack.i.l.bf16.f32 v59  }
0x135: {  	v51 =	vor.u32 v22, v33;
	v52 =	vmul.f32 v50, v49;
	v34 =	vadd.f32 v34, v48  }
0x136: {  	v36 =	vunpack.i.u.bf16.f32 v57;
	v54 =	vunpack.i.u.bf16.f32 v59;
	v53 =	vld.idx.msk [tilespmem:v63+s11+$0x0], $0xffff  }
0x137: {  	v55 =	vld.idx.msk [tilespmem:v63+s12+$0x0], $0xffff;
	v56 =	vmul.f32 v54, v36;
	v34 =	vadd.f32 v52, v34  }
0x138: {  	v57 =	vunpack.i.l.bf16.f32 v45;
	v58 =	vunpack.i.l.bf16.f32 v47  }
0x139: {  	v59 =	vor.u32 v23, v33;
	v60 =	vmul.f32 v58, v57;
	v34 =	vadd.f32 v34, v56  }
0x13a: {  	v61 =	vld.idx.msk [tilespmem:v51+s11+$0x0], $0xffff;
	v37 =	vunpack.i.u.bf16.f32 v45;
	v62 =	vunpack.i.u.bf16.f32 v47  }
0x13b: {  	v63 =	vld.idx.msk [tilespmem:v51+s12+$0x0], $0xffff;
	v45 =	vmul.f32 v62, v37;
	v34 =	vadd.f32 v60, v34  }
0x13c: {  	v46 =	vunpack.i.l.bf16.f32 v53;
	v47 =	vunpack.i.l.bf16.f32 v55  }
0x13d: {  	v49 =	vmul.f32 v47, v46;
	v48 =	vor.u32 v24, v33;
	v34 =	vadd.f32 v34, v45  }
0x13e: {  	v50 =	vld.idx.msk [tilespmem:v59+s11+$0x0], $0xffff;
	v38 =	vunpack.i.u.bf16.f32 v53;
	v51 =	vunpack.i.u.bf16.f32 v55  }
0x13f: {  	v53 =	vmul.f32 v51, v38;
	v52 =	vld.idx.msk [tilespmem:v59+s12+$0x0], $0xffff;
	v34 =	vadd.f32 v49, v34  }
0x140: {  	v54 =	vunpack.i.l.bf16.f32 v61;
	v55 =	vunpack.i.l.bf16.f32 v63  }
0x141: {  	v57 =	vmul.f32 v55, v54;
	v56 =	vor.u32 v25, v33;
	v34 =	vadd.f32 v34, v53  }
0x142: {  	v36 =	vunpack.i.u.bf16.f32 v61;
	v59 =	vunpack.i.u.bf16.f32 v63;
	v58 =	vld.idx.msk [tilespmem:v48+s11+$0x0], $0xffff  }
0x143: {  	v61 =	vmul.f32 v59, v36;
	v60 =	vld.idx.msk [tilespmem:v48+s12+$0x0], $0xffff;
	v34 =	vadd.f32 v57, v34  }
0x144: {  	v62 =	vunpack.i.l.bf16.f32 v50;
	v63 =	vunpack.i.l.bf16.f32 v52  }
0x145: {  	v45 =	vor.u32 v26, v33;
	v46 =	vmul.f32 v63, v62;
	v34 =	vadd.f32 v34, v61  }
0x146: {  	v37 =	vunpack.i.u.bf16.f32 v50;
	v48 =	vunpack.i.u.bf16.f32 v52;
	v47 =	vld.idx.msk [tilespmem:v56+s11+$0x0], $0xffff  }
0x147: {  	v50 =	vmul.f32 v48, v37;
	v49 =	vld.idx.msk [tilespmem:v56+s12+$0x0], $0xffff;
	v34 =	vadd.f32 v46, v34  }
0x148: {  	v51 =	vunpack.i.l.bf16.f32 v58;
	v52 =	vunpack.i.l.bf16.f32 v60  }
0x149: {  	v53 =	vor.u32 v27, v33;
	v54 =	vmul.f32 v52, v51;
	v34 =	vadd.f32 v34, v50  }
0x14a: {  	v38 =	vunpack.i.u.bf16.f32 v58;
	v56 =	vunpack.i.u.bf16.f32 v60;
	v55 =	vld.idx.msk [tilespmem:v45+s11+$0x0], $0xffff  }
0x14b: {  	v58 =	vmul.f32 v56, v38;
	v57 =	vld.idx.msk [tilespmem:v45+s12+$0x0], $0xffff;
	v34 =	vadd.f32 v54, v34  }
0x14c: {  	v59 =	vunpack.i.l.bf16.f32 v47;
	v60 =	vunpack.i.l.bf16.f32 v49  }
0x14d: {  	v61 =	vor.u32 v29, v33;
	v62 =	vmul.f32 v60, v59;
	v34 =	vadd.f32 v34, v58  }
0x14e: {  	v36 =	vunpack.i.u.bf16.f32 v47;
	v45 =	vunpack.i.u.bf16.f32 v49;
	v63 =	vld.idx.msk [tilespmem:v53+s11+$0x0], $0xffff  }
0x14f: {  	v47 =	vmul.f32 v45, v36;
	v46 =	vld.idx.msk [tilespmem:v53+s12+$0x0], $0xffff;
	v34 =	vadd.f32 v62, v34  }
0x150: {  	v48 =	vunpack.i.l.bf16.f32 v55;
	v49 =	vunpack.i.l.bf16.f32 v57  }
0x151: {  	v50 =	vor.u32 v30, v33;
	v51 =	vmul.f32 v49, v48;
	v34 =	vadd.f32 v34, v47  }
0x152: {  	v37 =	vunpack.i.u.bf16.f32 v55;
	v53 =	vunpack.i.u.bf16.f32 v57;
	v52 =	vld.idx.msk [tilespmem:v61+s11+$0x0], $0xffff  }
0x153: {  	v55 =	vmul.f32 v53, v37;
	v54 =	vld.idx.msk [tilespmem:v61+s12+$0x0], $0xffff;
	v34 =	vadd.f32 v51, v34  }
0x154: {  	v56 =	vunpack.i.l.bf16.f32 v63;
	v57 =	vunpack.i.l.bf16.f32 v46  }
0x155: {  	v58 =	vor.u32 v31, v33;
	v59 =	vmul.f32 v57, v56;
	v34 =	vadd.f32 v34, v55  }
0x156: {  	v38 =	vunpack.i.u.bf16.f32 v63;
	v61 =	vunpack.i.u.bf16.f32 v46;
	v60 =	vld.idx.msk [tilespmem:v50+s11+$0x0], $0xffff  }
0x157: {  	v63 =	vmul.f32 v61, v38;
	v62 =	vld.idx.msk [tilespmem:v50+s12+$0x0], $0xffff;
	v34 =	vadd.f32 v59, v34  }
0x158: {  	v42 =	vunpack.i.l.bf16.f32 v52;
	v44 =	vunpack.i.l.bf16.f32 v54  }
0x159: {  	v33 =	vor.u32 v32, v33;
	v45 =	vmul.f32 v44, v42;
	v34 =	vadd.f32 v34, v63  }
0x15a: {  	v36 =	vunpack.i.u.bf16.f32 v52;
	v47 =	vunpack.i.u.bf16.f32 v54;
	v46 =	vld.idx.msk [tilespmem:v58+s11+$0x0], $0xffff  }
0x15b: {  	v48 =	vld.idx.msk [tilespmem:v58+s12+$0x0], $0xffff;
	v49 =	vmul.f32 v47, v36;
	v34 =	vadd.f32 v45, v34  }
0x15c: {  	v50 =	vunpack.i.l.bf16.f32 v60;
	v51 =	vunpack.i.l.bf16.f32 v62  }
0x15d: {  	v36 =	vmul.f32 v51, v50;
	v52 =	vadd.f32 v34, v49  }
0x15e: {  	v35 =	vld.idx.msk [tilespmem:v33+s12+$0x0], $0xffff;
	v37 =	vunpack.i.u.bf16.f32 v60;
	v53 =	vunpack.i.u.bf16.f32 v62  }
0x15f: {  	v55 =	vmul.f32 v53, v37;
	v34 =	vld.idx.msk [tilespmem:v33+s11+$0x0], $0xffff;
	v54 =	vadd.f32 v36, v52  }
0x160: {  	v56 =	vunpack.i.l.bf16.f32 v46;
	v57 =	vunpack.i.l.bf16.f32 v48  }
0x161: {  	v58 =	vmul.f32 v57, v56;
	v33 =	vadd.f32 v54, v55  }
0x162: {  	v59 =	vunpack.i.u.bf16.f32 v46;
	v60 =	vunpack.i.u.bf16.f32 v48  }
0x163: {  	s29 =	simm.s32 $0x20;
	v37 =	vmul.f32 v60, v59;
	v36 =	vadd.f32 v58, v33  }
0x164: {  	v61 =	vmov s29;
	v63 =	vunpack.i.l.bf16.f32 v35;
	v62 =	vunpack.i.l.bf16.f32 v34  }
0x165: {  	s30 =	simm.s32 $0x30;
	s29 =	simm.s32 $0x8400;
	v33 =	vshll.u32 v61, $0x5;
	v36 =	vadd.f32 v36, v37;
	v37 =	vmul.f32 v63, v62  }
.LBB2_2:
0x166: {  	p0 =	sne.s32 s30, $0x1F0;
	v33 =	vor.u32 v1, v33;
	v34 =	vunpack.i.u.bf16.f32 v34;
	v35 =	vunpack.i.u.bf16.f32 v35  }
0x167: {  	v38 =	vor.u32 v0, v33;
	v36 =	vadd.f32 v37, v36;
	v34 =	vmul.f32 v35, v34;
	_ =	sdelay $0x1  }
0x168: {  	v34 =	vadd.f32 v36, v34  }
0x169: {  	s29 =	sadd.s32 $0x10, s29  }
0x16a: {  	v35 =	vor.u32 v2, v33;
	[tilespmem:s29+$0x0] =	vst v34  }
0x16b: {  	v34 =	vld.idx.msk [tilespmem:v38+s11+$0x0], $0xffff  }
0x16c: {  	v36 =	vld.idx.msk [tilespmem:v38+s12+$0x0], $0xffff;
	_ =	sdelay $0x1  }
0x16d: {  	v37 =	vor.u32 v3, v33  }
0x16e: {  	v38 =	vld.idx.msk [tilespmem:v35+s11+$0x0], $0xffff  }
0x16f: {  	v35 =	vld.idx.msk [tilespmem:v35+s12+$0x0], $0xffff;
	_ =	sdelay $0x1  }
0x170: {  	v41 =	vor.u32 v4, v33;
	v39 =	vunpack.i.l.bf16.f32 v34;
	v40 =	vunpack.i.l.bf16.f32 v36  }
0x171: {  	v39 =	vmul.f32 v40, v39;
	v40 =	vld.idx.msk [tilespmem:v37+s11+$0x0], $0xffff  }
0x172: {  	v34 =	vunpack.i.u.bf16.f32 v34;
	v36 =	vunpack.i.u.bf16.f32 v36;
	v37 =	vld.idx.msk [tilespmem:v37+s12+$0x0], $0xffff  }
0x173: {  	v34 =	vmul.f32 v36, v34;
	v39 =	vadd.f32 $0.0e+00, v39  }
0x174: {  	v43 =	vor.u32 v5, v33;
	v36 =	vunpack.i.l.bf16.f32 v38;
	v42 =	vunpack.i.l.bf16.f32 v35  }
0x175: {  	v34 =	vadd.f32 v39, v34;
	v36 =	vmul.f32 v42, v36;
	v39 =	vld.idx.msk [tilespmem:v41+s11+$0x0], $0xffff  }
0x176: {  	v38 =	vunpack.i.u.bf16.f32 v38;
	v35 =	vunpack.i.u.bf16.f32 v35;
	v41 =	vld.idx.msk [tilespmem:v41+s12+$0x0], $0xffff  }
0x177: {  	v35 =	vmul.f32 v35, v38;
	v34 =	vadd.f32 v36, v34  }
0x178: {  	v42 =	vor.u32 v6, v33;
	v36 =	vunpack.i.l.bf16.f32 v40;
	v38 =	vunpack.i.l.bf16.f32 v37  }
0x179: {  	v34 =	vadd.f32 v34, v35;
	v35 =	vmul.f32 v38, v36;
	v36 =	vld.idx.msk [tilespmem:v43+s11+$0x0], $0xffff  }
0x17a: {  	v37 =	vunpack.i.u.bf16.f32 v37;
	v38 =	vunpack.i.u.bf16.f32 v40;
	v40 =	vld.idx.msk [tilespmem:v43+s12+$0x0], $0xffff  }
0x17b: {  	v34 =	vadd.f32 v35, v34;
	v35 =	vmul.f32 v37, v38  }
0x17c: {  	v37 =	vunpack.i.l.bf16.f32 v39;
	v43 =	vor.u32 v7, v33;
	v38 =	vunpack.i.l.bf16.f32 v41  }
0x17d: {  	v34 =	vadd.f32 v34, v35;
	v35 =	vmul.f32 v38, v37;
	v37 =	vld.idx.msk [tilespmem:v42+s11+$0x0], $0xffff  }
0x17e: {  	v38 =	vunpack.i.u.bf16.f32 v39;
	v39 =	vunpack.i.u.bf16.f32 v41;
	v41 =	vld.idx.msk [tilespmem:v42+s12+$0x0], $0xffff  }
0x17f: {  	v34 =	vadd.f32 v35, v34;
	v35 =	vmul.f32 v39, v38  }
0x180: {  	v38 =	vunpack.i.l.bf16.f32 v36;
	v42 =	vor.u32 v8, v33;
	v39 =	vunpack.i.l.bf16.f32 v40  }
0x181: {  	v34 =	vadd.f32 v34, v35;
	v35 =	vmul.f32 v39, v38;
	v38 =	vld.idx.msk [tilespmem:v43+s11+$0x0], $0xffff  }
0x182: {  	v36 =	vunpack.i.u.bf16.f32 v36;
	v39 =	vunpack.i.u.bf16.f32 v40;
	v40 =	vld.idx.msk [tilespmem:v43+s12+$0x0], $0xffff  }
0x183: {  	v34 =	vadd.f32 v35, v34;
	v35 =	vmul.f32 v39, v36  }
0x184: {  	v36 =	vunpack.i.l.bf16.f32 v37;
	v43 =	vor.u32 v9, v33;
	v39 =	vunpack.i.l.bf16.f32 v41  }
0x185: {  	v34 =	vadd.f32 v34, v35;
	v35 =	vmul.f32 v39, v36;
	v36 =	vld.idx.msk [tilespmem:v42+s11+$0x0], $0xffff  }
0x186: {  	v37 =	vunpack.i.u.bf16.f32 v37;
	v39 =	vunpack.i.u.bf16.f32 v41;
	v41 =	vld.idx.msk [tilespmem:v42+s12+$0x0], $0xffff  }
0x187: {  	v34 =	vadd.f32 v35, v34;
	v35 =	vmul.f32 v39, v37  }
0x188: {  	v37 =	vunpack.i.l.bf16.f32 v38;
	v42 =	vor.u32 v10, v33;
	v39 =	vunpack.i.l.bf16.f32 v40  }
0x189: {  	v34 =	vadd.f32 v34, v35;
	v35 =	vmul.f32 v39, v37;
	v37 =	vld.idx.msk [tilespmem:v43+s11+$0x0], $0xffff  }
0x18a: {  	v38 =	vunpack.i.u.bf16.f32 v38;
	v39 =	vunpack.i.u.bf16.f32 v40;
	v40 =	vld.idx.msk [tilespmem:v43+s12+$0x0], $0xffff  }
0x18b: {  	v34 =	vadd.f32 v35, v34;
	v35 =	vmul.f32 v39, v38  }
0x18c: {  	v38 =	vunpack.i.l.bf16.f32 v36;
	v43 =	vor.u32 v11, v33;
	v39 =	vunpack.i.l.bf16.f32 v41  }
0x18d: {  	v34 =	vadd.f32 v34, v35;
	v35 =	vmul.f32 v39, v38;
	v38 =	vld.idx.msk [tilespmem:v42+s11+$0x0], $0xffff  }
0x18e: {  	v36 =	vunpack.i.u.bf16.f32 v36;
	v39 =	vunpack.i.u.bf16.f32 v41;
	v41 =	vld.idx.msk [tilespmem:v42+s12+$0x0], $0xffff  }
0x18f: {  	v34 =	vadd.f32 v35, v34;
	v35 =	vmul.f32 v39, v36  }
0x190: {  	v36 =	vunpack.i.l.bf16.f32 v37;
	v42 =	vor.u32 v12, v33;
	v39 =	vunpack.i.l.bf16.f32 v40  }
0x191: {  	v34 =	vadd.f32 v34, v35;
	v35 =	vmul.f32 v39, v36;
	v36 =	vld.idx.msk [tilespmem:v43+s11+$0x0], $0xffff  }
0x192: {  	v37 =	vunpack.i.u.bf16.f32 v37;
	v39 =	vunpack.i.u.bf16.f32 v40;
	v40 =	vld.idx.msk [tilespmem:v43+s12+$0x0], $0xffff  }
0x193: {  	v34 =	vadd.f32 v35, v34;
	v35 =	vmul.f32 v39, v37  }
0x194: {  	v37 =	vunpack.i.l.bf16.f32 v38;
	v43 =	vor.u32 v13, v33;
	v39 =	vunpack.i.l.bf16.f32 v41  }
0x195: {  	v34 =	vadd.f32 v34, v35;
	v35 =	vmul.f32 v39, v37;
	v37 =	vld.idx.msk [tilespmem:v42+s11+$0x0], $0xffff  }
0x196: {  	v38 =	vunpack.i.u.bf16.f32 v38;
	v39 =	vunpack.i.u.bf16.f32 v41;
	v41 =	vld.idx.msk [tilespmem:v42+s12+$0x0], $0xffff  }
0x197: {  	v34 =	vadd.f32 v35, v34;
	v35 =	vmul.f32 v39, v38  }
0x198: {  	v38 =	vunpack.i.l.bf16.f32 v36;
	v42 =	vor.u32 v14, v33;
	v39 =	vunpack.i.l.bf16.f32 v40  }
0x199: {  	v34 =	vadd.f32 v34, v35;
	v35 =	vmul.f32 v39, v38;
	v38 =	vld.idx.msk [tilespmem:v43+s11+$0x0], $0xffff  }
0x19a: {  	v36 =	vunpack.i.u.bf16.f32 v36;
	v39 =	vunpack.i.u.bf16.f32 v40;
	v40 =	vld.idx.msk [tilespmem:v43+s12+$0x0], $0xffff  }
0x19b: {  	v34 =	vadd.f32 v35, v34;
	v35 =	vmul.f32 v39, v36  }
0x19c: {  	v36 =	vunpack.i.l.bf16.f32 v37;
	v43 =	vor.u32 v15, v33;
	v39 =	vunpack.i.l.bf16.f32 v41  }
0x19d: {  	v34 =	vadd.f32 v34, v35;
	v35 =	vmul.f32 v39, v36;
	v36 =	vld.idx.msk [tilespmem:v42+s11+$0x0], $0xffff  }
0x19e: {  	v37 =	vunpack.i.u.bf16.f32 v37;
	v39 =	vunpack.i.u.bf16.f32 v41;
	v41 =	vld.idx.msk [tilespmem:v42+s12+$0x0], $0xffff  }
0x19f: {  	v34 =	vadd.f32 v35, v34;
	v35 =	vmul.f32 v39, v37  }
0x1a0: {  	v37 =	vunpack.i.l.bf16.f32 v38;
	v42 =	vor.u32 v16, v33;
	v39 =	vunpack.i.l.bf16.f32 v40  }
0x1a1: {  	v34 =	vadd.f32 v34, v35;
	v35 =	vmul.f32 v39, v37;
	v37 =	vld.idx.msk [tilespmem:v43+s11+$0x0], $0xffff  }
0x1a2: {  	v38 =	vunpack.i.u.bf16.f32 v38;
	v39 =	vunpack.i.u.bf16.f32 v40;
	v40 =	vld.idx.msk [tilespmem:v43+s12+$0x0], $0xffff  }
0x1a3: {  	v34 =	vadd.f32 v35, v34;
	v35 =	vmul.f32 v39, v38  }
0x1a4: {  	v38 =	vunpack.i.l.bf16.f32 v36;
	v43 =	vor.u32 v28, v33;
	v39 =	vunpack.i.l.bf16.f32 v41  }
0x1a5: {  	v34 =	vadd.f32 v34, v35;
	v35 =	vmul.f32 v39, v38;
	v38 =	vld.idx.msk [tilespmem:v42+s11+$0x0], $0xffff  }
0x1a6: {  	v36 =	vunpack.i.u.bf16.f32 v36;
	v39 =	vunpack.i.u.bf16.f32 v41;
	v41 =	vld.idx.msk [tilespmem:v42+s12+$0x0], $0xffff  }
0x1a7: {  	v34 =	vadd.f32 v35, v34;
	v35 =	vmul.f32 v39, v36  }
0x1a8: {  	v36 =	vunpack.i.l.bf16.f32 v37;
	v42 =	vor.u32 v17, v33;
	v39 =	vunpack.i.l.bf16.f32 v40  }
0x1a9: {  	v34 =	vadd.f32 v34, v35;
	v35 =	vmul.f32 v39, v36;
	v36 =	vld.idx.msk [tilespmem:v43+s11+$0x0], $0xffff  }
0x1aa: {  	v37 =	vunpack.i.u.bf16.f32 v37;
	v39 =	vunpack.i.u.bf16.f32 v40;
	v40 =	vld.idx.msk [tilespmem:v43+s12+$0x0], $0xffff  }
0x1ab: {  	v34 =	vadd.f32 v35, v34;
	v35 =	vmul.f32 v39, v37  }
0x1ac: {  	v37 =	vunpack.i.l.bf16.f32 v38;
	v43 =	vor.u32 v19, v33;
	v39 =	vunpack.i.l.bf16.f32 v41  }
0x1ad: {  	v34 =	vadd.f32 v34, v35;
	v35 =	vmul.f32 v39, v37;
	v37 =	vld.idx.msk [tilespmem:v42+s11+$0x0], $0xffff  }
0x1ae: {  	v38 =	vunpack.i.u.bf16.f32 v38;
	v39 =	vunpack.i.u.bf16.f32 v41;
	v41 =	vld.idx.msk [tilespmem:v42+s12+$0x0], $0xffff  }
0x1af: {  	v34 =	vadd.f32 v35, v34;
	v35 =	vmul.f32 v39, v38  }
0x1b0: {  	v38 =	vunpack.i.l.bf16.f32 v36;
	v42 =	vor.u32 v20, v33;
	v39 =	vunpack.i.l.bf16.f32 v40  }
0x1b1: {  	v34 =	vadd.f32 v34, v35;
	v35 =	vmul.f32 v39, v38;
	v38 =	vld.idx.msk [tilespmem:v43+s11+$0x0], $0xffff  }
0x1b2: {  	v36 =	vunpack.i.u.bf16.f32 v36;
	v39 =	vunpack.i.u.bf16.f32 v40;
	v40 =	vld.idx.msk [tilespmem:v43+s12+$0x0], $0xffff  }
0x1b3: {  	v34 =	vadd.f32 v35, v34;
	v35 =	vmul.f32 v39, v36  }
0x1b4: {  	v36 =	vunpack.i.l.bf16.f32 v37;
	v43 =	vor.u32 v18, v33;
	v39 =	vunpack.i.l.bf16.f32 v41  }
0x1b5: {  	v34 =	vadd.f32 v34, v35;
	v35 =	vmul.f32 v39, v36;
	v36 =	vld.idx.msk [tilespmem:v42+s11+$0x0], $0xffff  }
0x1b6: {  	v37 =	vunpack.i.u.bf16.f32 v37;
	v39 =	vunpack.i.u.bf16.f32 v41;
	v41 =	vld.idx.msk [tilespmem:v42+s12+$0x0], $0xffff  }
0x1b7: {  	v34 =	vadd.f32 v35, v34;
	v35 =	vmul.f32 v39, v37  }
0x1b8: {  	v37 =	vunpack.i.l.bf16.f32 v38;
	v42 =	vor.u32 v21, v33;
	v39 =	vunpack.i.l.bf16.f32 v40  }
0x1b9: {  	v34 =	vadd.f32 v34, v35;
	v35 =	vmul.f32 v39, v37;
	v37 =	vld.idx.msk [tilespmem:v43+s11+$0x0], $0xffff  }
0x1ba: {  	v38 =	vunpack.i.u.bf16.f32 v38;
	v39 =	vunpack.i.u.bf16.f32 v40;
	v40 =	vld.idx.msk [tilespmem:v43+s12+$0x0], $0xffff  }
0x1bb: {  	v34 =	vadd.f32 v35, v34;
	v35 =	vmul.f32 v39, v38  }
0x1bc: {  	v38 =	vunpack.i.l.bf16.f32 v36;
	v43 =	vor.u32 v22, v33;
	v39 =	vunpack.i.l.bf16.f32 v41  }
0x1bd: {  	v34 =	vadd.f32 v34, v35;
	v35 =	vmul.f32 v39, v38;
	v38 =	vld.idx.msk [tilespmem:v42+s11+$0x0], $0xffff  }
0x1be: {  	v36 =	vunpack.i.u.bf16.f32 v36;
	v39 =	vunpack.i.u.bf16.f32 v41;
	v41 =	vld.idx.msk [tilespmem:v42+s12+$0x0], $0xffff  }
0x1bf: {  	v34 =	vadd.f32 v35, v34;
	v35 =	vmul.f32 v39, v36  }
0x1c0: {  	v36 =	vunpack.i.l.bf16.f32 v37;
	v42 =	vor.u32 v23, v33;
	v39 =	vunpack.i.l.bf16.f32 v40  }
0x1c1: {  	v34 =	vadd.f32 v34, v35;
	v35 =	vmul.f32 v39, v36;
	v36 =	vld.idx.msk [tilespmem:v43+s11+$0x0], $0xffff  }
0x1c2: {  	v37 =	vunpack.i.u.bf16.f32 v37;
	v39 =	vunpack.i.u.bf16.f32 v40;
	v40 =	vld.idx.msk [tilespmem:v43+s12+$0x0], $0xffff  }
0x1c3: {  	v34 =	vadd.f32 v35, v34;
	v35 =	vmul.f32 v39, v37  }
0x1c4: {  	v37 =	vunpack.i.l.bf16.f32 v38;
	v43 =	vor.u32 v24, v33;
	v39 =	vunpack.i.l.bf16.f32 v41  }
0x1c5: {  	v34 =	vadd.f32 v34, v35;
	v35 =	vmul.f32 v39, v37;
	v37 =	vld.idx.msk [tilespmem:v42+s11+$0x0], $0xffff  }
0x1c6: {  	v38 =	vunpack.i.u.bf16.f32 v38;
	v39 =	vunpack.i.u.bf16.f32 v41;
	v41 =	vld.idx.msk [tilespmem:v42+s12+$0x0], $0xffff  }
0x1c7: {  	v34 =	vadd.f32 v35, v34;
	v35 =	vmul.f32 v39, v38  }
0x1c8: {  	v38 =	vunpack.i.l.bf16.f32 v36;
	v42 =	vor.u32 v25, v33;
	v39 =	vunpack.i.l.bf16.f32 v40  }
0x1c9: {  	v34 =	vadd.f32 v34, v35;
	v35 =	vmul.f32 v39, v38;
	v38 =	vld.idx.msk [tilespmem:v43+s11+$0x0], $0xffff  }
0x1ca: {  	v36 =	vunpack.i.u.bf16.f32 v36;
	v39 =	vunpack.i.u.bf16.f32 v40;
	v40 =	vld.idx.msk [tilespmem:v43+s12+$0x0], $0xffff  }
0x1cb: {  	v34 =	vadd.f32 v35, v34;
	v35 =	vmul.f32 v39, v36  }
0x1cc: {  	v36 =	vunpack.i.l.bf16.f32 v37;
	v43 =	vor.u32 v26, v33;
	v39 =	vunpack.i.l.bf16.f32 v41  }
0x1cd: {  	v34 =	vadd.f32 v34, v35;
	v35 =	vmul.f32 v39, v36;
	v36 =	vld.idx.msk [tilespmem:v42+s11+$0x0], $0xffff  }
0x1ce: {  	v37 =	vunpack.i.u.bf16.f32 v37;
	v39 =	vunpack.i.u.bf16.f32 v41;
	v41 =	vld.idx.msk [tilespmem:v42+s12+$0x0], $0xffff  }
0x1cf: {  	v34 =	vadd.f32 v35, v34;
	v35 =	vmul.f32 v39, v37  }
0x1d0: {  	v37 =	vunpack.i.l.bf16.f32 v38;
	v42 =	vor.u32 v27, v33;
	v39 =	vunpack.i.l.bf16.f32 v40  }
0x1d1: {  	v34 =	vadd.f32 v34, v35;
	v35 =	vmul.f32 v39, v37;
	v37 =	vld.idx.msk [tilespmem:v43+s11+$0x0], $0xffff  }
0x1d2: {  	v38 =	vunpack.i.u.bf16.f32 v38;
	v39 =	vunpack.i.u.bf16.f32 v40;
	v40 =	vld.idx.msk [tilespmem:v43+s12+$0x0], $0xffff  }
0x1d3: {  	v34 =	vadd.f32 v35, v34;
	v35 =	vmul.f32 v39, v38  }
0x1d4: {  	v38 =	vunpack.i.l.bf16.f32 v36;
	v43 =	vor.u32 v29, v33;
	v39 =	vunpack.i.l.bf16.f32 v41  }
0x1d5: {  	v34 =	vadd.f32 v34, v35;
	v35 =	vmul.f32 v39, v38;
	v38 =	vld.idx.msk [tilespmem:v42+s11+$0x0], $0xffff  }
0x1d6: {  	v36 =	vunpack.i.u.bf16.f32 v36;
	v39 =	vunpack.i.u.bf16.f32 v41;
	v41 =	vld.idx.msk [tilespmem:v42+s12+$0x0], $0xffff  }
0x1d7: {  	v34 =	vadd.f32 v35, v34;
	v35 =	vmul.f32 v39, v36  }
0x1d8: {  	v36 =	vunpack.i.l.bf16.f32 v37;
	v42 =	vor.u32 v30, v33;
	v39 =	vunpack.i.l.bf16.f32 v40  }
0x1d9: {  	v34 =	vadd.f32 v34, v35;
	v35 =	vmul.f32 v39, v36;
	v36 =	vld.idx.msk [tilespmem:v43+s11+$0x0], $0xffff  }
0x1da: {  	v37 =	vunpack.i.u.bf16.f32 v37;
	v39 =	vunpack.i.u.bf16.f32 v40;
	v40 =	vld.idx.msk [tilespmem:v43+s12+$0x0], $0xffff  }
0x1db: {  	v34 =	vadd.f32 v35, v34;
	v35 =	vmul.f32 v39, v37  }
0x1dc: {  	v37 =	vunpack.i.l.bf16.f32 v38;
	v43 =	vor.u32 v31, v33;
	v39 =	vunpack.i.l.bf16.f32 v41  }
0x1dd: {  	v34 =	vadd.f32 v34, v35;
	v35 =	vmul.f32 v39, v37;
	v37 =	vld.idx.msk [tilespmem:v42+s11+$0x0], $0xffff  }
0x1de: {  	v38 =	vunpack.i.u.bf16.f32 v38;
	v39 =	vunpack.i.u.bf16.f32 v41;
	v41 =	vld.idx.msk [tilespmem:v42+s12+$0x0], $0xffff  }
0x1df: {  	v34 =	vadd.f32 v35, v34;
	v35 =	vmul.f32 v39, v38  }
0x1e0: {  	v33 =	vor.u32 v32, v33;
	v38 =	vunpack.i.l.bf16.f32 v36;
	v39 =	vunpack.i.l.bf16.f32 v40  }
0x1e1: {  	v34 =	vadd.f32 v34, v35;
	v35 =	vmul.f32 v39, v38;
	v38 =	vld.idx.msk [tilespmem:v43+s11+$0x0], $0xffff  }
0x1e2: {  	v36 =	vunpack.i.u.bf16.f32 v36;
	v39 =	vunpack.i.u.bf16.f32 v40;
	v40 =	vld.idx.msk [tilespmem:v43+s12+$0x0], $0xffff  }
0x1e3: {  	v34 =	vadd.f32 v35, v34;
	v35 =	vmul.f32 v39, v36  }
0x1e4: {  	v36 =	vunpack.i.l.bf16.f32 v37;
	v39 =	vunpack.i.l.bf16.f32 v41  }
0x1e5: {  	v42 =	vadd.f32 v34, v35;
	v36 =	vmul.f32 v39, v36;
	v34 =	vld.idx.msk [tilespmem:v33+s11+$0x0], $0xffff  }
0x1e6: {  	v37 =	vunpack.i.u.bf16.f32 v37;
	v39 =	vunpack.i.u.bf16.f32 v41;
	v35 =	vld.idx.msk [tilespmem:v33+s12+$0x0], $0xffff  }
0x1e7: {  	v33 =	vadd.f32 v36, v42;
	v36 =	vmul.f32 v39, v37  }
0x1e8: {  	v37 =	vunpack.i.l.bf16.f32 v38;
	v39 =	vunpack.i.l.bf16.f32 v40  }
.Ltmp0:
0x1e9: {  	v33 =	vadd.f32 v33, v36;
	v36 =	vmul.f32 v39, v37;
	(pc) =	sbr.rel @p0 .LBB2_2-.Ltmp0, $4  }
0x1ea: {  	v37 =	vunpack.i.u.bf16.f32 v38;
	v38 =	vunpack.i.u.bf16.f32 v40  }
0x1eb: {  	v37 =	vmul.f32 v38, v37;
	v36 =	vadd.f32 v36, v33  }
0x1ec: {  	v33 =	vmov s30;
	v38 =	vunpack.i.l.bf16.f32 v34;
	v39 =	vunpack.i.l.bf16.f32 v35  }
0x1ed: {  	s30 =	sadd.s32 $0x10, s30;
	v33 =	vshll.u32 v33, $0x5;
	v36 =	vadd.f32 v36, v37;
	v37 =	vmul.f32 v39, v38  }
0x1ee: {  	v33 =	vor.u32 v1, v33;
	v34 =	vunpack.i.u.bf16.f32 v34;
	v35 =	vunpack.i.u.bf16.f32 v35  }
0x1ef: {  	v38 =	vor.u32 v0, v33;
	v36 =	vadd.f32 v37, v36;
	v34 =	vmul.f32 v35, v34;
	_ =	sdelay $0x1  }
0x1f0: {  	v34 =	vadd.f32 v36, v34  }
0x1f1: {  	s29 =	sadd.s32 $0x10, s29  }
0x1f2: {  	v59 =	vor.u32 v2, v33;
	[tilespmem:s29+$0x0] =	vst v34  }
0x1f3: {  	v34 =	vld.idx.msk [tilespmem:v38+s11+$0x0], $0xffff  }
0x1f4: {  	v60 =	vld.idx.msk [tilespmem:v38+s12+$0x0], $0xffff;
	_ =	sdelay $0x1  }
0x1f5: {  	v61 =	vor.u32 v3, v33  }
0x1f6: {  	v62 =	vld.idx.msk [tilespmem:v59+s11+$0x0], $0xffff  }
0x1f7: {  	v35 =	vld.idx.msk [tilespmem:v59+s12+$0x0], $0xffff  }
0x1f8: {  	v39 =	vunpack.i.l.bf16.f32 v34;
	v40 =	vunpack.i.l.bf16.f32 v60  }
0x1f9: {  	v41 =	vor.u32 v4, v33;
	v39 =	vmul.f32 v40, v39  }
0x1fa: {  	v63 =	vld.idx.msk [tilespmem:v61+s11+$0x0], $0xffff;
	v34 =	vunpack.i.u.bf16.f32 v34;
	v36 =	vunpack.i.u.bf16.f32 v60  }
0x1fb: {  	v37 =	vld.idx.msk [tilespmem:v61+s12+$0x0], $0xffff;
	v34 =	vmul.f32 v36, v34;
	v39 =	vadd.f32 $0.0e+00, v39  }
0x1fc: {  	v45 =	vunpack.i.l.bf16.f32 v62;
	v42 =	vunpack.i.l.bf16.f32 v35  }
0x1fd: {  	v43 =	vor.u32 v5, v33;
	v36 =	vmul.f32 v42, v45;
	v34 =	vadd.f32 v39, v34  }
0x1fe: {  	v46 =	vld.idx.msk [tilespmem:v41+s11+$0x0], $0xffff;
	v38 =	vunpack.i.u.bf16.f32 v62;
	v35 =	vunpack.i.u.bf16.f32 v35  }
0x1ff: {  	v41 =	vld.idx.msk [tilespmem:v41+s12+$0x0], $0xffff;
	v35 =	vmul.f32 v35, v38;
	v34 =	vadd.f32 v36, v34  }
0x200: {  	v47 =	vunpack.i.l.bf16.f32 v63;
	v48 =	vunpack.i.l.bf16.f32 v37  }
0x201: {  	v49 =	vor.u32 v6, v33;
	v50 =	vmul.f32 v48, v47;
	v34 =	vadd.f32 v34, v35  }
0x202: {  	v51 =	vld.idx.msk [tilespmem:v43+s11+$0x0], $0xffff;
	v52 =	vunpack.i.u.bf16.f32 v63;
	v37 =	vunpack.i.u.bf16.f32 v37  }
0x203: {  	v53 =	vld.idx.msk [tilespmem:v43+s12+$0x0], $0xffff;
	v54 =	vmul.f32 v37, v52;
	v34 =	vadd.f32 v50, v34  }
0x204: {  	v55 =	vunpack.i.l.bf16.f32 v46;
	v56 =	vunpack.i.l.bf16.f32 v41  }
0x205: {  	v57 =	vor.u32 v7, v33;
	v58 =	vmul.f32 v56, v55;
	v34 =	vadd.f32 v34, v54  }
0x206: {  	v59 =	vld.idx.msk [tilespmem:v49+s11+$0x0], $0xffff;
	v60 =	vunpack.i.u.bf16.f32 v46;
	v61 =	vunpack.i.u.bf16.f32 v41  }
0x207: {  	v62 =	vld.idx.msk [tilespmem:v49+s12+$0x0], $0xffff;
	v63 =	vmul.f32 v61, v60;
	v34 =	vadd.f32 v58, v34  }
0x208: {  	v46 =	vunpack.i.l.bf16.f32 v53;
	v45 =	vunpack.i.l.bf16.f32 v51  }
0x209: {  	v47 =	vor.u32 v8, v33;
	v48 =	vmul.f32 v46, v45;
	v34 =	vadd.f32 v34, v63  }
0x20a: {  	v49 =	vld.idx.msk [tilespmem:v57+s11+$0x0], $0xffff;
	v36 =	vunpack.i.u.bf16.f32 v51;
	v50 =	vunpack.i.u.bf16.f32 v53  }
0x20b: {  	v51 =	vld.idx.msk [tilespmem:v57+s12+$0x0], $0xffff;
	v52 =	vmul.f32 v50, v36;
	v34 =	vadd.f32 v48, v34  }
0x20c: {  	v53 =	vunpack.i.l.bf16.f32 v59;
	v54 =	vunpack.i.l.bf16.f32 v62  }
0x20d: {  	v55 =	vor.u32 v9, v33;
	v56 =	vmul.f32 v54, v53;
	v34 =	vadd.f32 v34, v52  }
0x20e: {  	v37 =	vunpack.i.u.bf16.f32 v59;
	v57 =	vld.idx.msk [tilespmem:v47+s11+$0x0], $0xffff;
	v58 =	vunpack.i.u.bf16.f32 v62  }
0x20f: {  	v59 =	vld.idx.msk [tilespmem:v47+s12+$0x0], $0xffff;
	v60 =	vmul.f32 v58, v37;
	v34 =	vadd.f32 v56, v34  }
0x210: {  	v61 =	vunpack.i.l.bf16.f32 v49;
	v62 =	vunpack.i.l.bf16.f32 v51  }
0x211: {  	v44 =	vmul.f32 v62, v61;
	v63 =	vor.u32 v10, v33;
	v34 =	vadd.f32 v34, v60  }
0x212: {  	v38 =	vunpack.i.u.bf16.f32 v49;
	v45 =	vld.idx.msk [tilespmem:v55+s11+$0x0], $0xffff;
	v46 =	vunpack.i.u.bf16.f32 v51  }
0x213: {  	v47 =	vld.idx.msk [tilespmem:v55+s12+$0x0], $0xffff;
	v48 =	vmul.f32 v46, v38;
	v34 =	vadd.f32 v44, v34  }
0x214: {  	v49 =	vunpack.i.l.bf16.f32 v57;
	v50 =	vunpack.i.l.bf16.f32 v59  }
0x215: {  	v51 =	vor.u32 v11, v33;
	v52 =	vmul.f32 v50, v49;
	v34 =	vadd.f32 v34, v48  }
0x216: {  	v36 =	vunpack.i.u.bf16.f32 v57;
	v54 =	vunpack.i.u.bf16.f32 v59;
	v53 =	vld.idx.msk [tilespmem:v63+s11+$0x0], $0xffff  }
0x217: {  	v55 =	vld.idx.msk [tilespmem:v63+s12+$0x0], $0xffff;
	v56 =	vmul.f32 v54, v36;
	v34 =	vadd.f32 v52, v34  }
0x218: {  	v57 =	vunpack.i.l.bf16.f32 v45;
	v58 =	vunpack.i.l.bf16.f32 v47  }
0x219: {  	v59 =	vor.u32 v12, v33;
	v60 =	vmul.f32 v58, v57;
	v34 =	vadd.f32 v34, v56  }
0x21a: {  	v37 =	vunpack.i.u.bf16.f32 v45;
	v62 =	vunpack.i.u.bf16.f32 v47;
	v61 =	vld.idx.msk [tilespmem:v51+s11+$0x0], $0xffff  }
0x21b: {  	v45 =	vmul.f32 v62, v37;
	v63 =	vld.idx.msk [tilespmem:v51+s12+$0x0], $0xffff;
	v34 =	vadd.f32 v60, v34  }
0x21c: {  	v46 =	vunpack.i.l.bf16.f32 v53;
	v47 =	vunpack.i.l.bf16.f32 v55  }
0x21d: {  	v49 =	vmul.f32 v47, v46;
	v48 =	vor.u32 v13, v33;
	v34 =	vadd.f32 v34, v45  }
0x21e: {  	v50 =	vld.idx.msk [tilespmem:v59+s11+$0x0], $0xffff;
	v38 =	vunpack.i.u.bf16.f32 v53;
	v51 =	vunpack.i.u.bf16.f32 v55  }
0x21f: {  	v53 =	vmul.f32 v51, v38;
	v52 =	vld.idx.msk [tilespmem:v59+s12+$0x0], $0xffff;
	v34 =	vadd.f32 v49, v34  }
0x220: {  	v54 =	vunpack.i.l.bf16.f32 v61;
	v55 =	vunpack.i.l.bf16.f32 v63  }
0x221: {  	v57 =	vmul.f32 v55, v54;
	v56 =	vor.u32 v14, v33;
	v34 =	vadd.f32 v34, v53  }
0x222: {  	v36 =	vunpack.i.u.bf16.f32 v61;
	v59 =	vunpack.i.u.bf16.f32 v63;
	v58 =	vld.idx.msk [tilespmem:v48+s11+$0x0], $0xffff  }
0x223: {  	v61 =	vmul.f32 v59, v36;
	v60 =	vld.idx.msk [tilespmem:v48+s12+$0x0], $0xffff;
	v34 =	vadd.f32 v57, v34  }
0x224: {  	v62 =	vunpack.i.l.bf16.f32 v50;
	v63 =	vunpack.i.l.bf16.f32 v52  }
0x225: {  	v45 =	vor.u32 v15, v33;
	v46 =	vmul.f32 v63, v62;
	v34 =	vadd.f32 v34, v61  }
0x226: {  	v37 =	vunpack.i.u.bf16.f32 v50;
	v48 =	vunpack.i.u.bf16.f32 v52;
	v47 =	vld.idx.msk [tilespmem:v56+s11+$0x0], $0xffff  }
0x227: {  	v50 =	vmul.f32 v48, v37;
	v49 =	vld.idx.msk [tilespmem:v56+s12+$0x0], $0xffff;
	v34 =	vadd.f32 v46, v34  }
0x228: {  	v51 =	vunpack.i.l.bf16.f32 v58;
	v52 =	vunpack.i.l.bf16.f32 v60  }
0x229: {  	v53 =	vor.u32 v16, v33;
	v54 =	vmul.f32 v52, v51;
	v34 =	vadd.f32 v34, v50  }
0x22a: {  	v38 =	vunpack.i.u.bf16.f32 v58;
	v56 =	vunpack.i.u.bf16.f32 v60;
	v55 =	vld.idx.msk [tilespmem:v45+s11+$0x0], $0xffff  }
0x22b: {  	v58 =	vmul.f32 v56, v38;
	v57 =	vld.idx.msk [tilespmem:v45+s12+$0x0], $0xffff;
	v34 =	vadd.f32 v54, v34  }
0x22c: {  	v59 =	vunpack.i.l.bf16.f32 v47;
	v60 =	vunpack.i.l.bf16.f32 v49  }
0x22d: {  	v61 =	vor.u32 v28, v33;
	v62 =	vmul.f32 v60, v59;
	v34 =	vadd.f32 v34, v58  }
0x22e: {  	v36 =	vunpack.i.u.bf16.f32 v47;
	v45 =	vunpack.i.u.bf16.f32 v49;
	v63 =	vld.idx.msk [tilespmem:v53+s11+$0x0], $0xffff  }
0x22f: {  	v47 =	vmul.f32 v45, v36;
	v46 =	vld.idx.msk [tilespmem:v53+s12+$0x0], $0xffff;
	v34 =	vadd.f32 v62, v34  }
0x230: {  	v48 =	vunpack.i.l.bf16.f32 v55;
	v49 =	vunpack.i.l.bf16.f32 v57  }
0x231: {  	v50 =	vor.u32 v17, v33;
	v51 =	vmul.f32 v49, v48;
	v34 =	vadd.f32 v34, v47  }
0x232: {  	v37 =	vunpack.i.u.bf16.f32 v55;
	v53 =	vunpack.i.u.bf16.f32 v57;
	v52 =	vld.idx.msk [tilespmem:v61+s11+$0x0], $0xffff  }
0x233: {  	v55 =	vmul.f32 v53, v37;
	v54 =	vld.idx.msk [tilespmem:v61+s12+$0x0], $0xffff;
	v34 =	vadd.f32 v51, v34  }
0x234: {  	v56 =	vunpack.i.l.bf16.f32 v63;
	v57 =	vunpack.i.l.bf16.f32 v46  }
0x235: {  	v58 =	vor.u32 v19, v33;
	v59 =	vmul.f32 v57, v56;
	v34 =	vadd.f32 v34, v55  }
0x236: {  	v38 =	vunpack.i.u.bf16.f32 v63;
	v61 =	vunpack.i.u.bf16.f32 v46;
	v60 =	vld.idx.msk [tilespmem:v50+s11+$0x0], $0xffff  }
0x237: {  	v63 =	vmul.f32 v61, v38;
	v62 =	vld.idx.msk [tilespmem:v50+s12+$0x0], $0xffff;
	v34 =	vadd.f32 v59, v34  }
0x238: {  	v45 =	vunpack.i.l.bf16.f32 v52;
	v46 =	vunpack.i.l.bf16.f32 v54  }
0x239: {  	v47 =	vor.u32 v20, v33;
	v48 =	vmul.f32 v46, v45;
	v34 =	vadd.f32 v34, v63  }
0x23a: {  	v36 =	vunpack.i.u.bf16.f32 v52;
	v50 =	vunpack.i.u.bf16.f32 v54;
	v49 =	vld.idx.msk [tilespmem:v58+s11+$0x0], $0xffff  }
0x23b: {  	v52 =	vmul.f32 v50, v36;
	v51 =	vld.idx.msk [tilespmem:v58+s12+$0x0], $0xffff;
	v34 =	vadd.f32 v48, v34  }
0x23c: {  	v53 =	vunpack.i.l.bf16.f32 v60;
	v54 =	vunpack.i.l.bf16.f32 v62  }
0x23d: {  	v55 =	vor.u32 v18, v33;
	v56 =	vmul.f32 v54, v53;
	v34 =	vadd.f32 v34, v52  }
0x23e: {  	v37 =	vunpack.i.u.bf16.f32 v60;
	v58 =	vunpack.i.u.bf16.f32 v62;
	v57 =	vld.idx.msk [tilespmem:v47+s11+$0x0], $0xffff  }
0x23f: {  	v60 =	vmul.f32 v58, v37;
	v59 =	vld.idx.msk [tilespmem:v47+s12+$0x0], $0xffff;
	v34 =	vadd.f32 v56, v34  }
0x240: {  	v61 =	vunpack.i.l.bf16.f32 v49;
	v62 =	vunpack.i.l.bf16.f32 v51  }
0x241: {  	v63 =	vor.u32 v21, v33;
	v44 =	vmul.f32 v62, v61;
	v34 =	vadd.f32 v34, v60  }
0x242: {  	v38 =	vunpack.i.u.bf16.f32 v49;
	v46 =	vunpack.i.u.bf16.f32 v51;
	v45 =	vld.idx.msk [tilespmem:v55+s11+$0x0], $0xffff  }
0x243: {  	v47 =	vld.idx.msk [tilespmem:v55+s12+$0x0], $0xffff;
	v48 =	vmul.f32 v46, v38;
	v34 =	vadd.f32 v44, v34  }
0x244: {  	v49 =	vunpack.i.l.bf16.f32 v57;
	v50 =	vunpack.i.l.bf16.f32 v59  }
0x245: {  	v51 =	vor.u32 v22, v33;
	v52 =	vmul.f32 v50, v49;
	v34 =	vadd.f32 v34, v48  }
0x246: {  	v36 =	vunpack.i.u.bf16.f32 v57;
	v54 =	vunpack.i.u.bf16.f32 v59;
	v53 =	vld.idx.msk [tilespmem:v63+s11+$0x0], $0xffff  }
0x247: {  	v55 =	vld.idx.msk [tilespmem:v63+s12+$0x0], $0xffff;
	v56 =	vmul.f32 v54, v36;
	v34 =	vadd.f32 v52, v34  }
0x248: {  	v57 =	vunpack.i.l.bf16.f32 v45;
	v58 =	vunpack.i.l.bf16.f32 v47  }
0x249: {  	v59 =	vor.u32 v23, v33;
	v60 =	vmul.f32 v58, v57;
	v34 =	vadd.f32 v34, v56  }
0x24a: {  	v61 =	vld.idx.msk [tilespmem:v51+s11+$0x0], $0xffff;
	v37 =	vunpack.i.u.bf16.f32 v45;
	v62 =	vunpack.i.u.bf16.f32 v47  }
0x24b: {  	v63 =	vld.idx.msk [tilespmem:v51+s12+$0x0], $0xffff;
	v45 =	vmul.f32 v62, v37;
	v34 =	vadd.f32 v60, v34  }
0x24c: {  	v46 =	vunpack.i.l.bf16.f32 v53;
	v47 =	vunpack.i.l.bf16.f32 v55  }
0x24d: {  	v49 =	vmul.f32 v47, v46;
	v48 =	vor.u32 v24, v33;
	v34 =	vadd.f32 v34, v45  }
0x24e: {  	v50 =	vld.idx.msk [tilespmem:v59+s11+$0x0], $0xffff;
	v38 =	vunpack.i.u.bf16.f32 v53;
	v51 =	vunpack.i.u.bf16.f32 v55  }
0x24f: {  	v53 =	vmul.f32 v51, v38;
	v52 =	vld.idx.msk [tilespmem:v59+s12+$0x0], $0xffff;
	v34 =	vadd.f32 v49, v34  }
0x250: {  	v54 =	vunpack.i.l.bf16.f32 v61;
	v55 =	vunpack.i.l.bf16.f32 v63  }
0x251: {  	v57 =	vmul.f32 v55, v54;
	v56 =	vor.u32 v25, v33;
	v34 =	vadd.f32 v34, v53  }
0x252: {  	v36 =	vunpack.i.u.bf16.f32 v61;
	v59 =	vunpack.i.u.bf16.f32 v63;
	v58 =	vld.idx.msk [tilespmem:v48+s11+$0x0], $0xffff  }
0x253: {  	v61 =	vmul.f32 v59, v36;
	v60 =	vld.idx.msk [tilespmem:v48+s12+$0x0], $0xffff;
	v34 =	vadd.f32 v57, v34  }
0x254: {  	v62 =	vunpack.i.l.bf16.f32 v50;
	v63 =	vunpack.i.l.bf16.f32 v52  }
0x255: {  	v45 =	vor.u32 v26, v33;
	v46 =	vmul.f32 v63, v62;
	v34 =	vadd.f32 v34, v61  }
0x256: {  	v37 =	vunpack.i.u.bf16.f32 v50;
	v48 =	vunpack.i.u.bf16.f32 v52;
	v47 =	vld.idx.msk [tilespmem:v56+s11+$0x0], $0xffff  }
0x257: {  	v50 =	vmul.f32 v48, v37;
	v49 =	vld.idx.msk [tilespmem:v56+s12+$0x0], $0xffff;
	v34 =	vadd.f32 v46, v34  }
0x258: {  	v51 =	vunpack.i.l.bf16.f32 v58;
	v52 =	vunpack.i.l.bf16.f32 v60  }
0x259: {  	v53 =	vor.u32 v27, v33;
	v54 =	vmul.f32 v52, v51;
	v34 =	vadd.f32 v34, v50  }
0x25a: {  	v38 =	vunpack.i.u.bf16.f32 v58;
	v56 =	vunpack.i.u.bf16.f32 v60;
	v55 =	vld.idx.msk [tilespmem:v45+s11+$0x0], $0xffff  }
0x25b: {  	v58 =	vmul.f32 v56, v38;
	v57 =	vld.idx.msk [tilespmem:v45+s12+$0x0], $0xffff;
	v34 =	vadd.f32 v54, v34  }
0x25c: {  	v59 =	vunpack.i.l.bf16.f32 v47;
	v60 =	vunpack.i.l.bf16.f32 v49  }
0x25d: {  	v61 =	vor.u32 v29, v33;
	v62 =	vmul.f32 v60, v59;
	v34 =	vadd.f32 v34, v58  }
0x25e: {  	v36 =	vunpack.i.u.bf16.f32 v47;
	v44 =	vunpack.i.u.bf16.f32 v49;
	v63 =	vld.idx.msk [tilespmem:v53+s11+$0x0], $0xffff  }
0x25f: {  	v45 =	vld.idx.msk [tilespmem:v53+s12+$0x0], $0xffff;
	v46 =	vmul.f32 v44, v36;
	v34 =	vadd.f32 v62, v34  }
0x260: {  	v47 =	vunpack.i.l.bf16.f32 v55;
	v48 =	vunpack.i.l.bf16.f32 v57  }
0x261: {  	v49 =	vor.u32 v30, v33;
	v50 =	vmul.f32 v48, v47;
	v34 =	vadd.f32 v34, v46  }
0x262: {  	v37 =	vunpack.i.u.bf16.f32 v55;
	v52 =	vunpack.i.u.bf16.f32 v57;
	v51 =	vld.idx.msk [tilespmem:v61+s11+$0x0], $0xffff  }
0x263: {  	v53 =	vld.idx.msk [tilespmem:v61+s12+$0x0], $0xffff;
	v54 =	vmul.f32 v52, v37;
	v34 =	vadd.f32 v50, v34  }
0x264: {  	v55 =	vunpack.i.l.bf16.f32 v63;
	v56 =	vunpack.i.l.bf16.f32 v45  }
0x265: {  	v57 =	vor.u32 v31, v33;
	v58 =	vmul.f32 v56, v55;
	v34 =	vadd.f32 v34, v54  }
0x266: {  	v59 =	vld.idx.msk [tilespmem:v49+s11+$0x0], $0xffff;
	v38 =	vunpack.i.u.bf16.f32 v63;
	v60 =	vunpack.i.u.bf16.f32 v45  }
0x267: {  	v61 =	vld.idx.msk [tilespmem:v49+s12+$0x0], $0xffff;
	v62 =	vmul.f32 v60, v38;
	v34 =	vadd.f32 v58, v34  }
0x268: {  	v63 =	vunpack.i.l.bf16.f32 v51;
	v42 =	vunpack.i.l.bf16.f32 v53  }
0x269: {  	v33 =	vor.u32 v32, v33;
	v44 =	vmul.f32 v42, v63;
	v34 =	vadd.f32 v34, v62  }
0x26a: {  	v45 =	vld.idx.msk [tilespmem:v57+s11+$0x0], $0xffff;
	v36 =	vunpack.i.u.bf16.f32 v51;
	v46 =	vunpack.i.u.bf16.f32 v53  }
0x26b: {  	v47 =	vld.idx.msk [tilespmem:v57+s12+$0x0], $0xffff;
	v48 =	vmul.f32 v46, v36;
	v34 =	vadd.f32 v44, v34  }
0x26c: {  	v49 =	vunpack.i.l.bf16.f32 v59;
	v50 =	vunpack.i.l.bf16.f32 v61  }
0x26d: {  	v51 =	vmul.f32 v50, v49;
	v34 =	vadd.f32 v34, v48  }
0x26e: {  	v52 =	vld.idx.msk [tilespmem:v33+s11+$0x0], $0xffff;
	v37 =	vunpack.i.u.bf16.f32 v59;
	v53 =	vunpack.i.u.bf16.f32 v61  }
0x26f: {  	v33 =	vld.idx.msk [tilespmem:v33+s12+$0x0], $0xffff;
	v54 =	vmul.f32 v53, v37;
	v34 =	vadd.f32 v51, v34  }
0x270: {  	v55 =	vunpack.i.l.bf16.f32 v45;
	v56 =	vunpack.i.l.bf16.f32 v47  }
0x271: {  	v57 =	vmul.f32 v56, v55;
	v34 =	vadd.f32 v34, v54  }
0x272: {  	v59 =	vunpack.i.u.bf16.f32 v47;
	v58 =	vunpack.i.u.bf16.f32 v45  }
0x273: {  	v60 =	vmul.f32 v59, v58;
	v34 =	vadd.f32 v57, v34  }
0x274: {  	v61 =	vunpack.i.l.bf16.f32 v52;
	v62 =	vunpack.i.l.bf16.f32 v33  }
0x275: {  	v63 =	vmul.f32 v62, v61;
	v34 =	vadd.f32 v34, v60  }
0x276: {  	v36 =	vunpack.i.u.bf16.f32 v52;
	v33 =	vunpack.i.u.bf16.f32 v33  }
0x277: {  	v33 =	vmul.f32 v33, v36;
	v34 =	vadd.f32 v63, v34;
	_ =	sdelay $0x1  }
0x278: {  	s28 =	sadd.s32 $0x1, s28;
	v33 =	vadd.f32 v34, v33  }
0x279: {  	p0 =	sne.s32 s28, s8;
	s29 =	sadd.s32 $0x10, s29  }
.Ltmp1:
0x27a: {  	[tilespmem:s29+$0x0] =	vst v33;
	(pc) =	sbr.rel @p0 .LBB2_1-.Ltmp1, $4  }
0x27b: {  	[hbm4b:s7+s1] =	stream.linear.scatter [tilespmem:s26], [sflag:$0x2], $0x200, $0x38;
	[tilespmem:$0x8600] =	vst v63  }
0x27c: {  	_ =	swait.ge [sflag:s9], $0x200  }
0x27d: {  	[sflag:s9] =	ssyncset.done $0x0  }
0x27e: {  	[sflag:s9] =	ssyncadd.s32 $0xFFFFFE00  }
0x27f: {  	_ =	sfence.sel $0x180000  }
0x280: {  	[bflag:$0x0] =	sbarrier.arrive $0xFFFF  }
0x281: {  	p0 =	sne.s32 s2, $0x0;
	_ =	strace $0x9000004D  }
0x282: {  	s0 =	sadd.s32 @!p0 $0x100000, s0;
	[bflag:$0x2] =	sbarrier.arrive $0xFFFF  }
0x283: {  	[sflag:s0] =	ssyncadd.tile.s32 @!p0 $0x1;
	_ =	shalt  }
.Lfunc_end2:
_tile_overlayer_lowered:
.L_overlay_start_2:
0x284: {  	(tag) =	ssettag $0x2  }
0x285: {  	s0 =	rddreg [dreg:$0x0];
	s2 =	stileid.u32  }
0x286: {  	s1 =	rddreg [dreg:$0x1];
	p0 =	sne.s32 s2, $0x0  }
0x287: {  	s3 =	rddreg [dreg:$0x2];
	[bflag:$0x3] =	sbarrier.arrive $0xFFFF;
	s2 =	simm.s32 @!p0 $0x1C02  }
0x288: {  	[timem:s3], [sflag:s2] =	dma.local @!p0 [hbm:s0], s1  }
0x289: {  	s0 =	simm.s32 @!p0 $0x2  }
0x28a: {  	_ =	swait.ge @!p0 [sflag:s0], s1  }
0x28b: {  	s1 =	ssub.s32 @!p0 $0x0, s1;
	[sflag:s0] =	ssyncset.done @!p0 $0x0  }
0x28c: {  	[sflag:s0] =	ssyncadd.s32 @!p0 s1  }
0x28d: {  	[bflag:$0x3] =	sbarrier.arrive $0xFFFF  }
0x28e: {  	_ =	shalt  }

// kernel: sparse-core-data-format-call.1.cloned.1.call-start
scs
called_computation.1_lowered:
.L_overlay_start_0:
0x0: {  	s2 =	sld [smem:$0x3FD9]  }
0x1: {  	s3 =	sld [smem:$0x3FFE];
	_ =	sdelay $0x1  }
0x2: {  	s1 =	srdreg.scid  }
0x3: {  	s0 =	sand.u32 $0x1, s1  }
0x4: {  	s18 =	sshll.u32 s0, $0xA;
	s2 =	sadd.s32 s3, s2  }
0x5: {  	s2 =	sadd.s32 s2, s18  }
0x6: {  	[smem:$0x3FC4] =	sst s2  }
0x7: {  	_ = 	snop  }
0x8: {  	(tm) =	ssettm $0x1  }
0x9: {  	s19 =	sld [smem:$0x3FFB];
	_ =	sdelay $0x3  }
0xa: {  	_ =	strace s19  }
0xb: {  	s2 =	sld [smem:$0x3FFC];
	_ =	sdelay $0x3  }
0xc: {  	_ =	strace s2  }
0xd: {  	s2 =	sld [smem:$0x3FFD];
	_ =	sdelay $0x3  }
0xe: {  	_ =	strace s2  }
0xf: {  	_ =	strace $0x8FFFFFFF  }
0x10: {  	s20 =	sld [smem:$0x3FDB];
	_ =	sdelay $0x1  }
0x11: {  	s21 =	simm.s32 $_scs_section_size  }
0x12: {  	s4 =	simm.s32 $_size__tile_overlayer_lowered;
	s5 =	simm.s32 $_tile_overlayer_lowered  }
0x13: {  	s6 =	simm.s32 $0x1BFF;
	s22 =	sshll.u32 s5, $0x1;
	s3 =	sadd.s32 s21, s20  }
0x14: {  	s23 =	simm.s32 $0x0;
	s4 =	sshll.u32 s4, $0x1;
	s5 =	sadd.s32 s22, s3  }
0x15: {  	[timem:s23], [sflag:s6] =	dma.local [hbm:s5], s4  }
0x16: {  	_ =	swait.ge [sflag:s6], s4  }
0x17: {  	s4 =	ssub.s32 $0x0, s4;
	[sflag:s6] =	ssyncset.done $0x0  }
0x18: {  	[sflag:s6] =	ssyncadd.s32 s4;
	_ =	sdelay $0x1  }
0x19: {  	s24 =	simm.s32 $0x1B8B  }
0x1a: {  	_ =	swait.ge [sflag:s24], $0x1  }
0x1b: {  	[sflag:s24] =	ssyncset.done $0x0  }
0x1c: {  	[sflag:s24] =	ssyncadd.s32 $0xFFFFFFFF  }
0x1d: {  	s4 =	sld [smem:$0x0]  }
0x1e: {  	s5 =	sand.u32 $0xFFFFFFFE, s1  }
0x1f: {  	p0 =	sne.s32 s1, s5  }
0x20: {  	s5 =	sshll.u32 @p0 s5, $0xE  }
0x21: {  	s5 =	sadd.s32 @p0 $0x11B8D, s5;
	s6 =	sshll.u32 @p0 s4, $0x11  }
0x22: {  	s5 =	sor.u32 @p0 s6, s5  }
0x23: {  	[sflag:s5] =	ssyncadd.remote.s32 @p0 $0x1;
	_ =	sdelay $0x1  }
0x24: {  	s5 =	simm.s32 @p0 $0x1B8D  }
0x25: {  	_ =	swait.eq @p0 [sflag:s5], $0x1  }
0x26: {  	[sflag:s5] =	ssyncadd.s32 @p0 $0xFFFFFFFF  }
0x27: {  	s6 =	sshll.u32 @!p0 s1, $0xE  }
0x28: {  	s6 =	sor.u32 @!p0 $0x4000, s6;
	s5 =	simm.s32 @!p0 $0x1B8D  }
0x29: {  	s4 =	sshll.u32 @!p0 s4, $0x11;
	s6 =	sadd.s32 @!p0 $0x11B8D, s6;
	_ =	swait.eq @!p0 [sflag:s5], $0x1  }
0x2a: {  	s4 =	sor.u32 @!p0 s4, s6;
	[sflag:s5] =	ssyncadd.s32 @!p0 $0xFFFFFFFF  }
0x2b: {  	s26 =	simm.s32 $0x1B8E;
	s25 =	sld [smem:$0x3FFE];
	[sflag:s4] =	ssyncadd.remote.s32 @!p0 $0x1  }
0x2c: {  	s27 =	simm.s32 $execute0_lowered;
	[smem:$0x3FD2] =	sst s26  }
0x2d: {  	s5 =	sshll.u32 s27, $0x1;
	_ =	strace $0x80000049;
	[dreg:$0x1] =	wrdreg $0xFFFFFFFF  }
0x2e: {  	s28 =	simm.s32 $_size_execute0_lowered;
	s3 =	sadd.s32 s3, s5;
	[dreg:$0x0] =	wrdreg $0x0  }
0x2f: {  	s5 =	sshll.u32 s28, $0x1;
	[dreg:$0x2] =	wrdreg s3  }
0x30: {  	[dreg:$0x3] =	wrdreg s5  }
0x31: {  	[dreg:$0x4] =	wrdreg $0xC0  }
0x32: {  	_ =	task [dreg:s23], $0x5FFFF  }
0x33: {  	[dreg:$0x1] =	wrdreg $0xFFFFFFFF  }
0x34: {  	[dreg:$0x0] =	wrdreg $0x60  }
0x35: {  	[dreg:$0x2] =	wrdreg s25  }
0x36: {  	[dreg:$0x3] =	wrdreg $0xA  }
0x37: {  	_ =	task.clear_ibuf [dreg:s23], $0x4FFFF;
	_ =	strace $0x90000049  }
0x38: {  	s29 =	simm.s32 $0xA;
	_ =	strace $0x8000004B  }
0x39: {  	_ =	swait.ge [sflag:s29], $0x1  }
0x3a: {  	[sflag:s29] =	ssyncadd.s32 $0xFFFFFFFF  }
0x3b: {  	_ =	strace $0x9000004B  }
0x3c: {  	_ =	sfence  }
0x3d: {  	s30 =	sld [smem:$0x0];
	_ =	sdelay $0x2  }
0x3e: {  	s31 =	sshll.u32 s1, $0xD;
	s1 =	sshrl.u32 s1, $0x2  }
0x3f: {  	s4 =	sand.u32 $0x4000, s31;
	s1 =	sadd.s32 s1, s30  }
0x40: {  	s0 =	sor.u32 s4, s0;
	s1 =	sshll.u32 s1, $0x11  }
0x41: {  	s0 =	sor.u32 s1, s0  }
0x42: {  	s0 =	sadd.s32 $0x8F2B, s0  }
0x43: {  	[sflag:s0] =	ssyncadd.remote.s32 $0x1  }
0x44: {  	_ =	sfence.sel $0xFFFF  }
0x45: {  	[dreg:$0x0] =	wrdreg $0xFFFFFFFF;
	(pc) =	sbr.abs _section_cstart, $3  }
0x46: {  	[dreg:$0x1] =	wrdreg $0xFFFFFFFF  }
0x47: {  	_ =	task.clear_ibuf [dreg:s23], $0x2FFFF;
	_ =	strace $0x9FFFFFFF  }
0x48: {  	(tm) =	ssettm $0x7FFFFFFF  }
0x49: {  	_ =	shalt  }
tec
execute0_lowered:
.L_overlay_start_1:
0x0: {  	(tag) =	ssettag $0x1  }
0x1: {  	s0 =	srdreg.scid  }
0x2: {  	s5 =	rddreg [dreg:$0x0];
	s1 =	stileid.u32;
	s4 =	simm.s32 $0x1  }
0x3: {  	s6 =	simm.s32 $0x2;
	s15 =	simm.s32 $0x0;
	p0 =	por $0x0, $0x0  }
0x4: {  	s8 =	simm.s32 $0x80;
	s14 =	simm.s32 $0x0;
	s2 =	sshll.u32 s0, $0x4  }
0x5: {  	s9 =	simm.s32 $0x0;
	s10 =	simm.s32 $0x0;
	s2 =	sand.u32 $0x10, s2  }
.Ltmp0:
0x6: {  	s12 =	simm.s32 $0x0;
	s3 =	sor.u32 s1, s2;
	(pc) =	sbr.rel .LBB1_1-.Ltmp0, $4  }
0x7: {  	s0 =	rddreg [dreg:$0x1];
	_ =	strace $0x8000004A;
	s3 =	sshll.u32 s3, $0x7  }
0x8: {  	s13 =	simm.s32 $0x0;
	[sflag:s4] =	ssyncpa.u1 $0x0;
	s7 =	ssub.s32 $0xF4200, s3  }
0x9: {  	s2 =	sadd.s32 $0x16E3A00, s5;
	[sflag:s6] =	ssyncpa.u1 $0x0;
	s6 =	sshrl.u32 s7, $0xC  }
0xa: {  	s5 =	sadd.s32 $0x1AB4400, s5;
	s11 =	smov.u32 s3;
	s7 =	sadd.s32 $0x2, s6  }
.LBB1_5:
0xb: {  	p1 =	slt.u32 s13, $0x2  }
0xc: {  	s17 =	smov.u32 s15;
	p2 =	sgt.s32 @!p1 s15, $0xF41C0;
	s16 =	sshra.s32 @!p1 s15, $0x1F  }
0xd: {  	p3 =	sgt.s32 @!p1 s14, $0x60;
	s18 =	sshra.s32 @!p1 s14, $0x1F;
	p2 =	por !p2, p1  }
0xe: {  	s15 =	sand.u32 @!p1 s16, s15;
	p3 =	por !p3, p1;
	s16 =	smov.u32 s14  }
0xf: {  	s14 =	sand.u32 @!p1 s18, s14;
	s17 =	simm.s32 @p2 $0xF41C0;
	s16 =	simm.s32 @p3 $0x60  }
0x10: {  	s15 =	ssub.s32 @!p1 s17, s15;
	s14 =	ssub.s32 @!p1 s16, s14  }
0x11: {  	s18 =	smov.u32 s12;
	s16 =	sadd.s32 @!p1 $0xFFF0BE40, s15;
	s17 =	sadd.s32 @!p1 $0xFFFFFFA0, s14  }
0x12: {  	s15 =	ssub.s32 @!p1 $0xF4240, s15;
	p2 =	sgt.s32 @!p1 s16, $0x7F;
	p3 =	sgt.s32 @!p1 s17, $0x1F  }
0x13: {  	s14 =	ssub.s32 @!p1 $0x80, s14;
	p2 =	por !p2, p1;
	p3 =	por !p3, p1  }
0x14: {  	s16 =	sadd.s32 $0x1000, s11;
	s15 =	simm.s32 @!p2 $0x0;
	s14 =	simm.s32 @!p3 $0x0  }
0x15: {  	p2 =	sgt.s32 s16, $0xF423F;
	s14 =	smul.u32 @!p1 s14, s15;
	s15 =	sadd.s32 $0x20, s12  }
0x16: {  	s18 =	smov.u32 @p2 s15  }
0x17: {  	s16 =	smov.u32 @p2 s3;
	p2 =	sgt.s32 s18, $0x1F  }
0x18: {  	s18 =	simm.s32 @p2 $0x0;
	p2 =	sne.s32 s13, s7  }
.Ltmp1:
0x19: {  	p0 =	por !p0, !p0;
	s17 =	simm.s32 @!p1 $0x2;
	(pc) =	sbr.rel @!p2 .LBB1_6-.Ltmp1, $4  }
0x1a: {  	s15 =	smov.u32 s9;
	s9 =	smov.u32 s11;
	s14 =	sand.u32 @!p1 $0x3FFFFFFF, s14  }
0x1b: {  	s11 =	smov.u32 s16;
	_ =	swait.ge @!p1 [sflag:s17], s14;
	s19 =	ssub.s32 @!p1 $0x0, s14  }
0x1c: {  	s14 =	smov.u32 s10;
	s13 =	sadd.s32 $0x1, s13;
	[sflag:s17] =	ssyncset.done @!p1 $0x0  }
0x1d: {  	s10 =	smov.u32 s12;
	s12 =	smov.u32 s18;
	[sflag:s17] =	ssyncadd.s32 @!p1 s19  }
.LBB1_1:
0x1e: {  	p1 =	sgt.u32 s13, s6  }
0x1f: {  	s16 =	sshrl.u32 @!p1 s12, $0x3  }
0x20: {  	s17 =	sshll.u32 @!p1 s11, $0x3;
	s16 =	smul.u32 @!p1 $0x7A1400, s16  }
0x21: {  	s18 =	sshll.u32 @!p1 s12, $0x7;
	s17 =	sand.u32 @!p1 $0xFFFFFC00, s17  }
0x22: {  	s16 =	sadd.s32 @!p1 s16, s17;
	s17 =	sand.u32 @!p1 $0x380, s18  }
0x23: {  	s18 =	sand.u32 @!p1 $0x7F, s11;
	s16 =	sor.u32 @!p1 s17, s16  }
0x24: {  	s17 =	sor.u32 @!p1 s18, s16  }
0x25: {  	s18 =	smulhi.u32 @!p1 $0x218D6287, s17;
	_ =	sdelay $0x1  }
0x26: {  	s16 =	smulhi.u32 @!p1 $0x218D6287, s16;
	s18 =	sshrl.u32 @!p1 s18, $0x11  }
0x27: {  	s18 =	smul.u32 @!p1 $0xF4280, s18  }
0x28: {  	s19 =	sxor.u32 @!p1 $0xFFFFFFFF, s13;
	s16 =	sshrl.u32 @!p1 s16, $0x11  }
0x29: {  	s19 =	sshll.u32 @!p1 s19, $0xC;
	s16 =	sand.u32 @!p1 $0x1F, s16;
	s17 =	ssub.s32 @!p1 s17, s18  }
0x2a: {  	s16 =	smul.u32 @!p1 $0x1E850, s16;
	s18 =	sshrl.u32 @!p1 s17, $0x3;
	s17 =	sand.u32 @!p1 $0x7, s17  }
0x2b: {  	s19 =	sand.u32 @!p1 $0x1000, s19;
	s18 =	sadd.s32 @!p1 s2, s18;
	s17 =	sshll.u32 @!p1 s17, $0x12  }
0x2c: {  	s16 =	sadd.s32 @!p1 s16, s18;
	s17 =	sor.u32 @!p1 $0x400, s17;
	s18 =	simm.s32 @!p1 $0x7A1400  }
0x2d: {  	[tilespmem:s19], [sflag:$0x1] =	stream.strided.gather @!p1 [hbm4b:s16+s17], $0x1000, s18, s17, $0x38;
	[tilespmem:$0x4100] =	vst v63  }
0x2e: {  	p1 =	seq.s32 s13, $0x0  }
0x2f: {  	p2 =	sge.u32 @!p1 s13, s7  }
0x30: {  	p1 =	por p1, p2  }
.Ltmp2:
0x31: {  	_ = 	snop;
	(pc) =	sbr.rel @p1 .LBB1_5-.Ltmp2, $1  }
0x32: {  	_ =	sdelay $0x3  }
0x33: {  	s16 =	simm.s32 $0x1  }
0x34: {  	_ =	swait.ge [sflag:s4], $0x1000;
	s16 =	simm.s32 @!p0 $0x0  }
0x35: {  	[sflag:s4] =	ssyncset.done $0x0;
	s17 =	sshll.u32 s16, $0xC  }
0x36: {  	[sflag:s4] =	ssyncadd.s32 $0xFFFFF000;
	s17 =	sor.u32 $0x40, s17  }
0x37: {  	s16 =	smul.u32 $0x4200, s16;
	v0 =	vld [tilespmem:s17+$0x30]  }
0x38: {  	v1 =	vld [tilespmem:s17+$0xFFFFFFD0]  }
0x39: {  	s16 =	sshrl.u32 s16, $0x2;
	v5 =	vld [tilespmem:s17+$0xFFFFFFE0]  }
0x3a: {  	v6 =	vld [tilespmem:s17+$0xFFFFFFF0];
	s19 =	sor.u32 $0x2000, s16  }
0x3b: {  	s31 =	sand.u32 $0x1, s13;
	v4 =	vld [tilespmem:s17+$0x0];
	s18 =	sadd.s32 $0x0, s19  }
0x3c: {  	v3 =	vld [tilespmem:s17+$0x10];
	s16 =	smul.u32 $0x4200, s31;
	[tilespmem:s18+$0xE70 ss:$0x21] =	vst.msk $0xffff, v0  }
0x3d: {  	v2 =	vld [tilespmem:s17+$0x20];
	[tilespmem:s18+$0x210 ss:$0x21] =	vst.msk $0xffff, v1  }
0x3e: {  	s16 =	sshrl.u32 s16, $0x2;
	v1 =	vld [tilespmem:s17+$0xFFFFFFC0];
	[tilespmem:s18+$0x420 ss:$0x21] =	vst.msk $0xffff, v5;
	s17 =	sadd.s32 $0x80, s17  }
0x3f: {  	s20 =	simm.s32 $0x4;
	s21 =	simm.s32 $0x8;
	s16 =	sor.u32 $0x2000, s16;
	[tilespmem:s18+$0x630 ss:$0x21] =	vst.msk $0xffff, v6;
	v0 =	vld [tilespmem:s17+$0x30]  }
.LBB1_3:
0x40: {  	p1 =	sne.s32 s21, $0x7C;
	v5 =	vld [tilespmem:s17+$0xFFFFFFD0];
	[tilespmem:s18+$0x840 ss:$0x21] =	vst.msk $0xffff, v4  }
0x41: {  	v6 =	vld [tilespmem:s17+$0xFFFFFFE0];
	[tilespmem:s18+$0xA50 ss:$0x21] =	vst.msk $0xffff, v3  }
0x42: {  	s22 =	sshra.s32 s20, $0x2;
	s20 =	smov.u32 s21;
	v7 =	vld [tilespmem:s17+$0xFFFFFFF0];
	[tilespmem:s18+$0xC60 ss:$0x21] =	vst.msk $0xffff, v2  }
.Ltmp3:
0x43: {  	v4 =	vld [tilespmem:s17+$0x0];
	[tilespmem:s18+$0x0 ss:$0x21] =	vst.msk $0xffff, v1;
	s18 =	sadd.s32 s22, s19;
	(pc) =	sbr.rel @p1 .LBB1_3-.Ltmp3, $4  }
0x44: {  	v3 =	vld [tilespmem:s17+$0x10];
	[tilespmem:s18+$0xE70 ss:$0x21] =	vst.msk $0xffff, v0  }
0x45: {  	[tilespmem:s18+$0x210 ss:$0x21] =	vst.msk $0xffff, v5;
	v2 =	vld [tilespmem:s17+$0x20]  }
0x46: {  	v1 =	vld [tilespmem:s17+$0xFFFFFFC0];
	[tilespmem:s18+$0x420 ss:$0x21] =	vst.msk $0xffff, v6;
	s17 =	sadd.s32 $0x80, s17  }
0x47: {  	s21 =	sadd.s32 $0x4, s21;
	v0 =	vld [tilespmem:s17+$0x30];
	[tilespmem:s18+$0x630 ss:$0x21] =	vst.msk $0xffff, v7  }
0x48: {  	s21 =	sshll.u32 s9, $0x7;
	s22 =	sshll.u32 s10, $0x3;
	s20 =	sshra.s32 s20, $0x2  }
0x49: {  	p1 =	sgt.s32 s9, $0xF41C0;
	s30 =	sshra.s32 s9, $0x1F;
	s25 =	sshra.s32 s10, $0x1F  }
0x4a: {  	v5 =	vld [tilespmem:s17+$0xFFFFFFD0];
	s28 =	sshrl.u32 s10, $0x3;
	s23 =	sand.u32 $0xFFFFFC00, s21;
	s22 =	sand.u32 $0xFFFFFC00, s22  }
0x4b: {  	[tilespmem:s18+$0x840 ss:$0x21] =	vst.msk $0xffff, v4;
	v58 =	vld [tilespmem:s17+$0xFFFFFFE0];
	s21 =	sand.u32 $0x380, s21;
	s19 =	sadd.s32 s20, s19;
	s22 =	sadd.s32 s22, s23  }
0x4c: {  	v59 =	vld [tilespmem:s17+$0xFFFFFFF0];
	[tilespmem:s18+$0xA50 ss:$0x21] =	vst.msk $0xffff, v3;
	s29 =	sor.u32 s21, s22;
	s21 =	smov.u32 s9;
	s22 =	sand.u32 s30, s9  }
0x4d: {  	v60 =	vld [tilespmem:s17+$0x0];
	[tilespmem:s18+$0xC60 ss:$0x21] =	vst.msk $0xffff, v2;
	s30 =	sand.u32 $0x7, s10;
	s20 =	sshrl.u32 s29, $0x7;
	s21 =	simm.s32 @!p1 $0xF41C0  }
0x4e: {  	v61 =	vld [tilespmem:s17+$0x10];
	[tilespmem:s18+$0x0 ss:$0x21] =	vst.msk $0xffff, v1;
	p1 =	sgt.s32 s10, $0x60;
	s24 =	ssub.s32 s21, s22;
	s21 =	smov.u32 s10  }
0x4f: {  	v62 =	vld [tilespmem:s17+$0x20];
	[tilespmem:s19+$0xE70 ss:$0x21] =	vst.msk $0xffff, v0;
	s31 =	smulhi.u32 $0x218DEF5, s20;
	s22 =	sand.u32 s25, s10;
	s21 =	simm.s32 @!p1 $0x60  }
0x50: {  	v63 =	vld [tilespmem:s17+$0xFFFFFFC0];
	[tilespmem:s19+$0x210 ss:$0x21] =	vst.msk $0xffff, v5;
	s26 =	sadd.s32 $0xFFF0BE40, s24;
	s17 =	ssub.s32 $0xF4240, s24;
	s21 =	ssub.s32 s21, s22  }
0x51: {  	[tilespmem:s19+$0x420 ss:$0x21] =	vst.msk $0xffff, v58;
	s23 =	sshrl.u32 s31, $0xD;
	p1 =	sgt.s32 s26, $0x7F;
	s27 =	sadd.s32 $0xFFFFFFA0, s21  }
0x52: {  	[tilespmem:s19+$0x630 ss:$0x21] =	vst.msk $0xffff, v59;
	s23 =	smul.u32 $0xF4240, s23;
	s18 =	ssub.s32 $0x80, s21;
	p2 =	sgt.s32 s27, $0x1F  }
.Ltmp4:
0x53: {  	[tilespmem:s19+$0x840 ss:$0x21] =	vst.msk $0xffff, v60;
	s17 =	simm.s32 @p1 $0x0;
	s18 =	simm.s32 @p2 $0x0;
	(pc) =	sbr.rel .LBB1_5-.Ltmp4, $4  }
0x54: {  	s29 =	sand.u32 $0xF, s28;
	[tilespmem:s19+$0xA50 ss:$0x21] =	vst.msk $0xffff, v61;
	s20 =	ssub.s32 s20, s23;
	s17 =	smul.u32 s18, s17  }
0x55: {  	[tilespmem:s19+$0xC60 ss:$0x21] =	vst.msk $0xffff, v62;
	s21 =	sshll.u32 s30, $0x12;
	s20 =	sshll.u32 s20, $0x4;
	s18 =	sadd.s32 s5, s29  }
0x56: {  	[tilespmem:s19+$0x0 ss:$0x21] =	vst.msk $0xffff, v63;
	s31 =	sor.u32 $0x20, s21;
	s18 =	sadd.s32 s20, s18;
	s17 =	sand.u32 $0x3FFFFFFF, s17  }
0x57: {  	[hbm4b:s18+s31] =	stream.strided.scatter [tilespmem:s16], [sflag:$0x2], s17, s8, s31, $0x10;
	[tilespmem:$0x4100] =	vst v63  }
.LBB1_6:
0x58: {  	_ =	sfence.sel $0x180000  }
0x59: {  	s2 =	simm.s32 $0x1;
	[bflag:$0x0] =	sbarrier.arrive $0xFFFF  }
0x5a: {  	s31 =	simm.s32 $0x2;
	[sflag:s2] =	ssyncpa.u1 $0x1  }
0x5b: {  	[sflag:s31] =	ssyncpa.u1 $0x1  }
0x5c: {  	p0 =	sne.s32 s1, $0x0;
	_ =	strace $0x9000004A  }
0x5d: {  	s0 =	sadd.s32 @!p0 $0x100000, s0;
	[bflag:$0x2] =	sbarrier.arrive $0xFFFF  }
0x5e: {  	[sflag:s0] =	ssyncadd.tile.s32 @!p0 $0x1;
	_ =	shalt  }
.Lfunc_end1:
_tile_overlayer_lowered:
.L_overlay_start_2:
0x5f: {  	(tag) =	ssettag $0x2  }
0x60: {  	s0 =	rddreg [dreg:$0x0];
	s2 =	stileid.u32  }
0x61: {  	s1 =	rddreg [dreg:$0x1];
	p0 =	sne.s32 s2, $0x0  }
0x62: {  	s3 =	rddreg [dreg:$0x2];
	[bflag:$0x3] =	sbarrier.arrive $0xFFFF;
	s2 =	simm.s32 @!p0 $0x1C01  }
0x63: {  	[timem:s3], [sflag:s2] =	dma.local @!p0 [hbm:s0], s1  }
0x64: {  	s0 =	simm.s32 @!p0 $0x1  }
0x65: {  	_ =	swait.ge @!p0 [sflag:s0], s1  }
0x66: {  	s1 =	ssub.s32 @!p0 $0x0, s1;
	[sflag:s0] =	ssyncset.done @!p0 $0x0  }
0x67: {  	[sflag:s0] =	ssyncadd.s32 @!p0 s1  }
0x68: {  	[bflag:$0x3] =	sbarrier.arrive $0xFFFF  }
0x69: {  	_ =	shalt  }

// kernel: sparse-core-data-format-call.cloned.1.call-start
scs
called_computation_lowered:
.L_overlay_start_0:
0x0: {  	s1 =	sld [smem:$0x3FD9]  }
0x1: {  	s2 =	sld [smem:$0x3FFE];
	_ =	sdelay $0x1  }
0x2: {  	s3 =	srdreg.scid  }
0x3: {  	s0 =	sand.u32 $0x1, s3  }
0x4: {  	s17 =	sshll.u32 s0, $0xA;
	s1 =	sadd.s32 s2, s1  }
0x5: {  	s1 =	sadd.s32 s1, s17  }
0x6: {  	[smem:$0x3FC4] =	sst s1  }
0x7: {  	_ = 	snop  }
0x8: {  	(tm) =	ssettm $0x1  }
0x9: {  	s18 =	sld [smem:$0x3FFB];
	_ =	sdelay $0x3  }
0xa: {  	_ =	strace s18  }
0xb: {  	s1 =	sld [smem:$0x3FFC];
	_ =	sdelay $0x3  }
0xc: {  	_ =	strace s1  }
0xd: {  	s1 =	sld [smem:$0x3FFD];
	_ =	sdelay $0x3  }
0xe: {  	_ =	strace s1  }
0xf: {  	_ =	strace $0x8FFFFFFF  }
0x10: {  	s19 =	sld [smem:$0x3FDB];
	_ =	sdelay $0x1  }
0x11: {  	s20 =	simm.s32 $_scs_section_size  }
0x12: {  	s4 =	simm.s32 $_size__tile_overlayer_lowered;
	s5 =	simm.s32 $_tile_overlayer_lowered  }
0x13: {  	s23 =	simm.s32 $0x1BFF;
	s22 =	sshll.u32 s5, $0x1;
	s1 =	sadd.s32 s20, s19  }
0x14: {  	s6 =	simm.s32 $0x0;
	s21 =	sshll.u32 s4, $0x1;
	s4 =	sadd.s32 s22, s1  }
0x15: {  	[timem:s6], [sflag:s23] =	dma.local [hbm:s4], s21  }
0x16: {  	_ =	swait.ge [sflag:s23], s21  }
0x17: {  	s2 =	ssub.s32 $0x0, s21;
	[sflag:s23] =	ssyncset.done $0x0  }
0x18: {  	[sflag:s23] =	ssyncadd.s32 s2;
	_ =	sdelay $0x1  }
0x19: {  	s24 =	simm.s32 $0x1B8B  }
0x1a: {  	_ =	swait.ge [sflag:s24], $0x1  }
0x1b: {  	[sflag:s24] =	ssyncset.done $0x0  }
0x1c: {  	s26 =	simm.s32 $0x1B8E;
	s25 =	sld [smem:$0x3FFE];
	[sflag:s24] =	ssyncadd.s32 $0xFFFFFFFF  }
0x1d: {  	s27 =	simm.s32 $execute0_lowered;
	[smem:$0x3FD2] =	sst s26  }
0x1e: {  	s4 =	sshll.u32 s27, $0x1;
	_ =	strace $0x80000046;
	[dreg:$0x1] =	wrdreg $0xFFFFFFFF  }
0x1f: {  	s28 =	simm.s32 $_size_execute0_lowered;
	s1 =	sadd.s32 s1, s4;
	[dreg:$0x0] =	wrdreg $0x0  }
0x20: {  	s4 =	sshll.u32 s28, $0x1;
	[dreg:$0x2] =	wrdreg s1  }
0x21: {  	[dreg:$0x3] =	wrdreg s4  }
0x22: {  	[dreg:$0x4] =	wrdreg $0xC0  }
0x23: {  	_ =	task [dreg:s6], $0x5FFFF  }
0x24: {  	[dreg:$0x1] =	wrdreg $0xFFFFFFFF  }
0x25: {  	[dreg:$0x0] =	wrdreg $0x60  }
0x26: {  	[dreg:$0x2] =	wrdreg s25  }
0x27: {  	[dreg:$0x3] =	wrdreg $0x9  }
0x28: {  	_ =	task.clear_ibuf [dreg:s6], $0x4FFFF;
	_ =	strace $0x90000046  }
0x29: {  	s29 =	simm.s32 $0x9;
	_ =	strace $0x80000048  }
0x2a: {  	_ =	swait.ge [sflag:s29], $0x1  }
0x2b: {  	[sflag:s29] =	ssyncadd.s32 $0xFFFFFFFF  }
0x2c: {  	_ =	strace $0x90000048  }
0x2d: {  	_ =	sfence  }
0x2e: {  	s30 =	sld [smem:$0x0];
	_ =	sdelay $0x2  }
0x2f: {  	s31 =	sshll.u32 s3, $0xD;
	s3 =	sshrl.u32 s3, $0x2  }
0x30: {  	s2 =	sand.u32 $0x4000, s31;
	s1 =	sadd.s32 s3, s30  }
0x31: {  	s0 =	sor.u32 s2, s0;
	s1 =	sshll.u32 s1, $0x11  }
0x32: {  	s0 =	sor.u32 s1, s0  }
0x33: {  	s0 =	sadd.s32 $0x8F2B, s0  }
0x34: {  	[sflag:s0] =	ssyncadd.remote.s32 $0x1  }
0x35: {  	_ =	sfence.sel $0xFFFF  }
0x36: {  	[dreg:$0x0] =	wrdreg $0xFFFFFFFF;
	(pc) =	sbr.abs _section_cstart, $3  }
0x37: {  	[dreg:$0x1] =	wrdreg $0xFFFFFFFF  }
0x38: {  	_ =	task.clear_ibuf [dreg:s6], $0x2FFFF;
	_ =	strace $0x9FFFFFFF  }
0x39: {  	(tm) =	ssettm $0x7FFFFFFF  }
tec
execute0_lowered:
.L_overlay_start_1:
0x0: {  	(tag) =	ssettag $0x1  }
0x1: {  	s0 =	srdreg.scid  }
0x2: {  	s5 =	rddreg [dreg:$0x0];
	s1 =	stileid.u32;
	s4 =	simm.s32 $0x1  }
0x3: {  	s6 =	simm.s32 $0x2;
	s15 =	simm.s32 $0x0;
	p0 =	por $0x0, $0x0  }
0x4: {  	s8 =	simm.s32 $0x80;
	s14 =	simm.s32 $0x0;
	s2 =	sshll.u32 s0, $0x4  }
0x5: {  	s9 =	simm.s32 $0x0;
	s10 =	simm.s32 $0x0;
	s2 =	sand.u32 $0x10, s2  }
.Ltmp0:
0x6: {  	s12 =	simm.s32 $0x0;
	s3 =	sor.u32 s1, s2;
	(pc) =	sbr.rel .LBB1_1-.Ltmp0, $4  }
0x7: {  	s0 =	rddreg [dreg:$0x1];
	_ =	strace $0x80000047;
	s3 =	sshll.u32 s3, $0x7  }
0x8: {  	s13 =	simm.s32 $0x0;
	[sflag:s4] =	ssyncpa.u1 $0x0;
	s7 =	ssub.s32 $0xF4200, s3  }
0x9: {  	s2 =	sadd.s32 $0x3D0C00, s5;
	[sflag:s6] =	ssyncpa.u1 $0x0;
	s6 =	sshrl.u32 s7, $0xC  }
0xa: {  	s5 =	sadd.s32 $0x7A1600, s5;
	s11 =	smov.u32 s3;
	s7 =	sadd.s32 $0x2, s6  }
.LBB1_5:
0xb: {  	p1 =	slt.u32 s13, $0x2  }
0xc: {  	s17 =	smov.u32 s15;
	p2 =	sgt.s32 @!p1 s15, $0xF41C0;
	s16 =	sshra.s32 @!p1 s15, $0x1F  }
0xd: {  	p3 =	sgt.s32 @!p1 s14, $0x60;
	s18 =	sshra.s32 @!p1 s14, $0x1F;
	p2 =	por !p2, p1  }
0xe: {  	s15 =	sand.u32 @!p1 s16, s15;
	p3 =	por !p3, p1;
	s16 =	smov.u32 s14  }
0xf: {  	s14 =	sand.u32 @!p1 s18, s14;
	s17 =	simm.s32 @p2 $0xF41C0;
	s16 =	simm.s32 @p3 $0x60  }
0x10: {  	s15 =	ssub.s32 @!p1 s17, s15;
	s14 =	ssub.s32 @!p1 s16, s14  }
0x11: {  	s18 =	smov.u32 s12;
	s16 =	sadd.s32 @!p1 $0xFFF0BE40, s15;
	s17 =	sadd.s32 @!p1 $0xFFFFFFA0, s14  }
0x12: {  	s15 =	ssub.s32 @!p1 $0xF4240, s15;
	p2 =	sgt.s32 @!p1 s16, $0x7F;
	p3 =	sgt.s32 @!p1 s17, $0x1F  }
0x13: {  	s14 =	ssub.s32 @!p1 $0x80, s14;
	p2 =	por !p2, p1;
	p3 =	por !p3, p1  }
0x14: {  	s16 =	sadd.s32 $0x1000, s11;
	s15 =	simm.s32 @!p2 $0x0;
	s14 =	simm.s32 @!p3 $0x0  }
0x15: {  	p2 =	sgt.s32 s16, $0xF423F;
	s14 =	smul.u32 @!p1 s14, s15;
	s15 =	sadd.s32 $0x20, s12  }
0x16: {  	s18 =	smov.u32 @p2 s15  }
0x17: {  	s16 =	smov.u32 @p2 s3;
	p2 =	sgt.s32 s18, $0x1F  }
0x18: {  	s18 =	simm.s32 @p2 $0x0;
	p2 =	sne.s32 s13, s7  }
.Ltmp1:
0x19: {  	p0 =	por !p0, !p0;
	s17 =	simm.s32 @!p1 $0x2;
	(pc) =	sbr.rel @!p2 .LBB1_6-.Ltmp1, $4  }
0x1a: {  	s15 =	smov.u32 s9;
	s9 =	smov.u32 s11;
	s14 =	sand.u32 @!p1 $0x3FFFFFFF, s14  }
0x1b: {  	s11 =	smov.u32 s16;
	_ =	swait.ge @!p1 [sflag:s17], s14;
	s19 =	ssub.s32 @!p1 $0x0, s14  }
0x1c: {  	s14 =	smov.u32 s10;
	s13 =	sadd.s32 $0x1, s13;
	[sflag:s17] =	ssyncset.done @!p1 $0x0  }
0x1d: {  	s10 =	smov.u32 s12;
	s12 =	smov.u32 s18;
	[sflag:s17] =	ssyncadd.s32 @!p1 s19  }
.LBB1_1:
0x1e: {  	p1 =	sgt.u32 s13, s6  }
0x1f: {  	s16 =	sshrl.u32 @!p1 s12, $0x3  }
0x20: {  	s17 =	sshll.u32 @!p1 s11, $0x3;
	s16 =	smul.u32 @!p1 $0x7A1400, s16  }
0x21: {  	s18 =	sshll.u32 @!p1 s12, $0x7;
	s17 =	sand.u32 @!p1 $0xFFFFFC00, s17  }
0x22: {  	s16 =	sadd.s32 @!p1 s16, s17;
	s17 =	sand.u32 @!p1 $0x380, s18  }
0x23: {  	s18 =	sand.u32 @!p1 $0x7F, s11;
	s16 =	sor.u32 @!p1 s17, s16  }
0x24: {  	s17 =	sor.u32 @!p1 s18, s16  }
0x25: {  	s18 =	smulhi.u32 @!p1 $0x218D6287, s17;
	_ =	sdelay $0x1  }
0x26: {  	s16 =	smulhi.u32 @!p1 $0x218D6287, s16;
	s18 =	sshrl.u32 @!p1 s18, $0x11  }
0x27: {  	s18 =	smul.u32 @!p1 $0xF4280, s18  }
0x28: {  	s19 =	sxor.u32 @!p1 $0xFFFFFFFF, s13;
	s16 =	sshrl.u32 @!p1 s16, $0x11  }
0x29: {  	s19 =	sshll.u32 @!p1 s19, $0xC;
	s16 =	sand.u32 @!p1 $0x1F, s16;
	s17 =	ssub.s32 @!p1 s17, s18  }
0x2a: {  	s16 =	smul.u32 @!p1 $0x1E850, s16;
	s18 =	sshrl.u32 @!p1 s17, $0x3;
	s17 =	sand.u32 @!p1 $0x7, s17  }
0x2b: {  	s19 =	sand.u32 @!p1 $0x1000, s19;
	s18 =	sadd.s32 @!p1 s2, s18;
	s17 =	sshll.u32 @!p1 s17, $0x12  }
0x2c: {  	s16 =	sadd.s32 @!p1 s16, s18;
	s17 =	sor.u32 @!p1 $0x400, s17;
	s18 =	simm.s32 @!p1 $0x7A1400  }
0x2d: {  	[tilespmem:s19], [sflag:$0x1] =	stream.strided.gather @!p1 [hbm4b:s16+s17], $0x1000, s18, s17, $0x38;
	[tilespmem:$0x4100] =	vst v63  }
0x2e: {  	p1 =	seq.s32 s13, $0x0  }
0x2f: {  	p2 =	sge.u32 @!p1 s13, s7  }
0x30: {  	p1 =	por p1, p2  }
.Ltmp2:
0x31: {  	_ = 	snop;
	(pc) =	sbr.rel @p1 .LBB1_5-.Ltmp2, $1  }
0x32: {  	_ =	sdelay $0x3  }
0x33: {  	s16 =	simm.s32 $0x1  }
0x34: {  	_ =	swait.ge [sflag:s4], $0x1000;
	s16 =	simm.s32 @!p0 $0x0  }
0x35: {  	[sflag:s4] =	ssyncset.done $0x0;
	s17 =	sshll.u32 s16, $0xC  }
0x36: {  	[sflag:s4] =	ssyncadd.s32 $0xFFFFF000;
	s17 =	sor.u32 $0x40, s17  }
0x37: {  	s16 =	smul.u32 $0x4200, s16;
	v0 =	vld [tilespmem:s17+$0x30]  }
0x38: {  	v1 =	vld [tilespmem:s17+$0xFFFFFFD0]  }
0x39: {  	s16 =	sshrl.u32 s16, $0x2;
	v5 =	vld [tilespmem:s17+$0xFFFFFFE0]  }
0x3a: {  	v6 =	vld [tilespmem:s17+$0xFFFFFFF0];
	s19 =	sor.u32 $0x2000, s16  }
0x3b: {  	s31 =	sand.u32 $0x1, s13;
	v4 =	vld [tilespmem:s17+$0x0];
	s18 =	sadd.s32 $0x0, s19  }
0x3c: {  	v3 =	vld [tilespmem:s17+$0x10];
	s16 =	smul.u32 $0x4200, s31;
	[tilespmem:s18+$0xE70 ss:$0x21] =	vst.msk $0xffff, v0  }
0x3d: {  	v2 =	vld [tilespmem:s17+$0x20];
	[tilespmem:s18+$0x210 ss:$0x21] =	vst.msk $0xffff, v1  }
0x3e: {  	s16 =	sshrl.u32 s16, $0x2;
	v1 =	vld [tilespmem:s17+$0xFFFFFFC0];
	[tilespmem:s18+$0x420 ss:$0x21] =	vst.msk $0xffff, v5;
	s17 =	sadd.s32 $0x80, s17  }
0x3f: {  	s20 =	simm.s32 $0x4;
	s21 =	simm.s32 $0x8;
	s16 =	sor.u32 $0x2000, s16;
	[tilespmem:s18+$0x630 ss:$0x21] =	vst.msk $0xffff, v6;
	v0 =	vld [tilespmem:s17+$0x30]  }
.LBB1_3:
0x40: {  	p1 =	sne.s32 s21, $0x7C;
	v5 =	vld [tilespmem:s17+$0xFFFFFFD0];
	[tilespmem:s18+$0x840 ss:$0x21] =	vst.msk $0xffff, v4  }
0x41: {  	v6 =	vld [tilespmem:s17+$0xFFFFFFE0];
	[tilespmem:s18+$0xA50 ss:$0x21] =	vst.msk $0xffff, v3  }
0x42: {  	s22 =	sshra.s32 s20, $0x2;
	s20 =	smov.u32 s21;
	v7 =	vld [tilespmem:s17+$0xFFFFFFF0];
	[tilespmem:s18+$0xC60 ss:$0x21] =	vst.msk $0xffff, v2  }
.Ltmp3:
0x43: {  	v4 =	vld [tilespmem:s17+$0x0];
	[tilespmem:s18+$0x0 ss:$0x21] =	vst.msk $0xffff, v1;
	s18 =	sadd.s32 s22, s19;
	(pc) =	sbr.rel @p1 .LBB1_3-.Ltmp3, $4  }
0x44: {  	v3 =	vld [tilespmem:s17+$0x10];
	[tilespmem:s18+$0xE70 ss:$0x21] =	vst.msk $0xffff, v0  }
0x45: {  	[tilespmem:s18+$0x210 ss:$0x21] =	vst.msk $0xffff, v5;
	v2 =	vld [tilespmem:s17+$0x20]  }
0x46: {  	v1 =	vld [tilespmem:s17+$0xFFFFFFC0];
	[tilespmem:s18+$0x420 ss:$0x21] =	vst.msk $0xffff, v6;
	s17 =	sadd.s32 $0x80, s17  }
0x47: {  	s21 =	sadd.s32 $0x4, s21;
	v0 =	vld [tilespmem:s17+$0x30];
	[tilespmem:s18+$0x630 ss:$0x21] =	vst.msk $0xffff, v7  }
0x48: {  	s21 =	sshll.u32 s9, $0x7;
	s22 =	sshll.u32 s10, $0x3;
	s20 =	sshra.s32 s20, $0x2  }
0x49: {  	p1 =	sgt.s32 s9, $0xF41C0;
	s30 =	sshra.s32 s9, $0x1F;
	s25 =	sshra.s32 s10, $0x1F  }
0x4a: {  	v5 =	vld [tilespmem:s17+$0xFFFFFFD0];
	s28 =	sshrl.u32 s10, $0x3;
	s23 =	sand.u32 $0xFFFFFC00, s21;
	s22 =	sand.u32 $0xFFFFFC00, s22  }
0x4b: {  	[tilespmem:s18+$0x840 ss:$0x21] =	vst.msk $0xffff, v4;
	v58 =	vld [tilespmem:s17+$0xFFFFFFE0];
	s21 =	sand.u32 $0x380, s21;
	s19 =	sadd.s32 s20, s19;
	s22 =	sadd.s32 s22, s23  }
0x4c: {  	v59 =	vld [tilespmem:s17+$0xFFFFFFF0];
	[tilespmem:s18+$0xA50 ss:$0x21] =	vst.msk $0xffff, v3;
	s29 =	sor.u32 s21, s22;
	s21 =	smov.u32 s9;
	s22 =	sand.u32 s30, s9  }
0x4d: {  	v60 =	vld [tilespmem:s17+$0x0];
	[tilespmem:s18+$0xC60 ss:$0x21] =	vst.msk $0xffff, v2;
	s30 =	sand.u32 $0x7, s10;
	s20 =	sshrl.u32 s29, $0x7;
	s21 =	simm.s32 @!p1 $0xF41C0  }
0x4e: {  	v61 =	vld [tilespmem:s17+$0x10];
	[tilespmem:s18+$0x0 ss:$0x21] =	vst.msk $0xffff, v1;
	p1 =	sgt.s32 s10, $0x60;
	s24 =	ssub.s32 s21, s22;
	s21 =	smov.u32 s10  }
0x4f: {  	v62 =	vld [tilespmem:s17+$0x20];
	[tilespmem:s19+$0xE70 ss:$0x21] =	vst.msk $0xffff, v0;
	s31 =	smulhi.u32 $0x218DEF5, s20;
	s22 =	sand.u32 s25, s10;
	s21 =	simm.s32 @!p1 $0x60  }
0x50: {  	v63 =	vld [tilespmem:s17+$0xFFFFFFC0];
	[tilespmem:s19+$0x210 ss:$0x21] =	vst.msk $0xffff, v5;
	s26 =	sadd.s32 $0xFFF0BE40, s24;
	s17 =	ssub.s32 $0xF4240, s24;
	s21 =	ssub.s32 s21, s22  }
0x51: {  	[tilespmem:s19+$0x420 ss:$0x21] =	vst.msk $0xffff, v58;
	s23 =	sshrl.u32 s31, $0xD;
	p1 =	sgt.s32 s26, $0x7F;
	s27 =	sadd.s32 $0xFFFFFFA0, s21  }
0x52: {  	[tilespmem:s19+$0x630 ss:$0x21] =	vst.msk $0xffff, v59;
	s23 =	smul.u32 $0xF4240, s23;
	s18 =	ssub.s32 $0x80, s21;
	p2 =	sgt.s32 s27, $0x1F  }
.Ltmp4:
0x53: {  	[tilespmem:s19+$0x840 ss:$0x21] =	vst.msk $0xffff, v60;
	s17 =	simm.s32 @p1 $0x0;
	s18 =	simm.s32 @p2 $0x0;
	(pc) =	sbr.rel .LBB1_5-.Ltmp4, $4  }
0x54: {  	s29 =	sand.u32 $0xF, s28;
	[tilespmem:s19+$0xA50 ss:$0x21] =	vst.msk $0xffff, v61;
	s20 =	ssub.s32 s20, s23;
	s17 =	smul.u32 s18, s17  }
0x55: {  	[tilespmem:s19+$0xC60 ss:$0x21] =	vst.msk $0xffff, v62;
	s21 =	sshll.u32 s30, $0x12;
	s20 =	sshll.u32 s20, $0x4;
	s18 =	sadd.s32 s5, s29  }
0x56: {  	[tilespmem:s19+$0x0 ss:$0x21] =	vst.msk $0xffff, v63;
	s31 =	sor.u32 $0x20, s21;
	s18 =	sadd.s32 s20, s18;
	s17 =	sand.u32 $0x3FFFFFFF, s17  }
0x57: {  	[hbm4b:s18+s31] =	stream.strided.scatter [tilespmem:s16], [sflag:$0x2], s17, s8, s31, $0x10;
	[tilespmem:$0x4100] =	vst v63  }
.LBB1_6:
0x58: {  	_ =	sfence.sel $0x180000  }
0x59: {  	s2 =	simm.s32 $0x1;
	[bflag:$0x0] =	sbarrier.arrive $0xFFFF  }
0x5a: {  	s31 =	simm.s32 $0x2;
	[sflag:s2] =	ssyncpa.u1 $0x1  }
0x5b: {  	[sflag:s31] =	ssyncpa.u1 $0x1  }
0x5c: {  	p0 =	sne.s32 s1, $0x0;
	_ =	strace $0x90000047  }
0x5d: {  	s0 =	sadd.s32 @!p0 $0x100000, s0;
	[bflag:$0x2] =	sbarrier.arrive $0xFFFF  }
0x5e: {  	[sflag:s0] =	ssyncadd.tile.s32 @!p0 $0x1;
	_ =	shalt  }
.Lfunc_end1:
_tile_overlayer_lowered:
.L_overlay_start_2:
0x5f: {  	(tag) =	ssettag $0x2  }
0x60: {  	s0 =	rddreg [dreg:$0x0];
	s2 =	stileid.u32  }
0x61: {  	s1 =	rddreg [dreg:$0x1];
	p0 =	sne.s32 s2, $0x0  }
0x62: {  	s3 =	rddreg [dreg:$0x2];
	[bflag:$0x3] =	sbarrier.arrive $0xFFFF;
	s2 =	simm.s32 @!p0 $0x1C01  }
0x63: {  	[timem:s3], [sflag:s2] =	dma.local @!p0 [hbm:s0], s1  }
0x64: {  	s0 =	simm.s32 @!p0 $0x1  }
0x65: {  	_ =	swait.ge @!p0 [sflag:s0], s1  }
0x66: {  	s1 =	ssub.s32 @!p0 $0x0, s1;
	[sflag:s0] =	ssyncset.done @!p0 $0x0  }
0x67: {  	[sflag:s0] =	ssyncadd.s32 @!p0 s1  }
0x68: {  	[bflag:$0x3] =	sbarrier.arrive $0xFFFF  }
0x69: {  	_ =	shalt  }

</sc_bundles>
